<compile_context>
chip_gen: v7x
topology: tpu7x:2x2x1
jax: 0.10.2.dev20260603
libtpu: 0.0.44.dev20260713+nightly
codegen_flags: <defaults>
</compile_context>

<pallas_src>
import functools

import jax
import jax.numpy as jnp
from jax import lax
from jax.experimental import pallas as pl
from jax.experimental.pallas import tpu as pltpu
from jax.experimental.pallas import tpu_sc as plsc

N = 10000
E = 320000
D_IN = 128
D_HID = 32
D_OUT = 128

NC = 2
NS = 16
NW = NC * NS
L = 16

NPAD = 10112
DUMMY = N
CHUNK = 128
NCHUNK = 80
G = 8
G2 = 2
EP_W = NCHUNK * CHUNK
EPAD = NW * EP_W
ROWS_W = NPAD // NS

_mesh = plsc.VectorSubcoreMesh(core_axis_name="c", subcore_axis_name="s")
_sc_params = pltpu.CompilerParams(needs_layout_passes=False,
                                  use_tc_tiling_on_sc=False)


@functools.partial(
    pl.kernel,
    out_type=jax.ShapeDtypeStruct((NW, NPAD), jnp.float32),
    mesh=_mesh,
    scratch_types=[
        pltpu.VMEM((EP_W,), jnp.int32),
        pltpu.VMEM((NPAD,), jnp.float32),
    ],
    compiler_params=_sc_params,
)
def _sc_degree(dst_hbm, out_hbm, dstv, hist):
    cid = lax.axis_index("c")
    sid = lax.axis_index("s")
    wid = sid * NC + cid
    base = wid * EP_W
    pltpu.sync_copy(dst_hbm.at[pl.ds(base, EP_W)], dstv)

    def zero_body(i, _):
        hist[pl.ds(i * L, L)] = jnp.zeros((L,), jnp.float32)
        return 0

    lax.fori_loop(0, NPAD // L, zero_body, 0)

    ones = jnp.ones((L,), jnp.float32)

    def body(e, _):
        idx = dstv[pl.ds(e * L, L)]
        plsc.addupdate_scatter(hist, [idx], ones)
        return 0

    lax.fori_loop(0, EP_W // L, body, 0)
    pltpu.sync_copy(hist, out_hbm.at[wid])


@functools.partial(
    pl.kernel,
    out_type=jax.ShapeDtypeStruct((NC * NPAD, D_HID), jnp.float32),
    mesh=_mesh,
    scratch_types=[
        pltpu.VMEM_SHARED((NPAD, D_HID), jnp.float32),
        pltpu.VMEM_SHARED((NPAD, D_HID), jnp.float32),
        pltpu.VMEM((NCHUNK, CHUNK), jnp.int32),
        pltpu.VMEM((NCHUNK, CHUNK), jnp.int32),
    ]
    + [pltpu.VMEM((CHUNK, D_HID), jnp.float32)] * (2 * G)
    + [pltpu.SemaphoreType.DMA] * 4,
    compiler_params=_sc_params,
)
def _sc_aggregate(src_hbm, dst_hbm, u_hbm, zero_hbm, out_hbm,
                  sh_u, sh_acc, srcall, dstall, *rest):
    rows = [list(rest[0:G]), list(rest[G:2 * G])]
    gsem = [rest[2 * G], rest[2 * G + 1]]
    ssem = [rest[2 * G + 2], rest[2 * G + 3]]
    cid = lax.axis_index("c")
    sid = lax.axis_index("s")
    r0 = sid * ROWS_W
    wid = sid * NC + cid
    pltpu.sync_copy(src_hbm.at[pl.ds(wid * NCHUNK, NCHUNK)], srcall)
    pltpu.sync_copy(dst_hbm.at[pl.ds(wid * NCHUNK, NCHUNK)], dstall)
    pltpu.sync_copy(u_hbm.at[pl.ds(r0, ROWS_W)], sh_u.at[pl.ds(r0, ROWS_W)])
    pltpu.sync_copy(zero_hbm.at[pl.ds(r0, ROWS_W)],
                    sh_acc.at[pl.ds(r0, ROWS_W)])
    plsc.subcore_barrier()

    def start_gathers(s, gbase):
        for b in range(G):
            pltpu.async_copy(sh_u.at[srcall.at[gbase + b]], rows[s][b],
                             gsem[s])

    def drain_gathers(s, gbase):
        for b in range(G):
            pltpu.make_async_copy(sh_u.at[srcall.at[gbase + b]], rows[s][b],
                                  gsem[s]).wait()

    def start_scatters(s, gbase):
        for b in range(G):
            pltpu.async_copy(rows[s][b], sh_acc.at[dstall.at[gbase + b]],
                             ssem[s], add=True)

    def drain_scatters(s, gbase):
        for b in range(G):
            pltpu.make_async_copy(rows[s][b], sh_acc.at[dstall.at[gbase + b]],
                                  ssem[s]).wait()

    NH = NCHUNK // (2 * G)
    start_gathers(0, 0)

    def outer(h, _):
        ga = 2 * h * G
        gb = ga + G
        drain_gathers(0, ga)
        start_gathers(1, gb)
        start_scatters(0, ga)
        drain_scatters(0, ga)
        drain_gathers(1, gb)

        @pl.when(h + 1 < NH)
        def _():
            start_gathers(0, ga + 2 * G)

        start_scatters(1, gb)
        drain_scatters(1, gb)
        return 0

    lax.fori_loop(0, NH, outer, 0)
    plsc.subcore_barrier()
    pltpu.sync_copy(sh_acc.at[pl.ds(r0, ROWS_W)],
                    out_hbm.at[pl.ds(cid * NPAD + r0, ROWS_W)])


@functools.partial(
    pl.kernel,
    out_type=(
        jax.ShapeDtypeStruct((NC * NPAD, D_HID), jnp.float32),
        jax.ShapeDtypeStruct((NPAD, D_HID), jnp.float32),
    ),
    mesh=_mesh,
    scratch_types=[
        pltpu.VMEM_SHARED((NPAD, D_HID), jnp.float32),
        pltpu.VMEM_SHARED((NPAD, D_HID), jnp.float32),
        pltpu.VMEM((NCHUNK, CHUNK), jnp.int32),
        pltpu.VMEM((NCHUNK, CHUNK), jnp.int32),
        pltpu.VMEM((ROWS_W, D_HID), jnp.float32),
        pltpu.VMEM((ROWS_W, D_HID), jnp.float32),
        pltpu.VMEM((D_HID,), jnp.float32),
    ]
    + [pltpu.VMEM((CHUNK, D_HID), jnp.float32)] * (2 * G2)
    + [pltpu.SemaphoreType.DMA] * 4,
    compiler_params=_sc_params,
)
def _sc_aggregate2(src_hbm, dst_hbm, s1p_hbm, u1_hbm, dis_hbm, b1_hbm,
                   zero_hbm, out_hbm, u2_hbm,
                   sh_u, sh_acc, srcall, dstall, va, vb, vb1,
                   *rest):
    G = G2
    rows = [list(rest[0:G]), list(rest[G:2 * G])]
    gsem = [rest[2 * G], rest[2 * G + 1]]
    ssem = [rest[2 * G + 2], rest[2 * G + 3]]
    cid = lax.axis_index("c")
    sid = lax.axis_index("s")
    r0 = sid * ROWS_W
    wid = sid * NC + cid
    pltpu.sync_copy(src_hbm.at[pl.ds(wid * NCHUNK, NCHUNK)], srcall)
    pltpu.sync_copy(dst_hbm.at[pl.ds(wid * NCHUNK, NCHUNK)], dstall)
    pltpu.sync_copy(s1p_hbm.at[pl.ds(r0, ROWS_W)], va)
    pltpu.sync_copy(b1_hbm, vb1)
    pltpu.sync_copy(zero_hbm.at[pl.ds(r0, ROWS_W)],
                    sh_acc.at[pl.ds(r0, ROWS_W)])
    b1a = vb1[pl.ds(0, L)]
    b1b = vb1[pl.ds(L, L)]

    def accum(r, _):
        for h in (0, L):
            va[r, pl.ds(h, L)] = va[r, pl.ds(h, L)] + vb[r, pl.ds(h, L)]
        return 0

    pltpu.sync_copy(s1p_hbm.at[pl.ds(NPAD + r0, ROWS_W)], vb)
    lax.fori_loop(0, ROWS_W, accum, 0)
    pltpu.sync_copy(u1_hbm.at[pl.ds(r0, ROWS_W)], vb)
    lax.fori_loop(0, ROWS_W, accum, 0)
    pltpu.sync_copy(dis_hbm.at[pl.ds(r0, ROWS_W)], vb)

    def ew(r, _):
        for h, b1v in ((0, b1a), (L, b1b)):
            s = va[r, pl.ds(h, L)]
            d = vb[r, pl.ds(h, L)]
            va[r, pl.ds(h, L)] = d * jnp.maximum(d * s + b1v, 0.0)
        return 0

    lax.fori_loop(0, ROWS_W, ew, 0)
    pltpu.sync_copy(va, sh_u.at[pl.ds(r0, ROWS_W)])

    @pl.when(cid == 0)
    def _():
        pltpu.sync_copy(va, u2_hbm.at[pl.ds(r0, ROWS_W)])

    plsc.subcore_barrier()

    def start_gathers(s, gbase):
        for b in range(G):
            pltpu.async_copy(sh_u.at[srcall.at[gbase + b]], rows[s][b],
                             gsem[s])

    def drain_gathers(s, gbase):
        for b in range(G):
            pltpu.make_async_copy(sh_u.at[srcall.at[gbase + b]], rows[s][b],
                                  gsem[s]).wait()

    def start_scatters(s, gbase):
        for b in range(G):
            pltpu.async_copy(rows[s][b], sh_acc.at[dstall.at[gbase + b]],
                             ssem[s], add=True)

    def drain_scatters(s, gbase):
        for b in range(G):
            pltpu.make_async_copy(rows[s][b], sh_acc.at[dstall.at[gbase + b]],
                                  ssem[s]).wait()

    NH = NCHUNK // (2 * G)
    start_gathers(0, 0)

    def outer(h, _):
        ga = 2 * h * G
        gb = ga + G
        drain_gathers(0, ga)
        start_gathers(1, gb)
        start_scatters(0, ga)
        drain_scatters(0, ga)
        drain_gathers(1, gb)

        @pl.when(h + 1 < NH)
        def _():
            start_gathers(0, ga + 2 * G)

        start_scatters(1, gb)
        drain_scatters(1, gb)
        return 0

    lax.fori_loop(0, NH, outer, 0)
    plsc.subcore_barrier()
    pltpu.sync_copy(sh_acc.at[pl.ds(r0, ROWS_W)],
                    out_hbm.at[pl.ds(cid * NPAD + r0, ROWS_W)])


def _tc_u1_body(x_ref, w_ref, degp_ref, onesw_ref, u1_ref, dis_ref):
    xw = jnp.dot(x_ref[...], w_ref[...], preferred_element_type=jnp.float32)
    deg = lax.dot_general(degp_ref[...], onesw_ref[...],
                          (((0,), (0,)), ((), ())),
                          preferred_element_type=jnp.float32)
    dis = lax.rsqrt(deg + 1.0)
    u1_ref[...] = xw * dis
    dis_ref[...] = jnp.broadcast_to(dis, (NPAD, D_HID))


def _tc_out_body(sp_ref, u2_ref, dis_ref, w2_ref, b2_ref, out_ref):
    z = dis_ref[...] * (sp_ref[0:NPAD, :] + sp_ref[NPAD:2 * NPAD, :]
                        + u2_ref[...])
    out_ref[...] = jnp.dot(z, w2_ref[...],
                           preferred_element_type=jnp.float32) + b2_ref[...]


_tc_u1 = pl.pallas_call(
    _tc_u1_body,
    out_shape=(
        jax.ShapeDtypeStruct((NPAD, D_HID), jnp.float32),
        jax.ShapeDtypeStruct((NPAD, D_HID), jnp.float32),
    ),
)

_tc_out = pl.pallas_call(
    _tc_out_body,
    out_shape=jax.ShapeDtypeStruct((NPAD, D_OUT), jnp.float32),
)


@jax.jit
def kernel(x, edge_index, W1, b1, W2, b2):
    src = edge_index[0].astype(jnp.int32)
    dst = edge_index[1].astype(jnp.int32)
    src = jnp.concatenate(
        [src, jnp.zeros((EPAD - E,), jnp.int32)])
    dst = jnp.concatenate(
        [dst, jnp.full((EPAD - E,), DUMMY, jnp.int32)])
    src2d = src.reshape(NW * NCHUNK, CHUNK)
    dst2d = dst.reshape(NW * NCHUNK, CHUNK)
    x_pad = jnp.concatenate(
        [x, jnp.zeros((NPAD - N, D_IN), jnp.float32)], axis=0)
    zeros_tbl = jnp.zeros((NPAD, D_HID), jnp.float32)
    onesw = jnp.ones((NW, 1), jnp.float32)

    degp = _sc_degree(dst)
    u1, dis = _tc_u1(x_pad, W1, degp, onesw)
    s1 = _sc_aggregate(src2d, dst2d, u1, zeros_tbl)
    s2, u2 = _sc_aggregate2(src2d, dst2d, s1, u1, dis, b1, zeros_tbl)
    out = _tc_out(s2, u2, dis, W2, b2)
    return out[:N]

# --- scband reference (transcript-rebuilt; emitter-appended) ---
"""Pipeline reference for scband-gnnmodel-46901042873050 (READ-ONLY COPY).

The authoritative reference and input builder live on the scoring server;
editing this copy changes nothing except your own understanding.
"""

import jax, jax.numpy as jnp
import numpy as np

N_NODES = 10000
N_EDGES = 320000
D_IN = 128
D_HID = 32
D_OUT = 128


def setup_inputs(seed: int = 0) -> dict:
    key = jax.random.key(seed)
    k1, k2, k3, k4 = jax.random.split(key, 4)
    x = jax.random.normal(k1, (N_NODES, D_IN), dtype=jnp.float32)
    edge_index = jax.random.randint(k2, (2, N_EDGES), 0, N_NODES, dtype=jnp.int64)
    W1 = jax.random.normal(k3, (D_IN, D_HID), dtype=jnp.float32) * (1.0 / np.sqrt(D_IN))
    b1 = jnp.zeros((D_HID,), dtype=jnp.float32)
    W2 = jax.random.normal(k4, (D_HID, D_OUT), dtype=jnp.float32) * (1.0 / np.sqrt(D_HID))
    b2 = jnp.zeros((D_OUT,), dtype=jnp.float32)
    return {"x": x, "edge_index": edge_index, "W1": W1, "b1": b1, "W2": W2, "b2": b2}


def _gcn_conv(x, src, dst, W, b, num_nodes):
    # PyG GCNConv: add self-loops, symmetric normalization D^-1/2 (A+I) D^-1/2, x@W first, then aggregate, then bias
    deg = jnp.zeros((num_nodes,), dtype=x.dtype).at[dst].add(1.0)
    deg_inv_sqrt = jnp.where(deg > 0, 1.0 / jnp.sqrt(deg), 0.0)
    norm = deg_inv_sqrt[src] * deg_inv_sqrt[dst]
    xw = x @ W
    msg = xw[src] * norm[:, None]
    out = jnp.zeros((num_nodes, W.shape[1]), dtype=x.dtype).at[dst].add(msg)
    return out + b


def reference(x, edge_index, W1, b1, W2, b2):
    num_nodes = x.shape[0]
    loop = jnp.arange(num_nodes, dtype=edge_index.dtype)
    src = jnp.concatenate([edge_index[0], loop])
    dst = jnp.concatenate([edge_index[1], loop])
    h = _gcn_conv(x, src, dst, W1, b1, num_nodes)
    h = jax.nn.relu(h)
    out = _gcn_conv(h, src, dst, W2, b2, num_nodes)
    return out

if __name__ == "__main__":
    import jax
    _d = setup_inputs()
    print(jax.jit(kernel)(*tuple(_d.values())))

</pallas_src>

<mosaic_0001>
#map = affine_map<(d0, d1) -> (0)>
#map1 = affine_map<(d0, d1) -> (0, 0)>
module attributes {stable_mosaic.version = 14 : i64} {
  func.func @_sc_degree(%arg0: i32, %arg1: i32, %arg2: memref<327680xi32, #tpu.memory_space<hbm>>, %arg3: memref<32x10112xf32, #tpu.memory_space<hbm>>, %arg4: memref<10240xi32, #tpu.memory_space<vmem>>, %arg5: memref<10112xf32, #tpu.memory_space<vmem>>) attributes {dimension_semantics = [#tpu.dimension_semantics<core_parallel>, #tpu.dimension_semantics<subcore_parallel>], iteration_bounds = array<i64: 2, 16>, scalar_prefetch = 0 : i64, scratch_operands = 2 : i64, tpu.core_type = #tpu.core_type<sc_vector_subcore>, window_params = [{transform_indices = #map}, {transform_indices = #map1}]} {
    %mul3A = arith.constant 2 : i32
    %mul3A_0 = arith.muli %arg1, %mul3A : i32
    %add3A = arith.addi %mul3A_0, %arg0 : i32
    %mul3A_1 = arith.constant 10240 : i32
    %mul3A_2 = arith.muli %add3A, %mul3A_1 : i32
    "tpu.region"() ({
      %run_scoped3A = tpu.sem_alloc : memref<!tpu.dma_semaphore, #tpu.memory_space<semaphore_mem>>
      %dma_start3A = tpu.memref_slice %arg2[%mul3A_2] : memref<327680xi32, #tpu.memory_space<hbm>> -> memref<10240xi32, #tpu.memory_space<hbm>>
      %dma_start3A_17 = tpu.memref_slice %arg2[%mul3A_2] : memref<327680xi32, #tpu.memory_space<hbm>> -> memref<10240xi32, #tpu.memory_space<hbm>>
      tpu.enqueue_dma source(%dma_start3A_17 : memref<10240xi32, #tpu.memory_space<hbm>>) target(%arg4 : memref<10240xi32, #tpu.memory_space<vmem>>) target_semaphore(%run_scoped3A : memref<!tpu.dma_semaphore, #tpu.memory_space<semaphore_mem>>)
      %dma_wait3A = tpu.memref_slice %arg2[%mul3A_2] : memref<327680xi32, #tpu.memory_space<hbm>> -> memref<10240xi32, #tpu.memory_space<hbm>>
      %dma_wait3A_18 = tpu.memref_slice %arg2[%mul3A_2] : memref<327680xi32, #tpu.memory_space<hbm>> -> memref<10240xi32, #tpu.memory_space<hbm>>
      tpu.wait_dma2 semaphore(%run_scoped3A : memref<!tpu.dma_semaphore, #tpu.memory_space<semaphore_mem>>) src(%dma_wait3A_18 : memref<10240xi32, #tpu.memory_space<hbm>>) dst(%arg4 : memref<10240xi32, #tpu.memory_space<vmem>>)
      tpu.yield
    }) : () -> ()
    %scan3A = arith.constant 0 : i32
    %scan3A_3 = arith.constant 0 : i32
    %scan3A_4 = arith.constant 632 : i32
    %scan3A_5 = arith.addi %scan3A_3, %scan3A_4 : i32
    %scan3A_6 = arith.constant 1 : i32
    %scan3A_7 = scf.for %scan3A_17 = %scan3A_3 to %scan3A_5 step %scan3A_6 iter_args(%scan3A_18 = %scan3A) -> (i32)  : i32 {
      %broadcast_in_dim3A_19 = arith.constant 0.000000e+00 : f32
      %broadcast_in_dim3A_20 = vector.broadcast %broadcast_in_dim3A_19 : f32 to vector<16xf32>
      %mul3A_21 = arith.constant 16 : i32
      %mul3A_22 = arith.muli %scan3A_17, %mul3A_21 : i32
      %swap3A = arith.index_cast %mul3A_22 : i32 to index
      %swap3A_23 = tpu.vector_load %arg5[%swap3A] {strides = array<i32>} : memref<10112xf32, #tpu.memory_space<vmem>>, vector<16xf32>,
      tpu.vector_store %arg5[%swap3A], %broadcast_in_dim3A_20 {strides = array<i32>} : memref<10112xf32, #tpu.memory_space<vmem>>, vector<16xf32>,
      %scan3A_24 = arith.constant 0 : i32
      scf.yield %scan3A_24 : i32
    }
    %scan3A_8 = arith.constant 632 : i32
    %broadcast_in_dim3A = arith.constant 1.000000e+00 : f32
    %broadcast_in_dim3A_9 = vector.broadcast %broadcast_in_dim3A : f32 to vector<16xf32>
    %scan3A_10 = arith.constant 0 : i32
    %scan3A_11 = arith.constant 0 : i32
    %scan3A_12 = arith.constant 640 : i32
    %scan3A_13 = arith.addi %scan3A_11, %scan3A_12 : i32
    %scan3A_14 = arith.constant 1 : i32
    %scan3A_15 = scf.for %scan3A_17 = %scan3A_11 to %scan3A_13 step %scan3A_14 iter_args(%scan3A_18 = %scan3A_10) -> (i32)  : i32 {
      %mul3A_19 = arith.constant 16 : i32
      %mul3A_20 = arith.muli %scan3A_17, %mul3A_19 : i32
      %get3A = arith.index_cast %mul3A_20 : i32 to index
      %get3A_21 = tpu.vector_load %arg4[%get3A] {strides = array<i32>} : memref<10240xi32, #tpu.memory_space<vmem>>, vector<16xi32>,
      tpu.vector_store_idx %arg5[%get3A_21], %broadcast_in_dim3A_9 {add = true} : memref<10112xf32, #tpu.memory_space<vmem>>[vector<16xi32>], vector<16xf32>,
      %scan3A_22 = arith.constant 0 : i32
      scf.yield %scan3A_22 : i32
    }
    %scan3A_16 = arith.constant 640 : i32
    "tpu.region"() ({
      %run_scoped3A = tpu.sem_alloc : memref<!tpu.dma_semaphore, #tpu.memory_space<semaphore_mem>>
      %dma_start3A = arith.constant 0 : i32
      %dma_start3A_17 = tpu.memref_slice %arg3[%add3A, %dma_start3A] : memref<32x10112xf32, #tpu.memory_space<hbm>> -> memref<1x10112xf32, #tpu.memory_space<hbm>>
      %dma_start3A_18 = tpu.memref_squeeze %dma_start3A_17 : memref<1x10112xf32, #tpu.memory_space<hbm>> -> memref<10112xf32, #tpu.memory_space<hbm>>
      %dma_start3A_19 = arith.constant 0 : i32
      %dma_start3A_20 = tpu.memref_slice %arg3[%add3A, %dma_start3A_19] : memref<32x10112xf32, #tpu.memory_space<hbm>> -> memref<1x10112xf32, #tpu.memory_space<hbm>>
      %dma_start3A_21 = tpu.memref_squeeze %dma_start3A_20 : memref<1x10112xf32, #tpu.memory_space<hbm>> -> memref<10112xf32, #tpu.memory_space<hbm>>
      tpu.enqueue_dma source(%arg5 : memref<10112xf32, #tpu.memory_space<vmem>>) target(%dma_start3A_21 : memref<10112xf32, #tpu.memory_space<hbm>>) target_semaphore(%run_scoped3A : memref<!tpu.dma_semaphore, #tpu.memory_space<semaphore_mem>>)
      %dma_wait3A = arith.constant 0 : i32
      %dma_wait3A_22 = tpu.memref_slice %arg3[%add3A, %dma_wait3A] : memref<32x10112xf32, #tpu.memory_space<hbm>> -> memref<1x10112xf32, #tpu.memory_space<hbm>>
      %dma_wait3A_23 = tpu.memref_squeeze %dma_wait3A_22 : memref<1x10112xf32, #tpu.memory_space<hbm>> -> memref<10112xf32, #tpu.memory_space<hbm>>
      %dma_wait3A_24 = arith.constant 0 : i32
      %dma_wait3A_25 = tpu.memref_slice %arg3[%add3A, %dma_wait3A_24] : memref<32x10112xf32, #tpu.memory_space<hbm>> -> memref<1x10112xf32, #tpu.memory_space<hbm>>
      %dma_wait3A_26 = tpu.memref_squeeze %dma_wait3A_25 : memref<1x10112xf32, #tpu.memory_space<hbm>> -> memref<10112xf32, #tpu.memory_space<hbm>>
      tpu.wait_dma2 semaphore(%run_scoped3A : memref<!tpu.dma_semaphore, #tpu.memory_space<semaphore_mem>>) src(%arg5 : memref<10112xf32, #tpu.memory_space<vmem>>) dst(%dma_wait3A_26 : memref<10112xf32, #tpu.memory_space<hbm>>)
      tpu.yield
    }) : () -> ()
    return
  }
}

#map = affine_map<(d0, d1) -> (0, 0)>
#map1 = affine_map<(d0, d1) -> (0)>
module attributes {stable_mosaic.version = 14 : i64} {
  func.func @_sc_aggregate2(%arg0: i32, %arg1: i32, %arg2: memref<2560x128xi32, #tpu.memory_space<hbm>>, %arg3: memref<2560x128xi32, #tpu.memory_space<hbm>>, %arg4: memref<20224x32xf32, #tpu.memory_space<hbm>>, %arg5: memref<10112x32xf32, #tpu.memory_space<hbm>>, %arg6: memref<10112x32xf32, #tpu.memory_space<hbm>>, %arg7: memref<32xf32, #tpu.memory_space<hbm>>, %arg8: memref<10112x32xf32, #tpu.memory_space<hbm>>, %arg9: memref<20224x32xf32, #tpu.memory_space<hbm>>, %arg10: memref<10112x32xf32, #tpu.memory_space<hbm>>, %arg11: memref<10112x32xf32, #tpu.memory_space<vmem_shared>>, %arg12: memref<10112x32xf32, #tpu.memory_space<vmem_shared>>, %arg13: memref<80x128xi32, #tpu.memory_space<vmem>>, %arg14: memref<80x128xi32, #tpu.memory_space<vmem>>, %arg15: memref<632x32xf32, #tpu.memory_space<vmem>>, %arg16: memref<632x32xf32, #tpu.memory_space<vmem>>, %arg17: memref<32xf32, #tpu.memory_space<vmem>>, %arg18: memref<128x32xf32, #tpu.memory_space<vmem>>, %arg19: memref<128x32xf32, #tpu.memory_space<vmem>>, %arg20: memref<128x32xf32, #tpu.memory_space<vmem>>, %arg21: memref<128x32xf32, #tpu.memory_space<vmem>>, %arg22: memref<!tpu.dma_semaphore, #tpu.memory_space<semaphore_mem>>, %arg23: memref<!tpu.dma_semaphore, #tpu.memory_space<semaphore_mem>>, %arg24: memref<!tpu.dma_semaphore, #tpu.memory_space<semaphore_mem>>, %arg25: memref<!tpu.dma_semaphore, #tpu.memory_space<semaphore_mem>>) attributes {dimension_semantics = [#tpu.dimension_semantics<core_parallel>, #tpu.dimension_semantics<subcore_parallel>], iteration_bounds = array<i64: 2, 16>, scalar_prefetch = 0 : i64, scratch_operands = 15 : i64, tpu.core_type = #tpu.core_type<sc_vector_subcore>, window_params = [{transform_indices = #map}, {transform_indices = #map}, {transform_indices = #map}, {transform_indices = #map}, {transform_indices = #map}, {transform_indices = #map1}, {transform_indices = #map}, {transform_indices = #map}, {transform_indices = #map}]} {
    %mul3A = arith.constant 632 : i32
    %mul3A_0 = arith.muli %arg1, %mul3A : i32
    %mul3A_1 = arith.constant 2 : i32
    %mul3A_2 = arith.muli %arg1, %mul3A_1 : i32
    %add3A = arith.addi %mul3A_2, %arg0 : i32
    %mul3A_3 = arith.constant 80 : i32
    %mul3A_4 = arith.muli %add3A, %mul3A_3 : i32
    "tpu.region"() ({
      %run_scoped3A = tpu.sem_alloc : memref<!tpu.dma_semaphore, #tpu.memory_space<semaphore_mem>>
      %dma_start3A_58 = arith.constant 0 : i32
      %dma_start3A_59 = tpu.memref_slice %arg2[%mul3A_4, %dma_start3A_58] : memref<2560x128xi32, #tpu.memory_space<hbm>> -> memref<80x128xi32, #tpu.memory_space<hbm>>
      %dma_start3A_60 = arith.constant 0 : i32
      %dma_start3A_61 = tpu.memref_slice %arg2[%mul3A_4, %dma_start3A_60] : memref<2560x128xi32, #tpu.memory_space<hbm>> -> memref<80x128xi32, #tpu.memory_space<hbm>>
      tpu.enqueue_dma source(%dma_start3A_61 : memref<80x128xi32, #tpu.memory_space<hbm>>) target(%arg13 : memref<80x128xi32, #tpu.memory_space<vmem>>) target_semaphore(%run_scoped3A : memref<!tpu.dma_semaphore, #tpu.memory_space<semaphore_mem>>)
      %dma_wait3A = arith.constant 0 : i32
      %dma_wait3A_62 = tpu.memref_slice %arg2[%mul3A_4, %dma_wait3A] : memref<2560x128xi32, #tpu.memory_space<hbm>> -> memref<80x128xi32, #tpu.memory_space<hbm>>
      %dma_wait3A_63 = arith.constant 0 : i32
      %dma_wait3A_64 = tpu.memref_slice %arg2[%mul3A_4, %dma_wait3A_63] : memref<2560x128xi32, #tpu.memory_space<hbm>> -> memref<80x128xi32, #tpu.memory_space<hbm>>
      tpu.wait_dma2 semaphore(%run_scoped3A : memref<!tpu.dma_semaphore, #tpu.memory_space<semaphore_mem>>) src(%dma_wait3A_64 : memref<80x128xi32, #tpu.memory_space<hbm>>) dst(%arg13 : memref<80x128xi32, #tpu.memory_space<vmem>>)
      tpu.yield
    }) : () -> ()
    %mul3A_5 = arith.constant 80 : i32
    %mul3A_6 = arith.muli %add3A, %mul3A_5 : i32
    "tpu.region"() ({
      %run_scoped3A = tpu.sem_alloc : memref<!tpu.dma_semaphore, #tpu.memory_space<semaphore_mem>>
      %dma_start3A_58 = arith.constant 0 : i32
      %dma_start3A_59 = tpu.memref_slice %arg3[%mul3A_6, %dma_start3A_58] : memref<2560x128xi32, #tpu.memory_space<hbm>> -> memref<80x128xi32, #tpu.memory_space<hbm>>
      %dma_start3A_60 = arith.constant 0 : i32
      %dma_start3A_61 = tpu.memref_slice %arg3[%mul3A_6, %dma_start3A_60] : memref<2560x128xi32, #tpu.memory_space<hbm>> -> memref<80x128xi32, #tpu.memory_space<hbm>>
      tpu.enqueue_dma source(%dma_start3A_61 : memref<80x128xi32, #tpu.memory_space<hbm>>) target(%arg14 : memref<80x128xi32, #tpu.memory_space<vmem>>) target_semaphore(%run_scoped3A : memref<!tpu.dma_semaphore, #tpu.memory_space<semaphore_mem>>)
      %dma_wait3A = arith.constant 0 : i32
      %dma_wait3A_62 = tpu.memref_slice %arg3[%mul3A_6, %dma_wait3A] : memref<2560x128xi32, #tpu.memory_space<hbm>> -> memref<80x128xi32, #tpu.memory_space<hbm>>
      %dma_wait3A_63 = arith.constant 0 : i32
      %dma_wait3A_64 = tpu.memref_slice %arg3[%mul3A_6, %dma_wait3A_63] : memref<2560x128xi32, #tpu.memory_space<hbm>> -> memref<80x128xi32, #tpu.memory_space<hbm>>
      tpu.wait_dma2 semaphore(%run_scoped3A : memref<!tpu.dma_semaphore, #tpu.memory_space<semaphore_mem>>) src(%dma_wait3A_64 : memref<80x128xi32, #tpu.memory_space<hbm>>) dst(%arg14 : memref<80x128xi32, #tpu.memory_space<vmem>>)
      tpu.yield
    }) : () -> ()
    "tpu.region"() ({
      %run_scoped3A = tpu.sem_alloc : memref<!tpu.dma_semaphore, #tpu.memory_space<semaphore_mem>>
      %dma_start3A_58 = arith.constant 0 : i32
      %dma_start3A_59 = tpu.memref_slice %arg4[%mul3A_0, %dma_start3A_58] : memref<20224x32xf32, #tpu.memory_space<hbm>> -> memref<632x32xf32, #tpu.memory_space<hbm>>
      %dma_start3A_60 = arith.constant 0 : i32
      %dma_start3A_61 = tpu.memref_slice %arg4[%mul3A_0, %dma_start3A_60] : memref<20224x32xf32, #tpu.memory_space<hbm>> -> memref<632x32xf32, #tpu.memory_space<hbm>>
      tpu.enqueue_dma source(%dma_start3A_61 : memref<632x32xf32, #tpu.memory_space<hbm>>) target(%arg15 : memref<632x32xf32, #tpu.memory_space<vmem>>) target_semaphore(%run_scoped3A : memref<!tpu.dma_semaphore, #tpu.memory_space<semaphore_mem>>)
      %dma_wait3A = arith.constant 0 : i32
      %dma_wait3A_62 = tpu.memref_slice %arg4[%mul3A_0, %dma_wait3A] : memref<20224x32xf32, #tpu.memory_space<hbm>> -> memref<632x32xf32, #tpu.memory_space<hbm>>
      %dma_wait3A_63 = arith.constant 0 : i32
      %dma_wait3A_64 = tpu.memref_slice %arg4[%mul3A_0, %dma_wait3A_63] : memref<20224x32xf32, #tpu.memory_space<hbm>> -> memref<632x32xf32, #tpu.memory_space<hbm>>
      tpu.wait_dma2 semaphore(%run_scoped3A : memref<!tpu.dma_semaphore, #tpu.memory_space<semaphore_mem>>) src(%dma_wait3A_64 : memref<632x32xf32, #tpu.memory_space<hbm>>) dst(%arg15 : memref<632x32xf32, #tpu.memory_space<vmem>>)
      tpu.yield
    }) : () -> ()
    "tpu.region"() ({
      %run_scoped3A = tpu.sem_alloc : memref<!tpu.dma_semaphore, #tpu.memory_space<semaphore_mem>>
      tpu.enqueue_dma source(%arg7 : memref<32xf32, #tpu.memory_space<hbm>>) target(%arg17 : memref<32xf32, #tpu.memory_space<vmem>>) target_semaphore(%run_scoped3A : memref<!tpu.dma_semaphore, #tpu.memory_space<semaphore_mem>>)
      tpu.wait_dma2 semaphore(%run_scoped3A : memref<!tpu.dma_semaphore, #tpu.memory_space<semaphore_mem>>) src(%arg7 : memref<32xf32, #tpu.memory_space<hbm>>) dst(%arg17 : memref<32xf32, #tpu.memory_space<vmem>>)
      tpu.yield
    }) : () -> ()
    "tpu.region"() ({
      %run_scoped3A = tpu.sem_alloc : memref<!tpu.dma_semaphore, #tpu.memory_space<semaphore_mem>>
      %dma_start3A_58 = arith.constant 0 : i32
      %dma_start3A_59 = tpu.memref_slice %arg12[%mul3A_0, %dma_start3A_58] : memref<10112x32xf32, #tpu.memory_space<vmem_shared>> -> memref<632x32xf32, #tpu.memory_space<vmem_shared>>
      %dma_start3A_60 = arith.constant 0 : i32
      %dma_start3A_61 = tpu.memref_slice %arg8[%mul3A_0, %dma_start3A_60] : memref<10112x32xf32, #tpu.memory_space<hbm>> -> memref<632x32xf32, #tpu.memory_space<hbm>>
      tpu.enqueue_dma source(%dma_start3A_61 : memref<632x32xf32, #tpu.memory_space<hbm>>) target(%dma_start3A_59 : memref<632x32xf32, #tpu.memory_space<vmem_shared>>) target_semaphore(%run_scoped3A : memref<!tpu.dma_semaphore, #tpu.memory_space<semaphore_mem>>)
      %dma_wait3A = arith.constant 0 : i32
      %dma_wait3A_62 = tpu.memref_slice %arg12[%mul3A_0, %dma_wait3A] : memref<10112x32xf32, #tpu.memory_space<vmem_shared>> -> memref<632x32xf32, #tpu.memory_space<vmem_shared>>
      %dma_wait3A_63 = arith.constant 0 : i32
      %dma_wait3A_64 = tpu.memref_slice %arg8[%mul3A_0, %dma_wait3A_63] : memref<10112x32xf32, #tpu.memory_space<hbm>> -> memref<632x32xf32, #tpu.memory_space<hbm>>
      tpu.wait_dma2 semaphore(%run_scoped3A : memref<!tpu.dma_semaphore, #tpu.memory_space<semaphore_mem>>) src(%dma_wait3A_64 : memref<632x32xf32, #tpu.memory_space<hbm>>) dst(%dma_wait3A_62 : memref<632x32xf32, #tpu.memory_space<vmem_shared>>)
      tpu.yield
    }) : () -> ()
    %get3A = arith.constant 0 : index
    %get3A_7 = tpu.vector_load %arg17[%get3A] {strides = array<i32>} : memref<32xf32, #tpu.memory_space<vmem>>, vector<16xf32>,
    %get3A_8 = arith.constant 16 : index
    %get3A_9 = tpu.vector_load %arg17[%get3A_8] {strides = array<i32>} : memref<32xf32, #tpu.memory_space<vmem>>, vector<16xf32>,
    %add3A_10 = arith.constant 10112 : i32
    %add3A_11 = arith.addi %add3A_10, %mul3A_0 : i32
    "tpu.region"() ({
      %run_scoped3A = tpu.sem_alloc : memref<!tpu.dma_semaphore, #tpu.memory_space<semaphore_mem>>
      %dma_start3A_58 = arith.constant 0 : i32
      %dma_start3A_59 = tpu.memref_slice %arg4[%add3A_11, %dma_start3A_58] : memref<20224x32xf32, #tpu.memory_space<hbm>> -> memref<632x32xf32, #tpu.memory_space<hbm>>
      %dma_start3A_60 = arith.constant 0 : i32
      %dma_start3A_61 = tpu.memref_slice %arg4[%add3A_11, %dma_start3A_60] : memref<20224x32xf32, #tpu.memory_space<hbm>> -> memref<632x32xf32, #tpu.memory_space<hbm>>
      tpu.enqueue_dma source(%dma_start3A_61 : memref<632x32xf32, #tpu.memory_space<hbm>>) target(%arg16 : memref<632x32xf32, #tpu.memory_space<vmem>>) target_semaphore(%run_scoped3A : memref<!tpu.dma_semaphore, #tpu.memory_space<semaphore_mem>>)
      %dma_wait3A = arith.constant 0 : i32
      %dma_wait3A_62 = tpu.memref_slice %arg4[%add3A_11, %dma_wait3A] : memref<20224x32xf32, #tpu.memory_space<hbm>> -> memref<632x32xf32, #tpu.memory_space<hbm>>
      %dma_wait3A_63 = arith.constant 0 : i32
      %dma_wait3A_64 = tpu.memref_slice %arg4[%add3A_11, %dma_wait3A_63] : memref<20224x32xf32, #tpu.memory_space<hbm>> -> memref<632x32xf32, #tpu.memory_space<hbm>>
      tpu.wait_dma2 semaphore(%run_scoped3A : memref<!tpu.dma_semaphore, #tpu.memory_space<semaphore_mem>>) src(%dma_wait3A_64 : memref<632x32xf32, #tpu.memory_space<hbm>>) dst(%arg16 : memref<632x32xf32, #tpu.memory_space<vmem>>)
      tpu.yield
    }) : () -> ()
    %scan3A = arith.constant 0 : i32
    %scan3A_12 = arith.constant 0 : i32
    %scan3A_13 = arith.constant 632 : i32
    %scan3A_14 = arith.addi %scan3A_12, %scan3A_13 : i32
    %scan3A_15 = arith.constant 1 : i32
    %scan3A_16 = scf.for %scan3A_58 = %scan3A_12 to %scan3A_14 step %scan3A_15 iter_args(%scan3A_59 = %scan3A) -> (i32)  : i32 {
      %get3A_60 = arith.index_cast %scan3A_58 : i32 to index
      %get3A_61 = arith.constant 0 : index
      %get3A_62 = tpu.vector_load %arg15[%get3A_60, %get3A_61] {strides = array<i32>} : memref<632x32xf32, #tpu.memory_space<vmem>>, vector<16xf32>,
      %get3A_63 = arith.index_cast %scan3A_58 : i32 to index
      %get3A_64 = arith.constant 0 : index
      %get3A_65 = tpu.vector_load %arg16[%get3A_63, %get3A_64] {strides = array<i32>} : memref<632x32xf32, #tpu.memory_space<vmem>>, vector<16xf32>,
      %add3A_66 = arith.addf %get3A_62, %get3A_65 : vector<16xf32>
      %swap3A = arith.index_cast %scan3A_58 : i32 to index
      %swap3A_67 = arith.constant 0 : index
      %swap3A_68 = tpu.vector_load %arg15[%swap3A, %swap3A_67] {strides = array<i32>} : memref<632x32xf32, #tpu.memory_space<vmem>>, vector<16xf32>,
      tpu.vector_store %arg15[%swap3A, %swap3A_67], %add3A_66 {strides = array<i32>} : memref<632x32xf32, #tpu.memory_space<vmem>>, vector<16xf32>,
      %get3A_69 = arith.index_cast %scan3A_58 : i32 to index
      %get3A_70 = arith.constant 16 : index
      %get3A_71 = tpu.vector_load %arg15[%get3A_69, %get3A_70] {strides = array<i32>} : memref<632x32xf32, #tpu.memory_space<vmem>>, vector<16xf32>,
      %get3A_72 = arith.index_cast %scan3A_58 : i32 to index
      %get3A_73 = arith.constant 16 : index
      %get3A_74 = tpu.vector_load %arg16[%get3A_72, %get3A_73] {strides = array<i32>} : memref<632x32xf32, #tpu.memory_space<vmem>>, vector<16xf32>,
      %add3A_75 = arith.addf %get3A_71, %get3A_74 : vector<16xf32>
      %swap3A_76 = arith.index_cast %scan3A_58 : i32 to index
      %swap3A_77 = arith.constant 16 : index
      %swap3A_78 = tpu.vector_load %arg15[%swap3A_76, %swap3A_77] {strides = array<i32>} : memref<632x32xf32, #tpu.memory_space<vmem>>, vector<16xf32>,
      tpu.vector_store %arg15[%swap3A_76, %swap3A_77], %add3A_75 {strides = array<i32>} : memref<632x32xf32, #tpu.memory_space<vmem>>, vector<16xf32>,
      %scan3A_79 = arith.constant 0 : i32
      scf.yield %scan3A_79 : i32
    }
    %scan3A_17 = arith.constant 632 : i32
    "tpu.region"() ({
      %run_scoped3A = tpu.sem_alloc : memref<!tpu.dma_semaphore, #tpu.memory_space<semaphore_mem>>
      %dma_start3A_58 = arith.constant 0 : i32
      %dma_start3A_59 = tpu.memref_slice %arg5[%mul3A_0, %dma_start3A_58] : memref<10112x32xf32, #tpu.memory_space<hbm>> -> memref<632x32xf32, #tpu.memory_space<hbm>>
      %dma_start3A_60 = arith.constant 0 : i32
      %dma_start3A_61 = tpu.memref_slice %arg5[%mul3A_0, %dma_start3A_60] : memref<10112x32xf32, #tpu.memory_space<hbm>> -> memref<632x32xf32, #tpu.memory_space<hbm>>
      tpu.enqueue_dma source(%dma_start3A_61 : memref<632x32xf32, #tpu.memory_space<hbm>>) target(%arg16 : memref<632x32xf32, #tpu.memory_space<vmem>>) target_semaphore(%run_scoped3A : memref<!tpu.dma_semaphore, #tpu.memory_space<semaphore_mem>>)
      %dma_wait3A = arith.constant 0 : i32
      %dma_wait3A_62 = tpu.memref_slice %arg5[%mul3A_0, %dma_wait3A] : memref<10112x32xf32, #tpu.memory_space<hbm>> -> memref<632x32xf32, #tpu.memory_space<hbm>>
      %dma_wait3A_63 = arith.constant 0 : i32
      %dma_wait3A_64 = tpu.memref_slice %arg5[%mul3A_0, %dma_wait3A_63] : memref<10112x32xf32, #tpu.memory_space<hbm>> -> memref<632x32xf32, #tpu.memory_space<hbm>>
      tpu.wait_dma2 semaphore(%run_scoped3A : memref<!tpu.dma_semaphore, #tpu.memory_space<semaphore_mem>>) src(%dma_wait3A_64 : memref<632x32xf32, #tpu.memory_space<hbm>>) dst(%arg16 : memref<632x32xf32, #tpu.memory_space<vmem>>)
      tpu.yield
    }) : () -> ()
    %scan3A_18 = arith.constant 0 : i32
    %scan3A_19 = arith.constant 0 : i32
    %scan3A_20 = arith.constant 632 : i32
    %scan3A_21 = arith.addi %scan3A_19, %scan3A_20 : i32
    %scan3A_22 = arith.constant 1 : i32
    %scan3A_23 = scf.for %scan3A_58 = %scan3A_19 to %scan3A_21 step %scan3A_22 iter_args(%scan3A_59 = %scan3A_18) -> (i32)  : i32 {
      %get3A_60 = arith.index_cast %scan3A_58 : i32 to index
      %get3A_61 = arith.constant 0 : index
      %get3A_62 = tpu.vector_load %arg15[%get3A_60, %get3A_61] {strides = array<i32>} : memref<632x32xf32, #tpu.memory_space<vmem>>, vector<16xf32>,
      %get3A_63 = arith.index_cast %scan3A_58 : i32 to index
      %get3A_64 = arith.constant 0 : index
      %get3A_65 = tpu.vector_load %arg16[%get3A_63, %get3A_64] {strides = array<i32>} : memref<632x32xf32, #tpu.memory_space<vmem>>, vector<16xf32>,
      %add3A_66 = arith.addf %get3A_62, %get3A_65 : vector<16xf32>
      %swap3A = arith.index_cast %scan3A_58 : i32 to index
      %swap3A_67 = arith.constant 0 : index
      %swap3A_68 = tpu.vector_load %arg15[%swap3A, %swap3A_67] {strides = array<i32>} : memref<632x32xf32, #tpu.memory_space<vmem>>, vector<16xf32>,
      tpu.vector_store %arg15[%swap3A, %swap3A_67], %add3A_66 {strides = array<i32>} : memref<632x32xf32, #tpu.memory_space<vmem>>, vector<16xf32>,
      %get3A_69 = arith.index_cast %scan3A_58 : i32 to index
      %get3A_70 = arith.constant 16 : index
      %get3A_71 = tpu.vector_load %arg15[%get3A_69, %get3A_70] {strides = array<i32>} : memref<632x32xf32, #tpu.memory_space<vmem>>, vector<16xf32>,
      %get3A_72 = arith.index_cast %scan3A_58 : i32 to index
      %get3A_73 = arith.constant 16 : index
      %get3A_74 = tpu.vector_load %arg16[%get3A_72, %get3A_73] {strides = array<i32>} : memref<632x32xf32, #tpu.memory_space<vmem>>, vector<16xf32>,
      %add3A_75 = arith.addf %get3A_71, %get3A_74 : vector<16xf32>
      %swap3A_76 = arith.index_cast %scan3A_58 : i32 to index
      %swap3A_77 = arith.constant 16 : index
      %swap3A_78 = tpu.vector_load %arg15[%swap3A_76, %swap3A_77] {strides = array<i32>} : memref<632x32xf32, #tpu.memory_space<vmem>>, vector<16xf32>,
      tpu.vector_store %arg15[%swap3A_76, %swap3A_77], %add3A_75 {strides = array<i32>} : memref<632x32xf32, #tpu.memory_space<vmem>>, vector<16xf32>,
      %scan3A_79 = arith.constant 0 : i32
      scf.yield %scan3A_79 : i32
    }
    %scan3A_24 = arith.constant 632 : i32
    "tpu.region"() ({
      %run_scoped3A = tpu.sem_alloc : memref<!tpu.dma_semaphore, #tpu.memory_space<semaphore_mem>>
      %dma_start3A_58 = arith.constant 0 : i32
      %dma_start3A_59 = tpu.memref_slice %arg6[%mul3A_0, %dma_start3A_58] : memref<10112x32xf32, #tpu.memory_space<hbm>> -> memref<632x32xf32, #tpu.memory_space<hbm>>
      %dma_start3A_60 = arith.constant 0 : i32
      %dma_start3A_61 = tpu.memref_slice %arg6[%mul3A_0, %dma_start3A_60] : memref<10112x32xf32, #tpu.memory_space<hbm>> -> memref<632x32xf32, #tpu.memory_space<hbm>>
      tpu.enqueue_dma source(%dma_start3A_61 : memref<632x32xf32, #tpu.memory_space<hbm>>) target(%arg16 : memref<632x32xf32, #tpu.memory_space<vmem>>) target_semaphore(%run_scoped3A : memref<!tpu.dma_semaphore, #tpu.memory_space<semaphore_mem>>)
      %dma_wait3A = arith.constant 0 : i32
      %dma_wait3A_62 = tpu.memref_slice %arg6[%mul3A_0, %dma_wait3A] : memref<10112x32xf32, #tpu.memory_space<hbm>> -> memref<632x32xf32, #tpu.memory_space<hbm>>
      %dma_wait3A_63 = arith.constant 0 : i32
      %dma_wait3A_64 = tpu.memref_slice %arg6[%mul3A_0, %dma_wait3A_63] : memref<10112x32xf32, #tpu.memory_space<hbm>> -> memref<632x32xf32, #tpu.memory_space<hbm>>
      tpu.wait_dma2 semaphore(%run_scoped3A : memref<!tpu.dma_semaphore, #tpu.memory_space<semaphore_mem>>) src(%dma_wait3A_64 : memref<632x32xf32, #tpu.memory_space<hbm>>) dst(%arg16 : memref<632x32xf32, #tpu.memory_space<vmem>>)
      tpu.yield
    }) : () -> ()
    %scan3A_25 = arith.constant 0 : i32
    %scan3A_26 = arith.constant 0 : i32
    %scan3A_27 = arith.constant 632 : i32
    %scan3A_28 = arith.addi %scan3A_26, %scan3A_27 : i32
    %scan3A_29 = arith.constant 1 : i32
    %scan3A_30 = scf.for %scan3A_58 = %scan3A_26 to %scan3A_28 step %scan3A_29 iter_args(%scan3A_59 = %scan3A_25) -> (i32)  : i32 {
      %get3A_60 = arith.index_cast %scan3A_58 : i32 to index
      %get3A_61 = arith.constant 0 : index
      %get3A_62 = tpu.vector_load %arg15[%get3A_60, %get3A_61] {strides = array<i32>} : memref<632x32xf32, #tpu.memory_space<vmem>>, vector<16xf32>,
      %get3A_63 = arith.index_cast %scan3A_58 : i32 to index
      %get3A_64 = arith.constant 0 : index
      %get3A_65 = tpu.vector_load %arg16[%get3A_63, %get3A_64] {strides = array<i32>} : memref<632x32xf32, #tpu.memory_space<vmem>>, vector<16xf32>,
      %mul3A_66 = arith.mulf %get3A_65, %get3A_62 : vector<16xf32>
      %add3A_67 = arith.addf %mul3A_66, %get3A_7 : vector<16xf32>
      %max3A = arith.constant 0.000000e+00 : f32
      %max3A_68 = vector.broadcast %max3A : f32 to vector<16xf32>
      %max3A_69 = arith.maximumf %add3A_67, %max3A_68 : vector<16xf32>
      %mul3A_70 = arith.mulf %get3A_65, %max3A_69 : vector<16xf32>
      %swap3A = arith.index_cast %scan3A_58 : i32 to index
      %swap3A_71 = arith.constant 0 : index
      %swap3A_72 = tpu.vector_load %arg15[%swap3A, %swap3A_71] {strides = array<i32>} : memref<632x32xf32, #tpu.memory_space<vmem>>, vector<16xf32>,
      tpu.vector_store %arg15[%swap3A, %swap3A_71], %mul3A_70 {strides = array<i32>} : memref<632x32xf32, #tpu.memory_space<vmem>>, vector<16xf32>,
      %get3A_73 = arith.index_cast %scan3A_58 : i32 to index
      %get3A_74 = arith.constant 16 : index
      %get3A_75 = tpu.vector_load %arg15[%get3A_73, %get3A_74] {strides = array<i32>} : memref<632x32xf32, #tpu.memory_space<vmem>>, vector<16xf32>,
      %get3A_76 = arith.index_cast %scan3A_58 : i32 to index
      %get3A_77 = arith.constant 16 : index
      %get3A_78 = tpu.vector_load %arg16[%get3A_76, %get3A_77] {strides = array<i32>} : memref<632x32xf32, #tpu.memory_space<vmem>>, vector<16xf32>,
      %mul3A_79 = arith.mulf %get3A_78, %get3A_75 : vector<16xf32>
      %add3A_80 = arith.addf %mul3A_79, %get3A_9 : vector<16xf32>
      %max3A_81 = arith.constant 0.000000e+00 : f32
      %max3A_82 = vector.broadcast %max3A_81 : f32 to vector<16xf32>
      %max3A_83 = arith.maximumf %add3A_80, %max3A_82 : vector<16xf32>
      %mul3A_84 = arith.mulf %get3A_78, %max3A_83 : vector<16xf32>
      %swap3A_85 = arith.index_cast %scan3A_58 : i32 to index
      %swap3A_86 = arith.constant 16 : index
      %swap3A_87 = tpu.vector_load %arg15[%swap3A_85, %swap3A_86] {strides = array<i32>} : memref<632x32xf32, #tpu.memory_space<vmem>>, vector<16xf32>,
      tpu.vector_store %arg15[%swap3A_85, %swap3A_86], %mul3A_84 {strides = array<i32>} : memref<632x32xf32, #tpu.memory_space<vmem>>, vector<16xf32>,
      %scan3A_88 = arith.constant 0 : i32
      scf.yield %scan3A_88 : i32
    }
    %scan3A_31 = arith.constant 632 : i32
    "tpu.region"() ({
      %run_scoped3A = tpu.sem_alloc : memref<!tpu.dma_semaphore, #tpu.memory_space<semaphore_mem>>
      %dma_start3A_58 = arith.constant 0 : i32
      %dma_start3A_59 = tpu.memref_slice %arg11[%mul3A_0, %dma_start3A_58] : memref<10112x32xf32, #tpu.memory_space<vmem_shared>> -> memref<632x32xf32, #tpu.memory_space<vmem_shared>>
      %dma_start3A_60 = arith.constant 0 : i32
      %dma_start3A_61 = tpu.memref_slice %arg11[%mul3A_0, %dma_start3A_60] : memref<10112x32xf32, #tpu.memory_space<vmem_shared>> -> memref<632x32xf32, #tpu.memory_space<vmem_shared>>
      tpu.enqueue_dma source(%arg15 : memref<632x32xf32, #tpu.memory_space<vmem>>) target(%dma_start3A_61 : memref<632x32xf32, #tpu.memory_space<vmem_shared>>) target_semaphore(%run_scoped3A : memref<!tpu.dma_semaphore, #tpu.memory_space<semaphore_mem>>)
      %dma_wait3A = arith.constant 0 : i32
      %dma_wait3A_62 = tpu.memref_slice %arg11[%mul3A_0, %dma_wait3A] : memref<10112x32xf32, #tpu.memory_space<vmem_shared>> -> memref<632x32xf32, #tpu.memory_space<vmem_shared>>
      %dma_wait3A_63 = arith.constant 0 : i32
      %dma_wait3A_64 = tpu.memref_slice %arg11[%mul3A_0, %dma_wait3A_63] : memref<10112x32xf32, #tpu.memory_space<vmem_shared>> -> memref<632x32xf32, #tpu.memory_space<vmem_shared>>
      tpu.wait_dma2 semaphore(%run_scoped3A : memref<!tpu.dma_semaphore, #tpu.memory_space<semaphore_mem>>) src(%arg15 : memref<632x32xf32, #tpu.memory_space<vmem>>) dst(%dma_wait3A_64 : memref<632x32xf32, #tpu.memory_space<vmem_shared>>)
      tpu.yield
    }) : () -> ()
    %eq3A = arith.constant 0 : i32
    %eq3A_32 = arith.cmpi eq, %arg0, %eq3A : i32
    %convert_element_type3A = arith.extui %eq3A_32 : i1 to i32
    %cond3A = arith.constant 0 : i32
    %cond3A_33 = arith.cmpi ne, %convert_element_type3A, %cond3A : i32
    scf.if %cond3A_33 {
      "tpu.region"() ({
        %run_scoped3A = tpu.sem_alloc : memref<!tpu.dma_semaphore, #tpu.memory_space<semaphore_mem>>
        %dma_start3A_58 = arith.constant 0 : i32
        %dma_start3A_59 = tpu.memref_slice %arg10[%mul3A_0, %dma_start3A_58] : memref<10112x32xf32, #tpu.memory_space<hbm>> -> memref<632x32xf32, #tpu.memory_space<hbm>>
        %dma_start3A_60 = arith.constant 0 : i32
        %dma_start3A_61 = tpu.memref_slice %arg10[%mul3A_0, %dma_start3A_60] : memref<10112x32xf32, #tpu.memory_space<hbm>> -> memref<632x32xf32, #tpu.memory_space<hbm>>
        tpu.enqueue_dma source(%arg15 : memref<632x32xf32, #tpu.memory_space<vmem>>) target(%dma_start3A_61 : memref<632x32xf32, #tpu.memory_space<hbm>>) target_semaphore(%run_scoped3A : memref<!tpu.dma_semaphore, #tpu.memory_space<semaphore_mem>>)
        %dma_wait3A = arith.constant 0 : i32
        %dma_wait3A_62 = tpu.memref_slice %arg10[%mul3A_0, %dma_wait3A] : memref<10112x32xf32, #tpu.memory_space<hbm>> -> memref<632x32xf32, #tpu.memory_space<hbm>>
        %dma_wait3A_63 = arith.constant 0 : i32
        %dma_wait3A_64 = tpu.memref_slice %arg10[%mul3A_0, %dma_wait3A_63] : memref<10112x32xf32, #tpu.memory_space<hbm>> -> memref<632x32xf32, #tpu.memory_space<hbm>>
        tpu.wait_dma2 semaphore(%run_scoped3A : memref<!tpu.dma_semaphore, #tpu.memory_space<semaphore_mem>>) src(%arg15 : memref<632x32xf32, #tpu.memory_space<vmem>>) dst(%dma_wait3A_64 : memref<632x32xf32, #tpu.memory_space<hbm>>)
        tpu.yield
      }) : () -> ()
    } else {
    }
    %barrier3A = arith.constant 0 : index
    tpu.barrier barrier_id(%barrier3A)
    %dma_start3A = arith.constant 0 : i32
    %dma_start3A_34 = arith.constant 0 : i32
    %dma_start3A_35 = tpu.memref_slice %arg13[%dma_start3A, %dma_start3A_34] : memref<80x128xi32, #tpu.memory_space<vmem>> -> memref<1x128xi32, #tpu.memory_space<vmem>>
    %dma_start3A_36 = tpu.memref_squeeze %dma_start3A_35 : memref<1x128xi32, #tpu.memory_space<vmem>> -> memref<128xi32, #tpu.memory_space<vmem>>
    %dma_start3A_37 = arith.constant 0 : i32
    %dma_start3A_38 = arith.constant 0 : i32
    %dma_start3A_39 = tpu.memref_slice %arg11[%dma_start3A_37, %dma_start3A_38] : memref<10112x32xf32, #tpu.memory_space<vmem_shared>> -> memref<10112x32xf32, #tpu.memory_space<vmem_shared>>
    tpu.enqueue_indirect_dma source(%dma_start3A_39 : memref<10112x32xf32, #tpu.memory_space<vmem_shared>>) target(%arg18 : memref<128x32xf32, #tpu.memory_space<vmem>>) offsets(%dma_start3A_36 : memref<128xi32, #tpu.memory_space<vmem>>) semaphore(%arg22 : memref<!tpu.dma_semaphore, #tpu.memory_space<semaphore_mem>>)
    %dma_start3A_40 = arith.constant 1 : i32
    %dma_start3A_41 = arith.constant 0 : i32
    %dma_start3A_42 = tpu.memref_slice %arg13[%dma_start3A_40, %dma_start3A_41] : memref<80x128xi32, #tpu.memory_space<vmem>> -> memref<1x128xi32, #tpu.memory_space<vmem>>
    %dma_start3A_43 = tpu.memref_squeeze %dma_start3A_42 : memref<1x128xi32, #tpu.memory_space<vmem>> -> memref<128xi32, #tpu.memory_space<vmem>>
    %dma_start3A_44 = arith.constant 0 : i32
    %dma_start3A_45 = arith.constant 0 : i32
    %dma_start3A_46 = tpu.memref_slice %arg11[%dma_start3A_44, %dma_start3A_45] : memref<10112x32xf32, #tpu.memory_space<vmem_shared>> -> memref<10112x32xf32, #tpu.memory_space<vmem_shared>>
    tpu.enqueue_indirect_dma source(%dma_start3A_46 : memref<10112x32xf32, #tpu.memory_space<vmem_shared>>) target(%arg19 : memref<128x32xf32, #tpu.memory_space<vmem>>) offsets(%dma_start3A_43 : memref<128xi32, #tpu.memory_space<vmem>>) semaphore(%arg22 : memref<!tpu.dma_semaphore, #tpu.memory_space<semaphore_mem>>)
    %scan3A_47 = arith.constant 0 : i32
    %scan3A_48 = arith.constant 0 : i32
    %scan3A_49 = arith.constant 20 : i32
    %scan3A_50 = arith.addi %scan3A_48, %scan3A_49 : i32
    %scan3A_51 = arith.constant 1 : i32
    %scan3A_52 = scf.for %scan3A_58 = %scan3A_48 to %scan3A_50 step %scan3A_51 iter_args(%scan3A_59 = %scan3A_47) -> (i32)  : i32 {
      %mul3A_60 = arith.constant 2 : i32
      %mul3A_61 = arith.muli %mul3A_60, %scan3A_58 : i32
      %mul3A_62 = arith.constant 2 : i32
      %mul3A_63 = arith.muli %mul3A_61, %mul3A_62 : i32
      %add3A_64 = arith.constant 2 : i32
      %add3A_65 = arith.addi %mul3A_63, %add3A_64 : i32
      %add3A_66 = arith.constant 0 : i32
      %add3A_67 = arith.addi %mul3A_63, %add3A_66 : i32
      %dma_wait3A = arith.constant 0 : i32
      %dma_wait3A_68 = tpu.memref_slice %arg13[%add3A_67, %dma_wait3A] : memref<80x128xi32, #tpu.memory_space<vmem>> -> memref<1x128xi32, #tpu.memory_space<vmem>>
      %dma_wait3A_69 = tpu.memref_squeeze %dma_wait3A_68 : memref<1x128xi32, #tpu.memory_space<vmem>> -> memref<128xi32, #tpu.memory_space<vmem>>
      %dma_wait3A_70 = arith.constant 0 : i32
      %dma_wait3A_71 = arith.constant 0 : i32
      %dma_wait3A_72 = tpu.memref_slice %arg11[%dma_wait3A_70, %dma_wait3A_71] : memref<10112x32xf32, #tpu.memory_space<vmem_shared>> -> memref<10112x32xf32, #tpu.memory_space<vmem_shared>>
      tpu.wait_indirect_dma semaphore(%arg22 : memref<!tpu.dma_semaphore, #tpu.memory_space<semaphore_mem>>) src(%dma_wait3A_72 : memref<10112x32xf32, #tpu.memory_space<vmem_shared>>) dst(%arg18 : memref<128x32xf32, #tpu.memory_space<vmem>>)
      %add3A_73 = arith.constant 1 : i32
      %add3A_74 = arith.addi %mul3A_63, %add3A_73 : i32
      %dma_wait3A_75 = arith.constant 0 : i32
      %dma_wait3A_76 = tpu.memref_slice %arg13[%add3A_74, %dma_wait3A_75] : memref<80x128xi32, #tpu.memory_space<vmem>> -> memref<1x128xi32, #tpu.memory_space<vmem>>
      %dma_wait3A_77 = tpu.memref_squeeze %dma_wait3A_76 : memref<1x128xi32, #tpu.memory_space<vmem>> -> memref<128xi32, #tpu.memory_space<vmem>>
      %dma_wait3A_78 = arith.constant 0 : i32
      %dma_wait3A_79 = arith.constant 0 : i32
      %dma_wait3A_80 = tpu.memref_slice %arg11[%dma_wait3A_78, %dma_wait3A_79] : memref<10112x32xf32, #tpu.memory_space<vmem_shared>> -> memref<10112x32xf32, #tpu.memory_space<vmem_shared>>
      tpu.wait_indirect_dma semaphore(%arg22 : memref<!tpu.dma_semaphore, #tpu.memory_space<semaphore_mem>>) src(%dma_wait3A_80 : memref<10112x32xf32, #tpu.memory_space<vmem_shared>>) dst(%arg19 : memref<128x32xf32, #tpu.memory_space<vmem>>)
      %add3A_81 = arith.constant 0 : i32
      %add3A_82 = arith.addi %add3A_65, %add3A_81 : i32
      %dma_start3A_83 = arith.constant 0 : i32
      %dma_start3A_84 = tpu.memref_slice %arg13[%add3A_82, %dma_start3A_83] : memref<80x128xi32, #tpu.memory_space<vmem>> -> memref<1x128xi32, #tpu.memory_space<vmem>>
      %dma_start3A_85 = tpu.memref_squeeze %dma_start3A_84 : memref<1x128xi32, #tpu.memory_space<vmem>> -> memref<128xi32, #tpu.memory_space<vmem>>
      %dma_start3A_86 = arith.constant 0 : i32
      %dma_start3A_87 = arith.constant 0 : i32
      %dma_start3A_88 = tpu.memref_slice %arg11[%dma_start3A_86, %dma_start3A_87] : memref<10112x32xf32, #tpu.memory_space<vmem_shared>> -> memref<10112x32xf32, #tpu.memory_space<vmem_shared>>
      tpu.enqueue_indirect_dma source(%dma_start3A_88 : memref<10112x32xf32, #tpu.memory_space<vmem_shared>>) target(%arg20 : memref<128x32xf32, #tpu.memory_space<vmem>>) offsets(%dma_start3A_85 : memref<128xi32, #tpu.memory_space<vmem>>) semaphore(%arg23 : memref<!tpu.dma_semaphore, #tpu.memory_space<semaphore_mem>>)
      %add3A_89 = arith.constant 1 : i32
      %add3A_90 = arith.addi %add3A_65, %add3A_89 : i32
      %dma_start3A_91 = arith.constant 0 : i32
      %dma_start3A_92 = tpu.memref_slice %arg13[%add3A_90, %dma_start3A_91] : memref<80x128xi32, #tpu.memory_space<vmem>> -> memref<1x128xi32, #tpu.memory_space<vmem>>
      %dma_start3A_93 = tpu.memref_squeeze %dma_start3A_92 : memref<1x128xi32, #tpu.memory_space<vmem>> -> memref<128xi32, #tpu.memory_space<vmem>>
      %dma_start3A_94 = arith.constant 0 : i32
      %dma_start3A_95 = arith.constant 0 : i32
      %dma_start3A_96 = tpu.memref_slice %arg11[%dma_start3A_94, %dma_start3A_95] : memref<10112x32xf32, #tpu.memory_space<vmem_shared>> -> memref<10112x32xf32, #tpu.memory_space<vmem_shared>>
      tpu.enqueue_indirect_dma source(%dma_start3A_96 : memref<10112x32xf32, #tpu.memory_space<vmem_shared>>) target(%arg21 : memref<128x32xf32, #tpu.memory_space<vmem>>) offsets(%dma_start3A_93 : memref<128xi32, #tpu.memory_space<vmem>>) semaphore(%arg23 : memref<!tpu.dma_semaphore, #tpu.memory_space<semaphore_mem>>)
      %add3A_97 = arith.constant 0 : i32
      %add3A_98 = arith.addi %mul3A_63, %add3A_97 : i32
      %dma_start3A_99 = arith.constant 0 : i32
      %dma_start3A_100 = tpu.memref_slice %arg14[%add3A_98, %dma_start3A_99] : memref<80x128xi32, #tpu.memory_space<vmem>> -> memref<1x128xi32, #tpu.memory_space<vmem>>
      %dma_start3A_101 = tpu.memref_squeeze %dma_start3A_100 : memref<1x128xi32, #tpu.memory_space<vmem>> -> memref<128xi32, #tpu.memory_space<vmem>>
      %dma_start3A_102 = arith.constant 0 : i32
      %dma_start3A_103 = arith.constant 0 : i32
      %dma_start3A_104 = tpu.memref_slice %arg12[%dma_start3A_102, %dma_start3A_103] : memref<10112x32xf32, #tpu.memory_space<vmem_shared>> -> memref<10112x32xf32, #tpu.memory_space<vmem_shared>>
      tpu.enqueue_indirect_dma source(%arg18 : memref<128x32xf32, #tpu.memory_space<vmem>>) target(%dma_start3A_104 : memref<10112x32xf32, #tpu.memory_space<vmem_shared>>) offsets(%dma_start3A_101 : memref<128xi32, #tpu.memory_space<vmem>>) semaphore(%arg24 : memref<!tpu.dma_semaphore, #tpu.memory_space<semaphore_mem>>) {add = true}
      %add3A_105 = arith.constant 1 : i32
      %add3A_106 = arith.addi %mul3A_63, %add3A_105 : i32
      %dma_start3A_107 = arith.constant 0 : i32
      %dma_start3A_108 = tpu.memref_slice %arg14[%add3A_106, %dma_start3A_107] : memref<80x128xi32, #tpu.memory_space<vmem>> -> memref<1x128xi32, #tpu.memory_space<vmem>>
      %dma_start3A_109 = tpu.memref_squeeze %dma_start3A_108 : memref<1x128xi32, #tpu.memory_space<vmem>> -> memref<128xi32, #tpu.memory_space<vmem>>
      %dma_start3A_110 = arith.constant 0 : i32
      %dma_start3A_111 = arith.constant 0 : i32
      %dma_start3A_112 = tpu.memref_slice %arg12[%dma_start3A_110, %dma_start3A_111] : memref<10112x32xf32, #tpu.memory_space<vmem_shared>> -> memref<10112x32xf32, #tpu.memory_space<vmem_shared>>
      tpu.enqueue_indirect_dma source(%arg19 : memref<128x32xf32, #tpu.memory_space<vmem>>) target(%dma_start3A_112 : memref<10112x32xf32, #tpu.memory_space<vmem_shared>>) offsets(%dma_start3A_109 : memref<128xi32, #tpu.memory_space<vmem>>) semaphore(%arg24 : memref<!tpu.dma_semaphore, #tpu.memory_space<semaphore_mem>>) {add = true}
      %add3A_113 = arith.constant 0 : i32
      %add3A_114 = arith.addi %mul3A_63, %add3A_113 : i32
      %dma_wait3A_115 = arith.constant 0 : i32
      %dma_wait3A_116 = tpu.memref_slice %arg14[%add3A_114, %dma_wait3A_115] : memref<80x128xi32, #tpu.memory_space<vmem>> -> memref<1x128xi32, #tpu.memory_space<vmem>>
      %dma_wait3A_117 = tpu.memref_squeeze %dma_wait3A_116 : memref<1x128xi32, #tpu.memory_space<vmem>> -> memref<128xi32, #tpu.memory_space<vmem>>
      %dma_wait3A_118 = arith.constant 0 : i32
      %dma_wait3A_119 = arith.constant 0 : i32
      %dma_wait3A_120 = tpu.memref_slice %arg12[%dma_wait3A_118, %dma_wait3A_119] : memref<10112x32xf32, #tpu.memory_space<vmem_shared>> -> memref<10112x32xf32, #tpu.memory_space<vmem_shared>>
      tpu.wait_indirect_dma semaphore(%arg24 : memref<!tpu.dma_semaphore, #tpu.memory_space<semaphore_mem>>) src(%arg18 : memref<128x32xf32, #tpu.memory_space<vmem>>) dst(%dma_wait3A_120 : memref<10112x32xf32, #tpu.memory_space<vmem_shared>>)
      %add3A_121 = arith.constant 1 : i32
      %add3A_122 = arith.addi %mul3A_63, %add3A_121 : i32
      %dma_wait3A_123 = arith.constant 0 : i32
      %dma_wait3A_124 = tpu.memref_slice %arg14[%add3A_122, %dma_wait3A_123] : memref<80x128xi32, #tpu.memory_space<vmem>> -> memref<1x128xi32, #tpu.memory_space<vmem>>
      %dma_wait3A_125 = tpu.memref_squeeze %dma_wait3A_124 : memref<1x128xi32, #tpu.memory_space<vmem>> -> memref<128xi32, #tpu.memory_space<vmem>>
      %dma_wait3A_126 = arith.constant 0 : i32
      %dma_wait3A_127 = arith.constant 0 : i32
      %dma_wait3A_128 = tpu.memref_slice %arg12[%dma_wait3A_126, %dma_wait3A_127] : memref<10112x32xf32, #tpu.memory_space<vmem_shared>> -> memref<10112x32xf32, #tpu.memory_space<vmem_shared>>
      tpu.wait_indirect_dma semaphore(%arg24 : memref<!tpu.dma_semaphore, #tpu.memory_space<semaphore_mem>>) src(%arg19 : memref<128x32xf32, #tpu.memory_space<vmem>>) dst(%dma_wait3A_128 : memref<10112x32xf32, #tpu.memory_space<vmem_shared>>)
      %add3A_129 = arith.constant 0 : i32
      %add3A_130 = arith.addi %add3A_65, %add3A_129 : i32
      %dma_wait3A_131 = arith.constant 0 : i32
      %dma_wait3A_132 = tpu.memref_slice %arg13[%add3A_130, %dma_wait3A_131] : memref<80x128xi32, #tpu.memory_space<vmem>> -> memref<1x128xi32, #tpu.memory_space<vmem>>
      %dma_wait3A_133 = tpu.memref_squeeze %dma_wait3A_132 : memref<1x128xi32, #tpu.memory_space<vmem>> -> memref<128xi32, #tpu.memory_space<vmem>>
      %dma_wait3A_134 = arith.constant 0 : i32
      %dma_wait3A_135 = arith.constant 0 : i32
      %dma_wait3A_136 = tpu.memref_slice %arg11[%dma_wait3A_134, %dma_wait3A_135] : memref<10112x32xf32, #tpu.memory_space<vmem_shared>> -> memref<10112x32xf32, #tpu.memory_space<vmem_shared>>
      tpu.wait_indirect_dma semaphore(%arg23 : memref<!tpu.dma_semaphore, #tpu.memory_space<semaphore_mem>>) src(%dma_wait3A_136 : memref<10112x32xf32, #tpu.memory_space<vmem_shared>>) dst(%arg20 : memref<128x32xf32, #tpu.memory_space<vmem>>)
      %add3A_137 = arith.constant 1 : i32
      %add3A_138 = arith.addi %add3A_65, %add3A_137 : i32
      %dma_wait3A_139 = arith.constant 0 : i32
      %dma_wait3A_140 = tpu.memref_slice %arg13[%add3A_138, %dma_wait3A_139] : memref<80x128xi32, #tpu.memory_space<vmem>> -> memref<1x128xi32, #tpu.memory_space<vmem>>
      %dma_wait3A_141 = tpu.memref_squeeze %dma_wait3A_140 : memref<1x128xi32, #tpu.memory_space<vmem>> -> memref<128xi32, #tpu.memory_space<vmem>>
      %dma_wait3A_142 = arith.constant 0 : i32
      %dma_wait3A_143 = arith.constant 0 : i32
      %dma_wait3A_144 = tpu.memref_slice %arg11[%dma_wait3A_142, %dma_wait3A_143] : memref<10112x32xf32, #tpu.memory_space<vmem_shared>> -> memref<10112x32xf32, #tpu.memory_space<vmem_shared>>
      tpu.wait_indirect_dma semaphore(%arg23 : memref<!tpu.dma_semaphore, #tpu.memory_space<semaphore_mem>>) src(%dma_wait3A_144 : memref<10112x32xf32, #tpu.memory_space<vmem_shared>>) dst(%arg21 : memref<128x32xf32, #tpu.memory_space<vmem>>)
      %add3A_145 = arith.constant 1 : i32
      %add3A_146 = arith.addi %scan3A_58, %add3A_145 : i32
      %lt3A = arith.constant 20 : i32
      %lt3A_147 = arith.cmpi slt, %add3A_146, %lt3A : i32
      %convert_element_type3A_148 = arith.extui %lt3A_147 : i1 to i32
      %cond3A_149 = arith.constant 0 : i32
      %cond3A_150 = arith.cmpi ne, %convert_element_type3A_148, %cond3A_149 : i32
      scf.if %cond3A_150 {
        %add3A_184 = arith.constant 4 : i32
        %add3A_185 = arith.addi %mul3A_63, %add3A_184 : i32
        %add3A_186 = arith.constant 0 : i32
        %add3A_187 = arith.addi %add3A_185, %add3A_186 : i32
        %dma_start3A_188 = arith.constant 0 : i32
        %dma_start3A_189 = tpu.memref_slice %arg13[%add3A_187, %dma_start3A_188] : memref<80x128xi32, #tpu.memory_space<vmem>> -> memref<1x128xi32, #tpu.memory_space<vmem>>
        %dma_start3A_190 = tpu.memref_squeeze %dma_start3A_189 : memref<1x128xi32, #tpu.memory_space<vmem>> -> memref<128xi32, #tpu.memory_space<vmem>>
        %dma_start3A_191 = arith.constant 0 : i32
        %dma_start3A_192 = arith.constant 0 : i32
        %dma_start3A_193 = tpu.memref_slice %arg11[%dma_start3A_191, %dma_start3A_192] : memref<10112x32xf32, #tpu.memory_space<vmem_shared>> -> memref<10112x32xf32, #tpu.memory_space<vmem_shared>>
        tpu.enqueue_indirect_dma source(%dma_start3A_193 : memref<10112x32xf32, #tpu.memory_space<vmem_shared>>) target(%arg18 : memref<128x32xf32, #tpu.memory_space<vmem>>) offsets(%dma_start3A_190 : memref<128xi32, #tpu.memory_space<vmem>>) semaphore(%arg22 : memref<!tpu.dma_semaphore, #tpu.memory_space<semaphore_mem>>)
        %add3A_194 = arith.constant 1 : i32
        %add3A_195 = arith.addi %add3A_185, %add3A_194 : i32
        %dma_start3A_196 = arith.constant 0 : i32
        %dma_start3A_197 = tpu.memref_slice %arg13[%add3A_195, %dma_start3A_196] : memref<80x128xi32, #tpu.memory_space<vmem>> -> memref<1x128xi32, #tpu.memory_space<vmem>>
        %dma_start3A_198 = tpu.memref_squeeze %dma_start3A_197 : memref<1x128xi32, #tpu.memory_space<vmem>> -> memref<128xi32, #tpu.memory_space<vmem>>
        %dma_start3A_199 = arith.constant 0 : i32
        %dma_start3A_200 = arith.constant 0 : i32
        %dma_start3A_201 = tpu.memref_slice %arg11[%dma_start3A_199, %dma_start3A_200] : memref<10112x32xf32, #tpu.memory_space<vmem_shared>> -> memref<10112x32xf32, #tpu.memory_space<vmem_shared>>
        tpu.enqueue_indirect_dma source(%dma_start3A_201 : memref<10112x32xf32, #tpu.memory_space<vmem_shared>>) target(%arg19 : memref<128x32xf32, #tpu.memory_space<vmem>>) offsets(%dma_start3A_198 : memref<128xi32, #tpu.memory_space<vmem>>) semaphore(%arg22 : memref<!tpu.dma_semaphore, #tpu.memory_space<semaphore_mem>>)
      } else {
      }
      %add3A_151 = arith.constant 0 : i32
      %add3A_152 = arith.addi %add3A_65, %add3A_151 : i32
      %dma_start3A_153 = arith.constant 0 : i32
      %dma_start3A_154 = tpu.memref_slice %arg14[%add3A_152, %dma_start3A_153] : memref<80x128xi32, #tpu.memory_space<vmem>> -> memref<1x128xi32, #tpu.memory_space<vmem>>
      %dma_start3A_155 = tpu.memref_squeeze %dma_start3A_154 : memref<1x128xi32, #tpu.memory_space<vmem>> -> memref<128xi32, #tpu.memory_space<vmem>>
      %dma_start3A_156 = arith.constant 0 : i32
      %dma_start3A_157 = arith.constant 0 : i32
      %dma_start3A_158 = tpu.memref_slice %arg12[%dma_start3A_156, %dma_start3A_157] : memref<10112x32xf32, #tpu.memory_space<vmem_shared>> -> memref<10112x32xf32, #tpu.memory_space<vmem_shared>>
      tpu.enqueue_indirect_dma source(%arg20 : memref<128x32xf32, #tpu.memory_space<vmem>>) target(%dma_start3A_158 : memref<10112x32xf32, #tpu.memory_space<vmem_shared>>) offsets(%dma_start3A_155 : memref<128xi32, #tpu.memory_space<vmem>>) semaphore(%arg25 : memref<!tpu.dma_semaphore, #tpu.memory_space<semaphore_mem>>) {add = true}
      %add3A_159 = arith.constant 1 : i32
      %add3A_160 = arith.addi %add3A_65, %add3A_159 : i32
      %dma_start3A_161 = arith.constant 0 : i32
      %dma_start3A_162 = tpu.memref_slice %arg14[%add3A_160, %dma_start3A_161] : memref<80x128xi32, #tpu.memory_space<vmem>> -> memref<1x128xi32, #tpu.memory_space<vmem>>
      %dma_start3A_163 = tpu.memref_squeeze %dma_start3A_162 : memref<1x128xi32, #tpu.memory_space<vmem>> -> memref<128xi32, #tpu.memory_space<vmem>>
      %dma_start3A_164 = arith.constant 0 : i32
      %dma_start3A_165 = arith.constant 0 : i32
      %dma_start3A_166 = tpu.memref_slice %arg12[%dma_start3A_164, %dma_start3A_165] : memref<10112x32xf32, #tpu.memory_space<vmem_shared>> -> memref<10112x32xf32, #tpu.memory_space<vmem_shared>>
      tpu.enqueue_indirect_dma source(%arg21 : memref<128x32xf32, #tpu.memory_space<vmem>>) target(%dma_start3A_166 : memref<10112x32xf32, #tpu.memory_space<vmem_shared>>) offsets(%dma_start3A_163 : memref<128xi32, #tpu.memory_space<vmem>>) semaphore(%arg25 : memref<!tpu.dma_semaphore, #tpu.memory_space<semaphore_mem>>) {add = true}
      %add3A_167 = arith.constant 0 : i32
      %add3A_168 = arith.addi %add3A_65, %add3A_167 : i32
      %dma_wait3A_169 = arith.constant 0 : i32
      %dma_wait3A_170 = tpu.memref_slice %arg14[%add3A_168, %dma_wait3A_169] : memref<80x128xi32, #tpu.memory_space<vmem>> -> memref<1x128xi32, #tpu.memory_space<vmem>>
      %dma_wait3A_171 = tpu.memref_squeeze %dma_wait3A_170 : memref<1x128xi32, #tpu.memory_space<vmem>> -> memref<128xi32, #tpu.memory_space<vmem>>
      %dma_wait3A_172 = arith.constant 0 : i32
      %dma_wait3A_173 = arith.constant 0 : i32
      %dma_wait3A_174 = tpu.memref_slice %arg12[%dma_wait3A_172, %dma_wait3A_173] : memref<10112x32xf32, #tpu.memory_space<vmem_shared>> -> memref<10112x32xf32, #tpu.memory_space<vmem_shared>>
      tpu.wait_indirect_dma semaphore(%arg25 : memref<!tpu.dma_semaphore, #tpu.memory_space<semaphore_mem>>) src(%arg20 : memref<128x32xf32, #tpu.memory_space<vmem>>) dst(%dma_wait3A_174 : memref<10112x32xf32, #tpu.memory_space<vmem_shared>>)
      %add3A_175 = arith.constant 1 : i32
      %add3A_176 = arith.addi %add3A_65, %add3A_175 : i32
      %dma_wait3A_177 = arith.constant 0 : i32
      %dma_wait3A_178 = tpu.memref_slice %arg14[%add3A_176, %dma_wait3A_177] : memref<80x128xi32, #tpu.memory_space<vmem>> -> memref<1x128xi32, #tpu.memory_space<vmem>>
      %dma_wait3A_179 = tpu.memref_squeeze %dma_wait3A_178 : memref<1x128xi32, #tpu.memory_space<vmem>> -> memref<128xi32, #tpu.memory_space<vmem>>
      %dma_wait3A_180 = arith.constant 0 : i32
      %dma_wait3A_181 = arith.constant 0 : i32
      %dma_wait3A_182 = tpu.memref_slice %arg12[%dma_wait3A_180, %dma_wait3A_181] : memref<10112x32xf32, #tpu.memory_space<vmem_shared>> -> memref<10112x32xf32, #tpu.memory_space<vmem_shared>>
      tpu.wait_indirect_dma semaphore(%arg25 : memref<!tpu.dma_semaphore, #tpu.memory_space<semaphore_mem>>) src(%arg21 : memref<128x32xf32, #tpu.memory_space<vmem>>) dst(%dma_wait3A_182 : memref<10112x32xf32, #tpu.memory_space<vmem_shared>>)
      %scan3A_183 = arith.constant 0 : i32
      scf.yield %scan3A_183 : i32
    }
    %scan3A_53 = arith.constant 20 : i32
    %barrier3A_54 = arith.constant 0 : index
    tpu.barrier barrier_id(%barrier3A_54)
    %mul3A_55 = arith.constant 10112 : i32
    %mul3A_56 = arith.muli %arg0, %mul3A_55 : i32
    %add3A_57 = arith.addi %mul3A_56, %mul3A_0 : i32
    "tpu.region"() ({
      %run_scoped3A = tpu.sem_alloc : memref<!tpu.dma_semaphore, #tpu.memory_space<semaphore_mem>>
      %dma_start3A_58 = arith.constant 0 : i32
      %dma_start3A_59 = tpu.memref_slice %arg9[%add3A_57, %dma_start3A_58] : memref<20224x32xf32, #tpu.memory_space<hbm>> -> memref<632x32xf32, #tpu.memory_space<hbm>>
      %dma_start3A_60 = arith.constant 0 : i32
      %dma_start3A_61 = tpu.memref_slice %arg12[%mul3A_0, %dma_start3A_60] : memref<10112x32xf32, #tpu.memory_space<vmem_shared>> -> memref<632x32xf32, #tpu.memory_space<vmem_shared>>
      tpu.enqueue_dma source(%dma_start3A_61 : memref<632x32xf32, #tpu.memory_space<vmem_shared>>) target(%dma_start3A_59 : memref<632x32xf32, #tpu.memory_space<hbm>>) target_semaphore(%run_scoped3A : memref<!tpu.dma_semaphore, #tpu.memory_space<semaphore_mem>>)
      %dma_wait3A = arith.constant 0 : i32
      %dma_wait3A_62 = tpu.memref_slice %arg9[%add3A_57, %dma_wait3A] : memref<20224x32xf32, #tpu.memory_space<hbm>> -> memref<632x32xf32, #tpu.memory_space<hbm>>
      %dma_wait3A_63 = arith.constant 0 : i32
      %dma_wait3A_64 = tpu.memref_slice %arg12[%mul3A_0, %dma_wait3A_63] : memref<10112x32xf32, #tpu.memory_space<vmem_shared>> -> memref<632x32xf32, #tpu.memory_space<vmem_shared>>
      tpu.wait_dma2 semaphore(%run_scoped3A : memref<!tpu.dma_semaphore, #tpu.memory_space<semaphore_mem>>) src(%dma_wait3A_64 : memref<632x32xf32, #tpu.memory_space<vmem_shared>>) dst(%dma_wait3A_62 : memref<632x32xf32, #tpu.memory_space<hbm>>)
      tpu.yield
    }) : () -> ()
    return
  }
}

#map = affine_map<(d0, d1) -> (0, 0)>
module attributes {stable_mosaic.version = 14 : i64} {
  func.func @_sc_aggregate(%arg0: i32, %arg1: i32, %arg2: memref<2560x128xi32, #tpu.memory_space<hbm>>, %arg3: memref<2560x128xi32, #tpu.memory_space<hbm>>, %arg4: memref<10112x32xf32, #tpu.memory_space<hbm>>, %arg5: memref<10112x32xf32, #tpu.memory_space<hbm>>, %arg6: memref<20224x32xf32, #tpu.memory_space<hbm>>, %arg7: memref<10112x32xf32, #tpu.memory_space<vmem_shared>>, %arg8: memref<10112x32xf32, #tpu.memory_space<vmem_shared>>, %arg9: memref<80x128xi32, #tpu.memory_space<vmem>>, %arg10: memref<80x128xi32, #tpu.memory_space<vmem>>, %arg11: memref<128x32xf32, #tpu.memory_space<vmem>>, %arg12: memref<128x32xf32, #tpu.memory_space<vmem>>, %arg13: memref<128x32xf32, #tpu.memory_space<vmem>>, %arg14: memref<128x32xf32, #tpu.memory_space<vmem>>, %arg15: memref<128x32xf32, #tpu.memory_space<vmem>>, %arg16: memref<128x32xf32, #tpu.memory_space<vmem>>, %arg17: memref<128x32xf32, #tpu.memory_space<vmem>>, %arg18: memref<128x32xf32, #tpu.memory_space<vmem>>, %arg19: memref<128x32xf32, #tpu.memory_space<vmem>>, %arg20: memref<128x32xf32, #tpu.memory_space<vmem>>, %arg21: memref<128x32xf32, #tpu.memory_space<vmem>>, %arg22: memref<128x32xf32, #tpu.memory_space<vmem>>, %arg23: memref<128x32xf32, #tpu.memory_space<vmem>>, %arg24: memref<128x32xf32, #tpu.memory_space<vmem>>, %arg25: memref<128x32xf32, #tpu.memory_space<vmem>>, %arg26: memref<128x32xf32, #tpu.memory_space<vmem>>, %arg27: memref<!tpu.dma_semaphore, #tpu.memory_space<semaphore_mem>>, %arg28: memref<!tpu.dma_semaphore, #tpu.memory_space<semaphore_mem>>, %arg29: memref<!tpu.dma_semaphore, #tpu.memory_space<semaphore_mem>>, %arg30: memref<!tpu.dma_semaphore, #tpu.memory_space<semaphore_mem>>) attributes {dimension_semantics = [#tpu.dimension_semantics<core_parallel>, #tpu.dimension_semantics<subcore_parallel>], iteration_bounds = array<i64: 2, 16>, scalar_prefetch = 0 : i64, scratch_operands = 24 : i64, tpu.core_type = #tpu.core_type<sc_vector_subcore>, window_params = [{transform_indices = #map}, {transform_indices = #map}, {transform_indices = #map}, {transform_indices = #map}, {transform_indices = #map}]} {
    %mul3A = arith.constant 632 : i32
    %mul3A_0 = arith.muli %arg1, %mul3A : i32
    %mul3A_1 = arith.constant 2 : i32
    %mul3A_2 = arith.muli %arg1, %mul3A_1 : i32
    %add3A = arith.addi %mul3A_2, %arg0 : i32
    %mul3A_3 = arith.constant 80 : i32
    %mul3A_4 = arith.muli %add3A, %mul3A_3 : i32
    "tpu.region"() ({
      %run_scoped3A = tpu.sem_alloc : memref<!tpu.dma_semaphore, #tpu.memory_space<semaphore_mem>>
      %dma_start3A_72 = arith.constant 0 : i32
      %dma_start3A_73 = tpu.memref_slice %arg2[%mul3A_4, %dma_start3A_72] : memref<2560x128xi32, #tpu.memory_space<hbm>> -> memref<80x128xi32, #tpu.memory_space<hbm>>
      %dma_start3A_74 = arith.constant 0 : i32
      %dma_start3A_75 = tpu.memref_slice %arg2[%mul3A_4, %dma_start3A_74] : memref<2560x128xi32, #tpu.memory_space<hbm>> -> memref<80x128xi32, #tpu.memory_space<hbm>>
      tpu.enqueue_dma source(%dma_start3A_75 : memref<80x128xi32, #tpu.memory_space<hbm>>) target(%arg9 : memref<80x128xi32, #tpu.memory_space<vmem>>) target_semaphore(%run_scoped3A : memref<!tpu.dma_semaphore, #tpu.memory_space<semaphore_mem>>)
      %dma_wait3A = arith.constant 0 : i32
      %dma_wait3A_76 = tpu.memref_slice %arg2[%mul3A_4, %dma_wait3A] : memref<2560x128xi32, #tpu.memory_space<hbm>> -> memref<80x128xi32, #tpu.memory_space<hbm>>
      %dma_wait3A_77 = arith.constant 0 : i32
      %dma_wait3A_78 = tpu.memref_slice %arg2[%mul3A_4, %dma_wait3A_77] : memref<2560x128xi32, #tpu.memory_space<hbm>> -> memref<80x128xi32, #tpu.memory_space<hbm>>
      tpu.wait_dma2 semaphore(%run_scoped3A : memref<!tpu.dma_semaphore, #tpu.memory_space<semaphore_mem>>) src(%dma_wait3A_78 : memref<80x128xi32, #tpu.memory_space<hbm>>) dst(%arg9 : memref<80x128xi32, #tpu.memory_space<vmem>>)
      tpu.yield
    }) : () -> ()
    %mul3A_5 = arith.constant 80 : i32
    %mul3A_6 = arith.muli %add3A, %mul3A_5 : i32
    "tpu.region"() ({
      %run_scoped3A = tpu.sem_alloc : memref<!tpu.dma_semaphore, #tpu.memory_space<semaphore_mem>>
      %dma_start3A_72 = arith.constant 0 : i32
      %dma_start3A_73 = tpu.memref_slice %arg3[%mul3A_6, %dma_start3A_72] : memref<2560x128xi32, #tpu.memory_space<hbm>> -> memref<80x128xi32, #tpu.memory_space<hbm>>
      %dma_start3A_74 = arith.constant 0 : i32
      %dma_start3A_75 = tpu.memref_slice %arg3[%mul3A_6, %dma_start3A_74] : memref<2560x128xi32, #tpu.memory_space<hbm>> -> memref<80x128xi32, #tpu.memory_space<hbm>>
      tpu.enqueue_dma source(%dma_start3A_75 : memref<80x128xi32, #tpu.memory_space<hbm>>) target(%arg10 : memref<80x128xi32, #tpu.memory_space<vmem>>) target_semaphore(%run_scoped3A : memref<!tpu.dma_semaphore, #tpu.memory_space<semaphore_mem>>)
      %dma_wait3A = arith.constant 0 : i32
      %dma_wait3A_76 = tpu.memref_slice %arg3[%mul3A_6, %dma_wait3A] : memref<2560x128xi32, #tpu.memory_space<hbm>> -> memref<80x128xi32, #tpu.memory_space<hbm>>
      %dma_wait3A_77 = arith.constant 0 : i32
      %dma_wait3A_78 = tpu.memref_slice %arg3[%mul3A_6, %dma_wait3A_77] : memref<2560x128xi32, #tpu.memory_space<hbm>> -> memref<80x128xi32, #tpu.memory_space<hbm>>
      tpu.wait_dma2 semaphore(%run_scoped3A : memref<!tpu.dma_semaphore, #tpu.memory_space<semaphore_mem>>) src(%dma_wait3A_78 : memref<80x128xi32, #tpu.memory_space<hbm>>) dst(%arg10 : memref<80x128xi32, #tpu.memory_space<vmem>>)
      tpu.yield
    }) : () -> ()
    "tpu.region"() ({
      %run_scoped3A = tpu.sem_alloc : memref<!tpu.dma_semaphore, #tpu.memory_space<semaphore_mem>>
      %dma_start3A_72 = arith.constant 0 : i32
      %dma_start3A_73 = tpu.memref_slice %arg7[%mul3A_0, %dma_start3A_72] : memref<10112x32xf32, #tpu.memory_space<vmem_shared>> -> memref<632x32xf32, #tpu.memory_space<vmem_shared>>
      %dma_start3A_74 = arith.constant 0 : i32
      %dma_start3A_75 = tpu.memref_slice %arg4[%mul3A_0, %dma_start3A_74] : memref<10112x32xf32, #tpu.memory_space<hbm>> -> memref<632x32xf32, #tpu.memory_space<hbm>>
      tpu.enqueue_dma source(%dma_start3A_75 : memref<632x32xf32, #tpu.memory_space<hbm>>) target(%dma_start3A_73 : memref<632x32xf32, #tpu.memory_space<vmem_shared>>) target_semaphore(%run_scoped3A : memref<!tpu.dma_semaphore, #tpu.memory_space<semaphore_mem>>)
      %dma_wait3A = arith.constant 0 : i32
      %dma_wait3A_76 = tpu.memref_slice %arg7[%mul3A_0, %dma_wait3A] : memref<10112x32xf32, #tpu.memory_space<vmem_shared>> -> memref<632x32xf32, #tpu.memory_space<vmem_shared>>
      %dma_wait3A_77 = arith.constant 0 : i32
      %dma_wait3A_78 = tpu.memref_slice %arg4[%mul3A_0, %dma_wait3A_77] : memref<10112x32xf32, #tpu.memory_space<hbm>> -> memref<632x32xf32, #tpu.memory_space<hbm>>
      tpu.wait_dma2 semaphore(%run_scoped3A : memref<!tpu.dma_semaphore, #tpu.memory_space<semaphore_mem>>) src(%dma_wait3A_78 : memref<632x32xf32, #tpu.memory_space<hbm>>) dst(%dma_wait3A_76 : memref<632x32xf32, #tpu.memory_space<vmem_shared>>)
      tpu.yield
    }) : () -> ()
    "tpu.region"() ({
      %run_scoped3A = tpu.sem_alloc : memref<!tpu.dma_semaphore, #tpu.memory_space<semaphore_mem>>
      %dma_start3A_72 = arith.constant 0 : i32
      %dma_start3A_73 = tpu.memref_slice %arg8[%mul3A_0, %dma_start3A_72] : memref<10112x32xf32, #tpu.memory_space<vmem_shared>> -> memref<632x32xf32, #tpu.memory_space<vmem_shared>>
      %dma_start3A_74 = arith.constant 0 : i32
      %dma_start3A_75 = tpu.memref_slice %arg5[%mul3A_0, %dma_start3A_74] : memref<10112x32xf32, #tpu.memory_space<hbm>> -> memref<632x32xf32, #tpu.memory_space<hbm>>
      tpu.enqueue_dma source(%dma_start3A_75 : memref<632x32xf32, #tpu.memory_space<hbm>>) target(%dma_start3A_73 : memref<632x32xf32, #tpu.memory_space<vmem_shared>>) target_semaphore(%run_scoped3A : memref<!tpu.dma_semaphore, #tpu.memory_space<semaphore_mem>>)
      %dma_wait3A = arith.constant 0 : i32
      %dma_wait3A_76 = tpu.memref_slice %arg8[%mul3A_0, %dma_wait3A] : memref<10112x32xf32, #tpu.memory_space<vmem_shared>> -> memref<632x32xf32, #tpu.memory_space<vmem_shared>>
      %dma_wait3A_77 = arith.constant 0 : i32
      %dma_wait3A_78 = tpu.memref_slice %arg5[%mul3A_0, %dma_wait3A_77] : memref<10112x32xf32, #tpu.memory_space<hbm>> -> memref<632x32xf32, #tpu.memory_space<hbm>>
      tpu.wait_dma2 semaphore(%run_scoped3A : memref<!tpu.dma_semaphore, #tpu.memory_space<semaphore_mem>>) src(%dma_wait3A_78 : memref<632x32xf32, #tpu.memory_space<hbm>>) dst(%dma_wait3A_76 : memref<632x32xf32, #tpu.memory_space<vmem_shared>>)
      tpu.yield
    }) : () -> ()
    %barrier3A = arith.constant 0 : index
    tpu.barrier barrier_id(%barrier3A)
    %dma_start3A = arith.constant 0 : i32
    %dma_start3A_7 = arith.constant 0 : i32
    %dma_start3A_8 = tpu.memref_slice %arg9[%dma_start3A, %dma_start3A_7] : memref<80x128xi32, #tpu.memory_space<vmem>> -> memref<1x128xi32, #tpu.memory_space<vmem>>
    %dma_start3A_9 = tpu.memref_squeeze %dma_start3A_8 : memref<1x128xi32, #tpu.memory_space<vmem>> -> memref<128xi32, #tpu.memory_space<vmem>>
    %dma_start3A_10 = arith.constant 0 : i32
    %dma_start3A_11 = arith.constant 0 : i32
    %dma_start3A_12 = tpu.memref_slice %arg7[%dma_start3A_10, %dma_start3A_11] : memref<10112x32xf32, #tpu.memory_space<vmem_shared>> -> memref<10112x32xf32, #tpu.memory_space<vmem_shared>>
    tpu.enqueue_indirect_dma source(%dma_start3A_12 : memref<10112x32xf32, #tpu.memory_space<vmem_shared>>) target(%arg11 : memref<128x32xf32, #tpu.memory_space<vmem>>) offsets(%dma_start3A_9 : memref<128xi32, #tpu.memory_space<vmem>>) semaphore(%arg27 : memref<!tpu.dma_semaphore, #tpu.memory_space<semaphore_mem>>)
    %dma_start3A_13 = arith.constant 1 : i32
    %dma_start3A_14 = arith.constant 0 : i32
    %dma_start3A_15 = tpu.memref_slice %arg9[%dma_start3A_13, %dma_start3A_14] : memref<80x128xi32, #tpu.memory_space<vmem>> -> memref<1x128xi32, #tpu.memory_space<vmem>>
    %dma_start3A_16 = tpu.memref_squeeze %dma_start3A_15 : memref<1x128xi32, #tpu.memory_space<vmem>> -> memref<128xi32, #tpu.memory_space<vmem>>
    %dma_start3A_17 = arith.constant 0 : i32
    %dma_start3A_18 = arith.constant 0 : i32
    %dma_start3A_19 = tpu.memref_slice %arg7[%dma_start3A_17, %dma_start3A_18] : memref<10112x32xf32, #tpu.memory_space<vmem_shared>> -> memref<10112x32xf32, #tpu.memory_space<vmem_shared>>
    tpu.enqueue_indirect_dma source(%dma_start3A_19 : memref<10112x32xf32, #tpu.memory_space<vmem_shared>>) target(%arg12 : memref<128x32xf32, #tpu.memory_space<vmem>>) offsets(%dma_start3A_16 : memref<128xi32, #tpu.memory_space<vmem>>) semaphore(%arg27 : memref<!tpu.dma_semaphore, #tpu.memory_space<semaphore_mem>>)
    %dma_start3A_20 = arith.constant 2 : i32
    %dma_start3A_21 = arith.constant 0 : i32
    %dma_start3A_22 = tpu.memref_slice %arg9[%dma_start3A_20, %dma_start3A_21] : memref<80x128xi32, #tpu.memory_space<vmem>> -> memref<1x128xi32, #tpu.memory_space<vmem>>
    %dma_start3A_23 = tpu.memref_squeeze %dma_start3A_22 : memref<1x128xi32, #tpu.memory_space<vmem>> -> memref<128xi32, #tpu.memory_space<vmem>>
    %dma_start3A_24 = arith.constant 0 : i32
    %dma_start3A_25 = arith.constant 0 : i32
    %dma_start3A_26 = tpu.memref_slice %arg7[%dma_start3A_24, %dma_start3A_25] : memref<10112x32xf32, #tpu.memory_space<vmem_shared>> -> memref<10112x32xf32, #tpu.memory_space<vmem_shared>>
    tpu.enqueue_indirect_dma source(%dma_start3A_26 : memref<10112x32xf32, #tpu.memory_space<vmem_shared>>) target(%arg13 : memref<128x32xf32, #tpu.memory_space<vmem>>) offsets(%dma_start3A_23 : memref<128xi32, #tpu.memory_space<vmem>>) semaphore(%arg27 : memref<!tpu.dma_semaphore, #tpu.memory_space<semaphore_mem>>)
    %dma_start3A_27 = arith.constant 3 : i32
    %dma_start3A_28 = arith.constant 0 : i32
    %dma_start3A_29 = tpu.memref_slice %arg9[%dma_start3A_27, %dma_start3A_28] : memref<80x128xi32, #tpu.memory_space<vmem>> -> memref<1x128xi32, #tpu.memory_space<vmem>>
    %dma_start3A_30 = tpu.memref_squeeze %dma_start3A_29 : memref<1x128xi32, #tpu.memory_space<vmem>> -> memref<128xi32, #tpu.memory_space<vmem>>
    %dma_start3A_31 = arith.constant 0 : i32
    %dma_start3A_32 = arith.constant 0 : i32
    %dma_start3A_33 = tpu.memref_slice %arg7[%dma_start3A_31, %dma_start3A_32] : memref<10112x32xf32, #tpu.memory_space<vmem_shared>> -> memref<10112x32xf32, #tpu.memory_space<vmem_shared>>
    tpu.enqueue_indirect_dma source(%dma_start3A_33 : memref<10112x32xf32, #tpu.memory_space<vmem_shared>>) target(%arg14 : memref<128x32xf32, #tpu.memory_space<vmem>>) offsets(%dma_start3A_30 : memref<128xi32, #tpu.memory_space<vmem>>) semaphore(%arg27 : memref<!tpu.dma_semaphore, #tpu.memory_space<semaphore_mem>>)
    %dma_start3A_34 = arith.constant 4 : i32
    %dma_start3A_35 = arith.constant 0 : i32
    %dma_start3A_36 = tpu.memref_slice %arg9[%dma_start3A_34, %dma_start3A_35] : memref<80x128xi32, #tpu.memory_space<vmem>> -> memref<1x128xi32, #tpu.memory_space<vmem>>
    %dma_start3A_37 = tpu.memref_squeeze %dma_start3A_36 : memref<1x128xi32, #tpu.memory_space<vmem>> -> memref<128xi32, #tpu.memory_space<vmem>>
    %dma_start3A_38 = arith.constant 0 : i32
    %dma_start3A_39 = arith.constant 0 : i32
    %dma_start3A_40 = tpu.memref_slice %arg7[%dma_start3A_38, %dma_start3A_39] : memref<10112x32xf32, #tpu.memory_space<vmem_shared>> -> memref<10112x32xf32, #tpu.memory_space<vmem_shared>>
    tpu.enqueue_indirect_dma source(%dma_start3A_40 : memref<10112x32xf32, #tpu.memory_space<vmem_shared>>) target(%arg15 : memref<128x32xf32, #tpu.memory_space<vmem>>) offsets(%dma_start3A_37 : memref<128xi32, #tpu.memory_space<vmem>>) semaphore(%arg27 : memref<!tpu.dma_semaphore, #tpu.memory_space<semaphore_mem>>)
    %dma_start3A_41 = arith.constant 5 : i32
    %dma_start3A_42 = arith.constant 0 : i32
    %dma_start3A_43 = tpu.memref_slice %arg9[%dma_start3A_41, %dma_start3A_42] : memref<80x128xi32, #tpu.memory_space<vmem>> -> memref<1x128xi32, #tpu.memory_space<vmem>>
    %dma_start3A_44 = tpu.memref_squeeze %dma_start3A_43 : memref<1x128xi32, #tpu.memory_space<vmem>> -> memref<128xi32, #tpu.memory_space<vmem>>
    %dma_start3A_45 = arith.constant 0 : i32
    %dma_start3A_46 = arith.constant 0 : i32
    %dma_start3A_47 = tpu.memref_slice %arg7[%dma_start3A_45, %dma_start3A_46] : memref<10112x32xf32, #tpu.memory_space<vmem_shared>> -> memref<10112x32xf32, #tpu.memory_space<vmem_shared>>
    tpu.enqueue_indirect_dma source(%dma_start3A_47 : memref<10112x32xf32, #tpu.memory_space<vmem_shared>>) target(%arg16 : memref<128x32xf32, #tpu.memory_space<vmem>>) offsets(%dma_start3A_44 : memref<128xi32, #tpu.memory_space<vmem>>) semaphore(%arg27 : memref<!tpu.dma_semaphore, #tpu.memory_space<semaphore_mem>>)
    %dma_start3A_48 = arith.constant 6 : i32
    %dma_start3A_49 = arith.constant 0 : i32
    %dma_start3A_50 = tpu.memref_slice %arg9[%dma_start3A_48, %dma_start3A_49] : memref<80x128xi32, #tpu.memory_space<vmem>> -> memref<1x128xi32, #tpu.memory_space<vmem>>
    %dma_start3A_51 = tpu.memref_squeeze %dma_start3A_50 : memref<1x128xi32, #tpu.memory_space<vmem>> -> memref<128xi32, #tpu.memory_space<vmem>>
    %dma_start3A_52 = arith.constant 0 : i32
    %dma_start3A_53 = arith.constant 0 : i32
    %dma_start3A_54 = tpu.memref_slice %arg7[%dma_start3A_52, %dma_start3A_53] : memref<10112x32xf32, #tpu.memory_space<vmem_shared>> -> memref<10112x32xf32, #tpu.memory_space<vmem_shared>>
    tpu.enqueue_indirect_dma source(%dma_start3A_54 : memref<10112x32xf32, #tpu.memory_space<vmem_shared>>) target(%arg17 : memref<128x32xf32, #tpu.memory_space<vmem>>) offsets(%dma_start3A_51 : memref<128xi32, #tpu.memory_space<vmem>>) semaphore(%arg27 : memref<!tpu.dma_semaphore, #tpu.memory_space<semaphore_mem>>)
    %dma_start3A_55 = arith.constant 7 : i32
    %dma_start3A_56 = arith.constant 0 : i32
    %dma_start3A_57 = tpu.memref_slice %arg9[%dma_start3A_55, %dma_start3A_56] : memref<80x128xi32, #tpu.memory_space<vmem>> -> memref<1x128xi32, #tpu.memory_space<vmem>>
    %dma_start3A_58 = tpu.memref_squeeze %dma_start3A_57 : memref<1x128xi32, #tpu.memory_space<vmem>> -> memref<128xi32, #tpu.memory_space<vmem>>
    %dma_start3A_59 = arith.constant 0 : i32
    %dma_start3A_60 = arith.constant 0 : i32
    %dma_start3A_61 = tpu.memref_slice %arg7[%dma_start3A_59, %dma_start3A_60] : memref<10112x32xf32, #tpu.memory_space<vmem_shared>> -> memref<10112x32xf32, #tpu.memory_space<vmem_shared>>
    tpu.enqueue_indirect_dma source(%dma_start3A_61 : memref<10112x32xf32, #tpu.memory_space<vmem_shared>>) target(%arg18 : memref<128x32xf32, #tpu.memory_space<vmem>>) offsets(%dma_start3A_58 : memref<128xi32, #tpu.memory_space<vmem>>) semaphore(%arg27 : memref<!tpu.dma_semaphore, #tpu.memory_space<semaphore_mem>>)
    %scan3A = arith.constant 0 : i32
    %scan3A_62 = arith.constant 0 : i32
    %scan3A_63 = arith.constant 5 : i32
    %scan3A_64 = arith.addi %scan3A_62, %scan3A_63 : i32
    %scan3A_65 = arith.constant 1 : i32
    %scan3A_66 = scf.for %scan3A_72 = %scan3A_62 to %scan3A_64 step %scan3A_65 iter_args(%scan3A_73 = %scan3A) -> (i32)  : i32 {
      %mul3A_74 = arith.constant 2 : i32
      %mul3A_75 = arith.muli %mul3A_74, %scan3A_72 : i32
      %mul3A_76 = arith.constant 8 : i32
      %mul3A_77 = arith.muli %mul3A_75, %mul3A_76 : i32
      %add3A_78 = arith.constant 8 : i32
      %add3A_79 = arith.addi %mul3A_77, %add3A_78 : i32
      %add3A_80 = arith.constant 0 : i32
      %add3A_81 = arith.addi %mul3A_77, %add3A_80 : i32
      %dma_wait3A = arith.constant 0 : i32
      %dma_wait3A_82 = tpu.memref_slice %arg9[%add3A_81, %dma_wait3A] : memref<80x128xi32, #tpu.memory_space<vmem>> -> memref<1x128xi32, #tpu.memory_space<vmem>>
      %dma_wait3A_83 = tpu.memref_squeeze %dma_wait3A_82 : memref<1x128xi32, #tpu.memory_space<vmem>> -> memref<128xi32, #tpu.memory_space<vmem>>
      %dma_wait3A_84 = arith.constant 0 : i32
      %dma_wait3A_85 = arith.constant 0 : i32
      %dma_wait3A_86 = tpu.memref_slice %arg7[%dma_wait3A_84, %dma_wait3A_85] : memref<10112x32xf32, #tpu.memory_space<vmem_shared>> -> memref<10112x32xf32, #tpu.memory_space<vmem_shared>>
      tpu.wait_indirect_dma semaphore(%arg27 : memref<!tpu.dma_semaphore, #tpu.memory_space<semaphore_mem>>) src(%dma_wait3A_86 : memref<10112x32xf32, #tpu.memory_space<vmem_shared>>) dst(%arg11 : memref<128x32xf32, #tpu.memory_space<vmem>>)
      %add3A_87 = arith.constant 1 : i32
      %add3A_88 = arith.addi %mul3A_77, %add3A_87 : i32
      %dma_wait3A_89 = arith.constant 0 : i32
      %dma_wait3A_90 = tpu.memref_slice %arg9[%add3A_88, %dma_wait3A_89] : memref<80x128xi32, #tpu.memory_space<vmem>> -> memref<1x128xi32, #tpu.memory_space<vmem>>
      %dma_wait3A_91 = tpu.memref_squeeze %dma_wait3A_90 : memref<1x128xi32, #tpu.memory_space<vmem>> -> memref<128xi32, #tpu.memory_space<vmem>>
      %dma_wait3A_92 = arith.constant 0 : i32
      %dma_wait3A_93 = arith.constant 0 : i32
      %dma_wait3A_94 = tpu.memref_slice %arg7[%dma_wait3A_92, %dma_wait3A_93] : memref<10112x32xf32, #tpu.memory_space<vmem_shared>> -> memref<10112x32xf32, #tpu.memory_space<vmem_shared>>
      tpu.wait_indirect_dma semaphore(%arg27 : memref<!tpu.dma_semaphore, #tpu.memory_space<semaphore_mem>>) src(%dma_wait3A_94 : memref<10112x32xf32, #tpu.memory_space<vmem_shared>>) dst(%arg12 : memref<128x32xf32, #tpu.memory_space<vmem>>)
      %add3A_95 = arith.constant 2 : i32
      %add3A_96 = arith.addi %mul3A_77, %add3A_95 : i32
      %dma_wait3A_97 = arith.constant 0 : i32
      %dma_wait3A_98 = tpu.memref_slice %arg9[%add3A_96, %dma_wait3A_97] : memref<80x128xi32, #tpu.memory_space<vmem>> -> memref<1x128xi32, #tpu.memory_space<vmem>>
      %dma_wait3A_99 = tpu.memref_squeeze %dma_wait3A_98 : memref<1x128xi32, #tpu.memory_space<vmem>> -> memref<128xi32, #tpu.memory_space<vmem>>
      %dma_wait3A_100 = arith.constant 0 : i32
      %dma_wait3A_101 = arith.constant 0 : i32
      %dma_wait3A_102 = tpu.memref_slice %arg7[%dma_wait3A_100, %dma_wait3A_101] : memref<10112x32xf32, #tpu.memory_space<vmem_shared>> -> memref<10112x32xf32, #tpu.memory_space<vmem_shared>>
      tpu.wait_indirect_dma semaphore(%arg27 : memref<!tpu.dma_semaphore, #tpu.memory_space<semaphore_mem>>) src(%dma_wait3A_102 : memref<10112x32xf32, #tpu.memory_space<vmem_shared>>) dst(%arg13 : memref<128x32xf32, #tpu.memory_space<vmem>>)
      %add3A_103 = arith.constant 3 : i32
      %add3A_104 = arith.addi %mul3A_77, %add3A_103 : i32
      %dma_wait3A_105 = arith.constant 0 : i32
      %dma_wait3A_106 = tpu.memref_slice %arg9[%add3A_104, %dma_wait3A_105] : memref<80x128xi32, #tpu.memory_space<vmem>> -> memref<1x128xi32, #tpu.memory_space<vmem>>
      %dma_wait3A_107 = tpu.memref_squeeze %dma_wait3A_106 : memref<1x128xi32, #tpu.memory_space<vmem>> -> memref<128xi32, #tpu.memory_space<vmem>>
      %dma_wait3A_108 = arith.constant 0 : i32
      %dma_wait3A_109 = arith.constant 0 : i32
      %dma_wait3A_110 = tpu.memref_slice %arg7[%dma_wait3A_108, %dma_wait3A_109] : memref<10112x32xf32, #tpu.memory_space<vmem_shared>> -> memref<10112x32xf32, #tpu.memory_space<vmem_shared>>
      tpu.wait_indirect_dma semaphore(%arg27 : memref<!tpu.dma_semaphore, #tpu.memory_space<semaphore_mem>>) src(%dma_wait3A_110 : memref<10112x32xf32, #tpu.memory_space<vmem_shared>>) dst(%arg14 : memref<128x32xf32, #tpu.memory_space<vmem>>)
      %add3A_111 = arith.constant 4 : i32
      %add3A_112 = arith.addi %mul3A_77, %add3A_111 : i32
      %dma_wait3A_113 = arith.constant 0 : i32
      %dma_wait3A_114 = tpu.memref_slice %arg9[%add3A_112, %dma_wait3A_113] : memref<80x128xi32, #tpu.memory_space<vmem>> -> memref<1x128xi32, #tpu.memory_space<vmem>>
      %dma_wait3A_115 = tpu.memref_squeeze %dma_wait3A_114 : memref<1x128xi32, #tpu.memory_space<vmem>> -> memref<128xi32, #tpu.memory_space<vmem>>
      %dma_wait3A_116 = arith.constant 0 : i32
      %dma_wait3A_117 = arith.constant 0 : i32
      %dma_wait3A_118 = tpu.memref_slice %arg7[%dma_wait3A_116, %dma_wait3A_117] : memref<10112x32xf32, #tpu.memory_space<vmem_shared>> -> memref<10112x32xf32, #tpu.memory_space<vmem_shared>>
      tpu.wait_indirect_dma semaphore(%arg27 : memref<!tpu.dma_semaphore, #tpu.memory_space<semaphore_mem>>) src(%dma_wait3A_118 : memref<10112x32xf32, #tpu.memory_space<vmem_shared>>) dst(%arg15 : memref<128x32xf32, #tpu.memory_space<vmem>>)
      %add3A_119 = arith.constant 5 : i32
      %add3A_120 = arith.addi %mul3A_77, %add3A_119 : i32
      %dma_wait3A_121 = arith.constant 0 : i32
      %dma_wait3A_122 = tpu.memref_slice %arg9[%add3A_120, %dma_wait3A_121] : memref<80x128xi32, #tpu.memory_space<vmem>> -> memref<1x128xi32, #tpu.memory_space<vmem>>
      %dma_wait3A_123 = tpu.memref_squeeze %dma_wait3A_122 : memref<1x128xi32, #tpu.memory_space<vmem>> -> memref<128xi32, #tpu.memory_space<vmem>>
      %dma_wait3A_124 = arith.constant 0 : i32
      %dma_wait3A_125 = arith.constant 0 : i32
      %dma_wait3A_126 = tpu.memref_slice %arg7[%dma_wait3A_124, %dma_wait3A_125] : memref<10112x32xf32, #tpu.memory_space<vmem_shared>> -> memref<10112x32xf32, #tpu.memory_space<vmem_shared>>
      tpu.wait_indirect_dma semaphore(%arg27 : memref<!tpu.dma_semaphore, #tpu.memory_space<semaphore_mem>>) src(%dma_wait3A_126 : memref<10112x32xf32, #tpu.memory_space<vmem_shared>>) dst(%arg16 : memref<128x32xf32, #tpu.memory_space<vmem>>)
      %add3A_127 = arith.constant 6 : i32
      %add3A_128 = arith.addi %mul3A_77, %add3A_127 : i32
      %dma_wait3A_129 = arith.constant 0 : i32
      %dma_wait3A_130 = tpu.memref_slice %arg9[%add3A_128, %dma_wait3A_129] : memref<80x128xi32, #tpu.memory_space<vmem>> -> memref<1x128xi32, #tpu.memory_space<vmem>>
      %dma_wait3A_131 = tpu.memref_squeeze %dma_wait3A_130 : memref<1x128xi32, #tpu.memory_space<vmem>> -> memref<128xi32, #tpu.memory_space<vmem>>
      %dma_wait3A_132 = arith.constant 0 : i32
      %dma_wait3A_133 = arith.constant 0 : i32
      %dma_wait3A_134 = tpu.memref_slice %arg7[%dma_wait3A_132, %dma_wait3A_133] : memref<10112x32xf32, #tpu.memory_space<vmem_shared>> -> memref<10112x32xf32, #tpu.memory_space<vmem_shared>>
      tpu.wait_indirect_dma semaphore(%arg27 : memref<!tpu.dma_semaphore, #tpu.memory_space<semaphore_mem>>) src(%dma_wait3A_134 : memref<10112x32xf32, #tpu.memory_space<vmem_shared>>) dst(%arg17 : memref<128x32xf32, #tpu.memory_space<vmem>>)
      %add3A_135 = arith.constant 7 : i32
      %add3A_136 = arith.addi %mul3A_77, %add3A_135 : i32
      %dma_wait3A_137 = arith.constant 0 : i32
      %dma_wait3A_138 = tpu.memref_slice %arg9[%add3A_136, %dma_wait3A_137] : memref<80x128xi32, #tpu.memory_space<vmem>> -> memref<1x128xi32, #tpu.memory_space<vmem>>
      %dma_wait3A_139 = tpu.memref_squeeze %dma_wait3A_138 : memref<1x128xi32, #tpu.memory_space<vmem>> -> memref<128xi32, #tpu.memory_space<vmem>>
      %dma_wait3A_140 = arith.constant 0 : i32
      %dma_wait3A_141 = arith.constant 0 : i32
      %dma_wait3A_142 = tpu.memref_slice %arg7[%dma_wait3A_140, %dma_wait3A_141] : memref<10112x32xf32, #tpu.memory_space<vmem_shared>> -> memref<10112x32xf32, #tpu.memory_space<vmem_shared>>
      tpu.wait_indirect_dma semaphore(%arg27 : memref<!tpu.dma_semaphore, #tpu.memory_space<semaphore_mem>>) src(%dma_wait3A_142 : memref<10112x32xf32, #tpu.memory_space<vmem_shared>>) dst(%arg18 : memref<128x32xf32, #tpu.memory_space<vmem>>)
      %add3A_143 = arith.constant 0 : i32
      %add3A_144 = arith.addi %add3A_79, %add3A_143 : i32
      %dma_start3A_145 = arith.constant 0 : i32
      %dma_start3A_146 = tpu.memref_slice %arg9[%add3A_144, %dma_start3A_145] : memref<80x128xi32, #tpu.memory_space<vmem>> -> memref<1x128xi32, #tpu.memory_space<vmem>>
      %dma_start3A_147 = tpu.memref_squeeze %dma_start3A_146 : memref<1x128xi32, #tpu.memory_space<vmem>> -> memref<128xi32, #tpu.memory_space<vmem>>
      %dma_start3A_148 = arith.constant 0 : i32
      %dma_start3A_149 = arith.constant 0 : i32
      %dma_start3A_150 = tpu.memref_slice %arg7[%dma_start3A_148, %dma_start3A_149] : memref<10112x32xf32, #tpu.memory_space<vmem_shared>> -> memref<10112x32xf32, #tpu.memory_space<vmem_shared>>
      tpu.enqueue_indirect_dma source(%dma_start3A_150 : memref<10112x32xf32, #tpu.memory_space<vmem_shared>>) target(%arg19 : memref<128x32xf32, #tpu.memory_space<vmem>>) offsets(%dma_start3A_147 : memref<128xi32, #tpu.memory_space<vmem>>) semaphore(%arg28 : memref<!tpu.dma_semaphore, #tpu.memory_space<semaphore_mem>>)
      %add3A_151 = arith.constant 1 : i32
      %add3A_152 = arith.addi %add3A_79, %add3A_151 : i32
      %dma_start3A_153 = arith.constant 0 : i32
      %dma_start3A_154 = tpu.memref_slice %arg9[%add3A_152, %dma_start3A_153] : memref<80x128xi32, #tpu.memory_space<vmem>> -> memref<1x128xi32, #tpu.memory_space<vmem>>
      %dma_start3A_155 = tpu.memref_squeeze %dma_start3A_154 : memref<1x128xi32, #tpu.memory_space<vmem>> -> memref<128xi32, #tpu.memory_space<vmem>>
      %dma_start3A_156 = arith.constant 0 : i32
      %dma_start3A_157 = arith.constant 0 : i32
      %dma_start3A_158 = tpu.memref_slice %arg7[%dma_start3A_156, %dma_start3A_157] : memref<10112x32xf32, #tpu.memory_space<vmem_shared>> -> memref<10112x32xf32, #tpu.memory_space<vmem_shared>>
      tpu.enqueue_indirect_dma source(%dma_start3A_158 : memref<10112x32xf32, #tpu.memory_space<vmem_shared>>) target(%arg20 : memref<128x32xf32, #tpu.memory_space<vmem>>) offsets(%dma_start3A_155 : memref<128xi32, #tpu.memory_space<vmem>>) semaphore(%arg28 : memref<!tpu.dma_semaphore, #tpu.memory_space<semaphore_mem>>)
      %add3A_159 = arith.constant 2 : i32
      %add3A_160 = arith.addi %add3A_79, %add3A_159 : i32
      %dma_start3A_161 = arith.constant 0 : i32
      %dma_start3A_162 = tpu.memref_slice %arg9[%add3A_160, %dma_start3A_161] : memref<80x128xi32, #tpu.memory_space<vmem>> -> memref<1x128xi32, #tpu.memory_space<vmem>>
      %dma_start3A_163 = tpu.memref_squeeze %dma_start3A_162 : memref<1x128xi32, #tpu.memory_space<vmem>> -> memref<128xi32, #tpu.memory_space<vmem>>
      %dma_start3A_164 = arith.constant 0 : i32
      %dma_start3A_165 = arith.constant 0 : i32
      %dma_start3A_166 = tpu.memref_slice %arg7[%dma_start3A_164, %dma_start3A_165] : memref<10112x32xf32, #tpu.memory_space<vmem_shared>> -> memref<10112x32xf32, #tpu.memory_space<vmem_shared>>
      tpu.enqueue_indirect_dma source(%dma_start3A_166 : memref<10112x32xf32, #tpu.memory_space<vmem_shared>>) target(%arg21 : memref<128x32xf32, #tpu.memory_space<vmem>>) offsets(%dma_start3A_163 : memref<128xi32, #tpu.memory_space<vmem>>) semaphore(%arg28 : memref<!tpu.dma_semaphore, #tpu.memory_space<semaphore_mem>>)
      %add3A_167 = arith.constant 3 : i32
      %add3A_168 = arith.addi %add3A_79, %add3A_167 : i32
      %dma_start3A_169 = arith.constant 0 : i32
      %dma_start3A_170 = tpu.memref_slice %arg9[%add3A_168, %dma_start3A_169] : memref<80x128xi32, #tpu.memory_space<vmem>> -> memref<1x128xi32, #tpu.memory_space<vmem>>
      %dma_start3A_171 = tpu.memref_squeeze %dma_start3A_170 : memref<1x128xi32, #tpu.memory_space<vmem>> -> memref<128xi32, #tpu.memory_space<vmem>>
      %dma_start3A_172 = arith.constant 0 : i32
      %dma_start3A_173 = arith.constant 0 : i32
      %dma_start3A_174 = tpu.memref_slice %arg7[%dma_start3A_172, %dma_start3A_173] : memref<10112x32xf32, #tpu.memory_space<vmem_shared>> -> memref<10112x32xf32, #tpu.memory_space<vmem_shared>>
      tpu.enqueue_indirect_dma source(%dma_start3A_174 : memref<10112x32xf32, #tpu.memory_space<vmem_shared>>) target(%arg22 : memref<128x32xf32, #tpu.memory_space<vmem>>) offsets(%dma_start3A_171 : memref<128xi32, #tpu.memory_space<vmem>>) semaphore(%arg28 : memref<!tpu.dma_semaphore, #tpu.memory_space<semaphore_mem>>)
      %add3A_175 = arith.constant 4 : i32
      %add3A_176 = arith.addi %add3A_79, %add3A_175 : i32
      %dma_start3A_177 = arith.constant 0 : i32
      %dma_start3A_178 = tpu.memref_slice %arg9[%add3A_176, %dma_start3A_177] : memref<80x128xi32, #tpu.memory_space<vmem>> -> memref<1x128xi32, #tpu.memory_space<vmem>>
      %dma_start3A_179 = tpu.memref_squeeze %dma_start3A_178 : memref<1x128xi32, #tpu.memory_space<vmem>> -> memref<128xi32, #tpu.memory_space<vmem>>
      %dma_start3A_180 = arith.constant 0 : i32
      %dma_start3A_181 = arith.constant 0 : i32
      %dma_start3A_182 = tpu.memref_slice %arg7[%dma_start3A_180, %dma_start3A_181] : memref<10112x32xf32, #tpu.memory_space<vmem_shared>> -> memref<10112x32xf32, #tpu.memory_space<vmem_shared>>
      tpu.enqueue_indirect_dma source(%dma_start3A_182 : memref<10112x32xf32, #tpu.memory_space<vmem_shared>>) target(%arg23 : memref<128x32xf32, #tpu.memory_space<vmem>>) offsets(%dma_start3A_179 : memref<128xi32, #tpu.memory_space<vmem>>) semaphore(%arg28 : memref<!tpu.dma_semaphore, #tpu.memory_space<semaphore_mem>>)
      %add3A_183 = arith.constant 5 : i32
      %add3A_184 = arith.addi %add3A_79, %add3A_183 : i32
      %dma_start3A_185 = arith.constant 0 : i32
      %dma_start3A_186 = tpu.memref_slice %arg9[%add3A_184, %dma_start3A_185] : memref<80x128xi32, #tpu.memory_space<vmem>> -> memref<1x128xi32, #tpu.memory_space<vmem>>
      %dma_start3A_187 = tpu.memref_squeeze %dma_start3A_186 : memref<1x128xi32, #tpu.memory_space<vmem>> -> memref<128xi32, #tpu.memory_space<vmem>>
      %dma_start3A_188 = arith.constant 0 : i32
      %dma_start3A_189 = arith.constant 0 : i32
      %dma_start3A_190 = tpu.memref_slice %arg7[%dma_start3A_188, %dma_start3A_189] : memref<10112x32xf32, #tpu.memory_space<vmem_shared>> -> memref<10112x32xf32, #tpu.memory_space<vmem_shared>>
      tpu.enqueue_indirect_dma source(%dma_start3A_190 : memref<10112x32xf32, #tpu.memory_space<vmem_shared>>) target(%arg24 : memref<128x32xf32, #tpu.memory_space<vmem>>) offsets(%dma_start3A_187 : memref<128xi32, #tpu.memory_space<vmem>>) semaphore(%arg28 : memref<!tpu.dma_semaphore, #tpu.memory_space<semaphore_mem>>)
      %add3A_191 = arith.constant 6 : i32
      %add3A_192 = arith.addi %add3A_79, %add3A_191 : i32
      %dma_start3A_193 = arith.constant 0 : i32
      %dma_start3A_194 = tpu.memref_slice %arg9[%add3A_192, %dma_start3A_193] : memref<80x128xi32, #tpu.memory_space<vmem>> -> memref<1x128xi32, #tpu.memory_space<vmem>>
      %dma_start3A_195 = tpu.memref_squeeze %dma_start3A_194 : memref<1x128xi32, #tpu.memory_space<vmem>> -> memref<128xi32, #tpu.memory_space<vmem>>
      %dma_start3A_196 = arith.constant 0 : i32
      %dma_start3A_197 = arith.constant 0 : i32
      %dma_start3A_198 = tpu.memref_slice %arg7[%dma_start3A_196, %dma_start3A_197] : memref<10112x32xf32, #tpu.memory_space<vmem_shared>> -> memref<10112x32xf32, #tpu.memory_space<vmem_shared>>
      tpu.enqueue_indirect_dma source(%dma_start3A_198 : memref<10112x32xf32, #tpu.memory_space<vmem_shared>>) target(%arg25 : memref<128x32xf32, #tpu.memory_space<vmem>>) offsets(%dma_start3A_195 : memref<128xi32, #tpu.memory_space<vmem>>) semaphore(%arg28 : memref<!tpu.dma_semaphore, #tpu.memory_space<semaphore_mem>>)
      %add3A_199 = arith.constant 7 : i32
      %add3A_200 = arith.addi %add3A_79, %add3A_199 : i32
      %dma_start3A_201 = arith.constant 0 : i32
      %dma_start3A_202 = tpu.memref_slice %arg9[%add3A_200, %dma_start3A_201] : memref<80x128xi32, #tpu.memory_space<vmem>> -> memref<1x128xi32, #tpu.memory_space<vmem>>
      %dma_start3A_203 = tpu.memref_squeeze %dma_start3A_202 : memref<1x128xi32, #tpu.memory_space<vmem>> -> memref<128xi32, #tpu.memory_space<vmem>>
      %dma_start3A_204 = arith.constant 0 : i32
      %dma_start3A_205 = arith.constant 0 : i32
      %dma_start3A_206 = tpu.memref_slice %arg7[%dma_start3A_204, %dma_start3A_205] : memref<10112x32xf32, #tpu.memory_space<vmem_shared>> -> memref<10112x32xf32, #tpu.memory_space<vmem_shared>>
      tpu.enqueue_indirect_dma source(%dma_start3A_206 : memref<10112x32xf32, #tpu.memory_space<vmem_shared>>) target(%arg26 : memref<128x32xf32, #tpu.memory_space<vmem>>) offsets(%dma_start3A_203 : memref<128xi32, #tpu.memory_space<vmem>>) semaphore(%arg28 : memref<!tpu.dma_semaphore, #tpu.memory_space<semaphore_mem>>)
      %add3A_207 = arith.constant 0 : i32
      %add3A_208 = arith.addi %mul3A_77, %add3A_207 : i32
      %dma_start3A_209 = arith.constant 0 : i32
      %dma_start3A_210 = tpu.memref_slice %arg10[%add3A_208, %dma_start3A_209] : memref<80x128xi32, #tpu.memory_space<vmem>> -> memref<1x128xi32, #tpu.memory_space<vmem>>
      %dma_start3A_211 = tpu.memref_squeeze %dma_start3A_210 : memref<1x128xi32, #tpu.memory_space<vmem>> -> memref<128xi32, #tpu.memory_space<vmem>>
      %dma_start3A_212 = arith.constant 0 : i32
      %dma_start3A_213 = arith.constant 0 : i32
      %dma_start3A_214 = tpu.memref_slice %arg8[%dma_start3A_212, %dma_start3A_213] : memref<10112x32xf32, #tpu.memory_space<vmem_shared>> -> memref<10112x32xf32, #tpu.memory_space<vmem_shared>>
      tpu.enqueue_indirect_dma source(%arg11 : memref<128x32xf32, #tpu.memory_space<vmem>>) target(%dma_start3A_214 : memref<10112x32xf32, #tpu.memory_space<vmem_shared>>) offsets(%dma_start3A_211 : memref<128xi32, #tpu.memory_space<vmem>>) semaphore(%arg29 : memref<!tpu.dma_semaphore, #tpu.memory_space<semaphore_mem>>) {add = true}
      %add3A_215 = arith.constant 1 : i32
      %add3A_216 = arith.addi %mul3A_77, %add3A_215 : i32
      %dma_start3A_217 = arith.constant 0 : i32
      %dma_start3A_218 = tpu.memref_slice %arg10[%add3A_216, %dma_start3A_217] : memref<80x128xi32, #tpu.memory_space<vmem>> -> memref<1x128xi32, #tpu.memory_space<vmem>>
      %dma_start3A_219 = tpu.memref_squeeze %dma_start3A_218 : memref<1x128xi32, #tpu.memory_space<vmem>> -> memref<128xi32, #tpu.memory_space<vmem>>
      %dma_start3A_220 = arith.constant 0 : i32
      %dma_start3A_221 = arith.constant 0 : i32
      %dma_start3A_222 = tpu.memref_slice %arg8[%dma_start3A_220, %dma_start3A_221] : memref<10112x32xf32, #tpu.memory_space<vmem_shared>> -> memref<10112x32xf32, #tpu.memory_space<vmem_shared>>
      tpu.enqueue_indirect_dma source(%arg12 : memref<128x32xf32, #tpu.memory_space<vmem>>) target(%dma_start3A_222 : memref<10112x32xf32, #tpu.memory_space<vmem_shared>>) offsets(%dma_start3A_219 : memref<128xi32, #tpu.memory_space<vmem>>) semaphore(%arg29 : memref<!tpu.dma_semaphore, #tpu.memory_space<semaphore_mem>>) {add = true}
      %add3A_223 = arith.constant 2 : i32
      %add3A_224 = arith.addi %mul3A_77, %add3A_223 : i32
      %dma_start3A_225 = arith.constant 0 : i32
      %dma_start3A_226 = tpu.memref_slice %arg10[%add3A_224, %dma_start3A_225] : memref<80x128xi32, #tpu.memory_space<vmem>> -> memref<1x128xi32, #tpu.memory_space<vmem>>
      %dma_start3A_227 = tpu.memref_squeeze %dma_start3A_226 : memref<1x128xi32, #tpu.memory_space<vmem>> -> memref<128xi32, #tpu.memory_space<vmem>>
      %dma_start3A_228 = arith.constant 0 : i32
      %dma_start3A_229 = arith.constant 0 : i32
      %dma_start3A_230 = tpu.memref_slice %arg8[%dma_start3A_228, %dma_start3A_229] : memref<10112x32xf32, #tpu.memory_space<vmem_shared>> -> memref<10112x32xf32, #tpu.memory_space<vmem_shared>>
      tpu.enqueue_indirect_dma source(%arg13 : memref<128x32xf32, #tpu.memory_space<vmem>>) target(%dma_start3A_230 : memref<10112x32xf32, #tpu.memory_space<vmem_shared>>) offsets(%dma_start3A_227 : memref<128xi32, #tpu.memory_space<vmem>>) semaphore(%arg29 : memref<!tpu.dma_semaphore, #tpu.memory_space<semaphore_mem>>) {add = true}
      %add3A_231 = arith.constant 3 : i32
      %add3A_232 = arith.addi %mul3A_77, %add3A_231 : i32
      %dma_start3A_233 = arith.constant 0 : i32
      %dma_start3A_234 = tpu.memref_slice %arg10[%add3A_232, %dma_start3A_233] : memref<80x128xi32, #tpu.memory_space<vmem>> -> memref<1x128xi32, #tpu.memory_space<vmem>>
      %dma_start3A_235 = tpu.memref_squeeze %dma_start3A_234 : memref<1x128xi32, #tpu.memory_space<vmem>> -> memref<128xi32, #tpu.memory_space<vmem>>
      %dma_start3A_236 = arith.constant 0 : i32
      %dma_start3A_237 = arith.constant 0 : i32
      %dma_start3A_238 = tpu.memref_slice %arg8[%dma_start3A_236, %dma_start3A_237] : memref<10112x32xf32, #tpu.memory_space<vmem_shared>> -> memref<10112x32xf32, #tpu.memory_space<vmem_shared>>
      tpu.enqueue_indirect_dma source(%arg14 : memref<128x32xf32, #tpu.memory_space<vmem>>) target(%dma_start3A_238 : memref<10112x32xf32, #tpu.memory_space<vmem_shared>>) offsets(%dma_start3A_235 : memref<128xi32, #tpu.memory_space<vmem>>) semaphore(%arg29 : memref<!tpu.dma_semaphore, #tpu.memory_space<semaphore_mem>>) {add = true}
      %add3A_239 = arith.constant 4 : i32
      %add3A_240 = arith.addi %mul3A_77, %add3A_239 : i32
      %dma_start3A_241 = arith.constant 0 : i32
      %dma_start3A_242 = tpu.memref_slice %arg10[%add3A_240, %dma_start3A_241] : memref<80x128xi32, #tpu.memory_space<vmem>> -> memref<1x128xi32, #tpu.memory_space<vmem>>
      %dma_start3A_243 = tpu.memref_squeeze %dma_start3A_242 : memref<1x128xi32, #tpu.memory_space<vmem>> -> memref<128xi32, #tpu.memory_space<vmem>>
      %dma_start3A_244 = arith.constant 0 : i32
      %dma_start3A_245 = arith.constant 0 : i32
      %dma_start3A_246 = tpu.memref_slice %arg8[%dma_start3A_244, %dma_start3A_245] : memref<10112x32xf32, #tpu.memory_space<vmem_shared>> -> memref<10112x32xf32, #tpu.memory_space<vmem_shared>>
      tpu.enqueue_indirect_dma source(%arg15 : memref<128x32xf32, #tpu.memory_space<vmem>>) target(%dma_start3A_246 : memref<10112x32xf32, #tpu.memory_space<vmem_shared>>) offsets(%dma_start3A_243 : memref<128xi32, #tpu.memory_space<vmem>>) semaphore(%arg29 : memref<!tpu.dma_semaphore, #tpu.memory_space<semaphore_mem>>) {add = true}
      %add3A_247 = arith.constant 5 : i32
      %add3A_248 = arith.addi %mul3A_77, %add3A_247 : i32
      %dma_start3A_249 = arith.constant 0 : i32
      %dma_start3A_250 = tpu.memref_slice %arg10[%add3A_248, %dma_start3A_249] : memref<80x128xi32, #tpu.memory_space<vmem>> -> memref<1x128xi32, #tpu.memory_space<vmem>>
      %dma_start3A_251 = tpu.memref_squeeze %dma_start3A_250 : memref<1x128xi32, #tpu.memory_space<vmem>> -> memref<128xi32, #tpu.memory_space<vmem>>
      %dma_start3A_252 = arith.constant 0 : i32
      %dma_start3A_253 = arith.constant 0 : i32
      %dma_start3A_254 = tpu.memref_slice %arg8[%dma_start3A_252, %dma_start3A_253] : memref<10112x32xf32, #tpu.memory_space<vmem_shared>> -> memref<10112x32xf32, #tpu.memory_space<vmem_shared>>
      tpu.enqueue_indirect_dma source(%arg16 : memref<128x32xf32, #tpu.memory_space<vmem>>) target(%dma_start3A_254 : memref<10112x32xf32, #tpu.memory_space<vmem_shared>>) offsets(%dma_start3A_251 : memref<128xi32, #tpu.memory_space<vmem>>) semaphore(%arg29 : memref<!tpu.dma_semaphore, #tpu.memory_space<semaphore_mem>>) {add = true}
      %add3A_255 = arith.constant 6 : i32
      %add3A_256 = arith.addi %mul3A_77, %add3A_255 : i32
      %dma_start3A_257 = arith.constant 0 : i32
      %dma_start3A_258 = tpu.memref_slice %arg10[%add3A_256, %dma_start3A_257] : memref<80x128xi32, #tpu.memory_space<vmem>> -> memref<1x128xi32, #tpu.memory_space<vmem>>
      %dma_start3A_259 = tpu.memref_squeeze %dma_start3A_258 : memref<1x128xi32, #tpu.memory_space<vmem>> -> memref<128xi32, #tpu.memory_space<vmem>>
      %dma_start3A_260 = arith.constant 0 : i32
      %dma_start3A_261 = arith.constant 0 : i32
      %dma_start3A_262 = tpu.memref_slice %arg8[%dma_start3A_260, %dma_start3A_261] : memref<10112x32xf32, #tpu.memory_space<vmem_shared>> -> memref<10112x32xf32, #tpu.memory_space<vmem_shared>>
      tpu.enqueue_indirect_dma source(%arg17 : memref<128x32xf32, #tpu.memory_space<vmem>>) target(%dma_start3A_262 : memref<10112x32xf32, #tpu.memory_space<vmem_shared>>) offsets(%dma_start3A_259 : memref<128xi32, #tpu.memory_space<vmem>>) semaphore(%arg29 : memref<!tpu.dma_semaphore, #tpu.memory_space<semaphore_mem>>) {add = true}
      %add3A_263 = arith.constant 7 : i32
      %add3A_264 = arith.addi %mul3A_77, %add3A_263 : i32
      %dma_start3A_265 = arith.constant 0 : i32
      %dma_start3A_266 = tpu.memref_slice %arg10[%add3A_264, %dma_start3A_265] : memref<80x128xi32, #tpu.memory_space<vmem>> -> memref<1x128xi32, #tpu.memory_space<vmem>>
      %dma_start3A_267 = tpu.memref_squeeze %dma_start3A_266 : memref<1x128xi32, #tpu.memory_space<vmem>> -> memref<128xi32, #tpu.memory_space<vmem>>
      %dma_start3A_268 = arith.constant 0 : i32
      %dma_start3A_269 = arith.constant 0 : i32
      %dma_start3A_270 = tpu.memref_slice %arg8[%dma_start3A_268, %dma_start3A_269] : memref<10112x32xf32, #tpu.memory_space<vmem_shared>> -> memref<10112x32xf32, #tpu.memory_space<vmem_shared>>
      tpu.enqueue_indirect_dma source(%arg18 : memref<128x32xf32, #tpu.memory_space<vmem>>) target(%dma_start3A_270 : memref<10112x32xf32, #tpu.memory_space<vmem_shared>>) offsets(%dma_start3A_267 : memref<128xi32, #tpu.memory_space<vmem>>) semaphore(%arg29 : memref<!tpu.dma_semaphore, #tpu.memory_space<semaphore_mem>>) {add = true}
      %add3A_271 = arith.constant 0 : i32
      %add3A_272 = arith.addi %mul3A_77, %add3A_271 : i32
      %dma_wait3A_273 = arith.constant 0 : i32
      %dma_wait3A_274 = tpu.memref_slice %arg10[%add3A_272, %dma_wait3A_273] : memref<80x128xi32, #tpu.memory_space<vmem>> -> memref<1x128xi32, #tpu.memory_space<vmem>>
      %dma_wait3A_275 = tpu.memref_squeeze %dma_wait3A_274 : memref<1x128xi32, #tpu.memory_space<vmem>> -> memref<128xi32, #tpu.memory_space<vmem>>
      %dma_wait3A_276 = arith.constant 0 : i32
      %dma_wait3A_277 = arith.constant 0 : i32
      %dma_wait3A_278 = tpu.memref_slice %arg8[%dma_wait3A_276, %dma_wait3A_277] : memref<10112x32xf32, #tpu.memory_space<vmem_shared>> -> memref<10112x32xf32, #tpu.memory_space<vmem_shared>>
      tpu.wait_indirect_dma semaphore(%arg29 : memref<!tpu.dma_semaphore, #tpu.memory_space<semaphore_mem>>) src(%arg11 : memref<128x32xf32, #tpu.memory_space<vmem>>) dst(%dma_wait3A_278 : memref<10112x32xf32, #tpu.memory_space<vmem_shared>>)
      %add3A_279 = arith.constant 1 : i32
      %add3A_280 = arith.addi %mul3A_77, %add3A_279 : i32
      %dma_wait3A_281 = arith.constant 0 : i32
      %dma_wait3A_282 = tpu.memref_slice %arg10[%add3A_280, %dma_wait3A_281] : memref<80x128xi32, #tpu.memory_space<vmem>> -> memref<1x128xi32, #tpu.memory_space<vmem>>
      %dma_wait3A_283 = tpu.memref_squeeze %dma_wait3A_282 : memref<1x128xi32, #tpu.memory_space<vmem>> -> memref<128xi32, #tpu.memory_space<vmem>>
      %dma_wait3A_284 = arith.constant 0 : i32
      %dma_wait3A_285 = arith.constant 0 : i32
      %dma_wait3A_286 = tpu.memref_slice %arg8[%dma_wait3A_284, %dma_wait3A_285] : memref<10112x32xf32, #tpu.memory_space<vmem_shared>> -> memref<10112x32xf32, #tpu.memory_space<vmem_shared>>
      tpu.wait_indirect_dma semaphore(%arg29 : memref<!tpu.dma_semaphore, #tpu.memory_space<semaphore_mem>>) src(%arg12 : memref<128x32xf32, #tpu.memory_space<vmem>>) dst(%dma_wait3A_286 : memref<10112x32xf32, #tpu.memory_space<vmem_shared>>)
      %add3A_287 = arith.constant 2 : i32
      %add3A_288 = arith.addi %mul3A_77, %add3A_287 : i32
      %dma_wait3A_289 = arith.constant 0 : i32
      %dma_wait3A_290 = tpu.memref_slice %arg10[%add3A_288, %dma_wait3A_289] : memref<80x128xi32, #tpu.memory_space<vmem>> -> memref<1x128xi32, #tpu.memory_space<vmem>>
      %dma_wait3A_291 = tpu.memref_squeeze %dma_wait3A_290 : memref<1x128xi32, #tpu.memory_space<vmem>> -> memref<128xi32, #tpu.memory_space<vmem>>
      %dma_wait3A_292 = arith.constant 0 : i32
      %dma_wait3A_293 = arith.constant 0 : i32
      %dma_wait3A_294 = tpu.memref_slice %arg8[%dma_wait3A_292, %dma_wait3A_293] : memref<10112x32xf32, #tpu.memory_space<vmem_shared>> -> memref<10112x32xf32, #tpu.memory_space<vmem_shared>>
      tpu.wait_indirect_dma semaphore(%arg29 : memref<!tpu.dma_semaphore, #tpu.memory_space<semaphore_mem>>) src(%arg13 : memref<128x32xf32, #tpu.memory_space<vmem>>) dst(%dma_wait3A_294 : memref<10112x32xf32, #tpu.memory_space<vmem_shared>>)
      %add3A_295 = arith.constant 3 : i32
      %add3A_296 = arith.addi %mul3A_77, %add3A_295 : i32
      %dma_wait3A_297 = arith.constant 0 : i32
      %dma_wait3A_298 = tpu.memref_slice %arg10[%add3A_296, %dma_wait3A_297] : memref<80x128xi32, #tpu.memory_space<vmem>> -> memref<1x128xi32, #tpu.memory_space<vmem>>
      %dma_wait3A_299 = tpu.memref_squeeze %dma_wait3A_298 : memref<1x128xi32, #tpu.memory_space<vmem>> -> memref<128xi32, #tpu.memory_space<vmem>>
      %dma_wait3A_300 = arith.constant 0 : i32
      %dma_wait3A_301 = arith.constant 0 : i32
      %dma_wait3A_302 = tpu.memref_slice %arg8[%dma_wait3A_300, %dma_wait3A_301] : memref<10112x32xf32, #tpu.memory_space<vmem_shared>> -> memref<10112x32xf32, #tpu.memory_space<vmem_shared>>
      tpu.wait_indirect_dma semaphore(%arg29 : memref<!tpu.dma_semaphore, #tpu.memory_space<semaphore_mem>>) src(%arg14 : memref<128x32xf32, #tpu.memory_space<vmem>>) dst(%dma_wait3A_302 : memref<10112x32xf32, #tpu.memory_space<vmem_shared>>)
      %add3A_303 = arith.constant 4 : i32
      %add3A_304 = arith.addi %mul3A_77, %add3A_303 : i32
      %dma_wait3A_305 = arith.constant 0 : i32
      %dma_wait3A_306 = tpu.memref_slice %arg10[%add3A_304, %dma_wait3A_305] : memref<80x128xi32, #tpu.memory_space<vmem>> -> memref<1x128xi32, #tpu.memory_space<vmem>>
      %dma_wait3A_307 = tpu.memref_squeeze %dma_wait3A_306 : memref<1x128xi32, #tpu.memory_space<vmem>> -> memref<128xi32, #tpu.memory_space<vmem>>
      %dma_wait3A_308 = arith.constant 0 : i32
      %dma_wait3A_309 = arith.constant 0 : i32
      %dma_wait3A_310 = tpu.memref_slice %arg8[%dma_wait3A_308, %dma_wait3A_309] : memref<10112x32xf32, #tpu.memory_space<vmem_shared>> -> memref<10112x32xf32, #tpu.memory_space<vmem_shared>>
      tpu.wait_indirect_dma semaphore(%arg29 : memref<!tpu.dma_semaphore, #tpu.memory_space<semaphore_mem>>) src(%arg15 : memref<128x32xf32, #tpu.memory_space<vmem>>) dst(%dma_wait3A_310 : memref<10112x32xf32, #tpu.memory_space<vmem_shared>>)
      %add3A_311 = arith.constant 5 : i32
      %add3A_312 = arith.addi %mul3A_77, %add3A_311 : i32
      %dma_wait3A_313 = arith.constant 0 : i32
      %dma_wait3A_314 = tpu.memref_slice %arg10[%add3A_312, %dma_wait3A_313] : memref<80x128xi32, #tpu.memory_space<vmem>> -> memref<1x128xi32, #tpu.memory_space<vmem>>
      %dma_wait3A_315 = tpu.memref_squeeze %dma_wait3A_314 : memref<1x128xi32, #tpu.memory_space<vmem>> -> memref<128xi32, #tpu.memory_space<vmem>>
      %dma_wait3A_316 = arith.constant 0 : i32
      %dma_wait3A_317 = arith.constant 0 : i32
      %dma_wait3A_318 = tpu.memref_slice %arg8[%dma_wait3A_316, %dma_wait3A_317] : memref<10112x32xf32, #tpu.memory_space<vmem_shared>> -> memref<10112x32xf32, #tpu.memory_space<vmem_shared>>
      tpu.wait_indirect_dma semaphore(%arg29 : memref<!tpu.dma_semaphore, #tpu.memory_space<semaphore_mem>>) src(%arg16 : memref<128x32xf32, #tpu.memory_space<vmem>>) dst(%dma_wait3A_318 : memref<10112x32xf32, #tpu.memory_space<vmem_shared>>)
      %add3A_319 = arith.constant 6 : i32
      %add3A_320 = arith.addi %mul3A_77, %add3A_319 : i32
      %dma_wait3A_321 = arith.constant 0 : i32
      %dma_wait3A_322 = tpu.memref_slice %arg10[%add3A_320, %dma_wait3A_321] : memref<80x128xi32, #tpu.memory_space<vmem>> -> memref<1x128xi32, #tpu.memory_space<vmem>>
      %dma_wait3A_323 = tpu.memref_squeeze %dma_wait3A_322 : memref<1x128xi32, #tpu.memory_space<vmem>> -> memref<128xi32, #tpu.memory_space<vmem>>
      %dma_wait3A_324 = arith.constant 0 : i32
      %dma_wait3A_325 = arith.constant 0 : i32
      %dma_wait3A_326 = tpu.memref_slice %arg8[%dma_wait3A_324, %dma_wait3A_325] : memref<10112x32xf32, #tpu.memory_space<vmem_shared>> -> memref<10112x32xf32, #tpu.memory_space<vmem_shared>>
      tpu.wait_indirect_dma semaphore(%arg29 : memref<!tpu.dma_semaphore, #tpu.memory_space<semaphore_mem>>) src(%arg17 : memref<128x32xf32, #tpu.memory_space<vmem>>) dst(%dma_wait3A_326 : memref<10112x32xf32, #tpu.memory_space<vmem_shared>>)
      %add3A_327 = arith.constant 7 : i32
      %add3A_328 = arith.addi %mul3A_77, %add3A_327 : i32
      %dma_wait3A_329 = arith.constant 0 : i32
      %dma_wait3A_330 = tpu.memref_slice %arg10[%add3A_328, %dma_wait3A_329] : memref<80x128xi32, #tpu.memory_space<vmem>> -> memref<1x128xi32, #tpu.memory_space<vmem>>
      %dma_wait3A_331 = tpu.memref_squeeze %dma_wait3A_330 : memref<1x128xi32, #tpu.memory_space<vmem>> -> memref<128xi32, #tpu.memory_space<vmem>>
      %dma_wait3A_332 = arith.constant 0 : i32
      %dma_wait3A_333 = arith.constant 0 : i32
      %dma_wait3A_334 = tpu.memref_slice %arg8[%dma_wait3A_332, %dma_wait3A_333] : memref<10112x32xf32, #tpu.memory_space<vmem_shared>> -> memref<10112x32xf32, #tpu.memory_space<vmem_shared>>
      tpu.wait_indirect_dma semaphore(%arg29 : memref<!tpu.dma_semaphore, #tpu.memory_space<semaphore_mem>>) src(%arg18 : memref<128x32xf32, #tpu.memory_space<vmem>>) dst(%dma_wait3A_334 : memref<10112x32xf32, #tpu.memory_space<vmem_shared>>)
      %add3A_335 = arith.constant 0 : i32
      %add3A_336 = arith.addi %add3A_79, %add3A_335 : i32
      %dma_wait3A_337 = arith.constant 0 : i32
      %dma_wait3A_338 = tpu.memref_slice %arg9[%add3A_336, %dma_wait3A_337] : memref<80x128xi32, #tpu.memory_space<vmem>> -> memref<1x128xi32, #tpu.memory_space<vmem>>
      %dma_wait3A_339 = tpu.memref_squeeze %dma_wait3A_338 : memref<1x128xi32, #tpu.memory_space<vmem>> -> memref<128xi32, #tpu.memory_space<vmem>>
      %dma_wait3A_340 = arith.constant 0 : i32
      %dma_wait3A_341 = arith.constant 0 : i32
      %dma_wait3A_342 = tpu.memref_slice %arg7[%dma_wait3A_340, %dma_wait3A_341] : memref<10112x32xf32, #tpu.memory_space<vmem_shared>> -> memref<10112x32xf32, #tpu.memory_space<vmem_shared>>
      tpu.wait_indirect_dma semaphore(%arg28 : memref<!tpu.dma_semaphore, #tpu.memory_space<semaphore_mem>>) src(%dma_wait3A_342 : memref<10112x32xf32, #tpu.memory_space<vmem_shared>>) dst(%arg19 : memref<128x32xf32, #tpu.memory_space<vmem>>)
      %add3A_343 = arith.constant 1 : i32
      %add3A_344 = arith.addi %add3A_79, %add3A_343 : i32
      %dma_wait3A_345 = arith.constant 0 : i32
      %dma_wait3A_346 = tpu.memref_slice %arg9[%add3A_344, %dma_wait3A_345] : memref<80x128xi32, #tpu.memory_space<vmem>> -> memref<1x128xi32, #tpu.memory_space<vmem>>
      %dma_wait3A_347 = tpu.memref_squeeze %dma_wait3A_346 : memref<1x128xi32, #tpu.memory_space<vmem>> -> memref<128xi32, #tpu.memory_space<vmem>>
      %dma_wait3A_348 = arith.constant 0 : i32
      %dma_wait3A_349 = arith.constant 0 : i32
      %dma_wait3A_350 = tpu.memref_slice %arg7[%dma_wait3A_348, %dma_wait3A_349] : memref<10112x32xf32, #tpu.memory_space<vmem_shared>> -> memref<10112x32xf32, #tpu.memory_space<vmem_shared>>
      tpu.wait_indirect_dma semaphore(%arg28 : memref<!tpu.dma_semaphore, #tpu.memory_space<semaphore_mem>>) src(%dma_wait3A_350 : memref<10112x32xf32, #tpu.memory_space<vmem_shared>>) dst(%arg20 : memref<128x32xf32, #tpu.memory_space<vmem>>)
      %add3A_351 = arith.constant 2 : i32
      %add3A_352 = arith.addi %add3A_79, %add3A_351 : i32
      %dma_wait3A_353 = arith.constant 0 : i32
      %dma_wait3A_354 = tpu.memref_slice %arg9[%add3A_352, %dma_wait3A_353] : memref<80x128xi32, #tpu.memory_space<vmem>> -> memref<1x128xi32, #tpu.memory_space<vmem>>
      %dma_wait3A_355 = tpu.memref_squeeze %dma_wait3A_354 : memref<1x128xi32, #tpu.memory_space<vmem>> -> memref<128xi32, #tpu.memory_space<vmem>>
      %dma_wait3A_356 = arith.constant 0 : i32
      %dma_wait3A_357 = arith.constant 0 : i32
      %dma_wait3A_358 = tpu.memref_slice %arg7[%dma_wait3A_356, %dma_wait3A_357] : memref<10112x32xf32, #tpu.memory_space<vmem_shared>> -> memref<10112x32xf32, #tpu.memory_space<vmem_shared>>
      tpu.wait_indirect_dma semaphore(%arg28 : memref<!tpu.dma_semaphore, #tpu.memory_space<semaphore_mem>>) src(%dma_wait3A_358 : memref<10112x32xf32, #tpu.memory_space<vmem_shared>>) dst(%arg21 : memref<128x32xf32, #tpu.memory_space<vmem>>)
      %add3A_359 = arith.constant 3 : i32
      %add3A_360 = arith.addi %add3A_79, %add3A_359 : i32
      %dma_wait3A_361 = arith.constant 0 : i32
      %dma_wait3A_362 = tpu.memref_slice %arg9[%add3A_360, %dma_wait3A_361] : memref<80x128xi32, #tpu.memory_space<vmem>> -> memref<1x128xi32, #tpu.memory_space<vmem>>
      %dma_wait3A_363 = tpu.memref_squeeze %dma_wait3A_362 : memref<1x128xi32, #tpu.memory_space<vmem>> -> memref<128xi32, #tpu.memory_space<vmem>>
      %dma_wait3A_364 = arith.constant 0 : i32
      %dma_wait3A_365 = arith.constant 0 : i32
      %dma_wait3A_366 = tpu.memref_slice %arg7[%dma_wait3A_364, %dma_wait3A_365] : memref<10112x32xf32, #tpu.memory_space<vmem_shared>> -> memref<10112x32xf32, #tpu.memory_space<vmem_shared>>
      tpu.wait_indirect_dma semaphore(%arg28 : memref<!tpu.dma_semaphore, #tpu.memory_space<semaphore_mem>>) src(%dma_wait3A_366 : memref<10112x32xf32, #tpu.memory_space<vmem_shared>>) dst(%arg22 : memref<128x32xf32, #tpu.memory_space<vmem>>)
      %add3A_367 = arith.constant 4 : i32
      %add3A_368 = arith.addi %add3A_79, %add3A_367 : i32
      %dma_wait3A_369 = arith.constant 0 : i32
      %dma_wait3A_370 = tpu.memref_slice %arg9[%add3A_368, %dma_wait3A_369] : memref<80x128xi32, #tpu.memory_space<vmem>> -> memref<1x128xi32, #tpu.memory_space<vmem>>
      %dma_wait3A_371 = tpu.memref_squeeze %dma_wait3A_370 : memref<1x128xi32, #tpu.memory_space<vmem>> -> memref<128xi32, #tpu.memory_space<vmem>>
      %dma_wait3A_372 = arith.constant 0 : i32
      %dma_wait3A_373 = arith.constant 0 : i32
      %dma_wait3A_374 = tpu.memref_slice %arg7[%dma_wait3A_372, %dma_wait3A_373] : memref<10112x32xf32, #tpu.memory_space<vmem_shared>> -> memref<10112x32xf32, #tpu.memory_space<vmem_shared>>
      tpu.wait_indirect_dma semaphore(%arg28 : memref<!tpu.dma_semaphore, #tpu.memory_space<semaphore_mem>>) src(%dma_wait3A_374 : memref<10112x32xf32, #tpu.memory_space<vmem_shared>>) dst(%arg23 : memref<128x32xf32, #tpu.memory_space<vmem>>)
      %add3A_375 = arith.constant 5 : i32
      %add3A_376 = arith.addi %add3A_79, %add3A_375 : i32
      %dma_wait3A_377 = arith.constant 0 : i32
      %dma_wait3A_378 = tpu.memref_slice %arg9[%add3A_376, %dma_wait3A_377] : memref<80x128xi32, #tpu.memory_space<vmem>> -> memref<1x128xi32, #tpu.memory_space<vmem>>
      %dma_wait3A_379 = tpu.memref_squeeze %dma_wait3A_378 : memref<1x128xi32, #tpu.memory_space<vmem>> -> memref<128xi32, #tpu.memory_space<vmem>>
      %dma_wait3A_380 = arith.constant 0 : i32
      %dma_wait3A_381 = arith.constant 0 : i32
      %dma_wait3A_382 = tpu.memref_slice %arg7[%dma_wait3A_380, %dma_wait3A_381] : memref<10112x32xf32, #tpu.memory_space<vmem_shared>> -> memref<10112x32xf32, #tpu.memory_space<vmem_shared>>
      tpu.wait_indirect_dma semaphore(%arg28 : memref<!tpu.dma_semaphore, #tpu.memory_space<semaphore_mem>>) src(%dma_wait3A_382 : memref<10112x32xf32, #tpu.memory_space<vmem_shared>>) dst(%arg24 : memref<128x32xf32, #tpu.memory_space<vmem>>)
      %add3A_383 = arith.constant 6 : i32
      %add3A_384 = arith.addi %add3A_79, %add3A_383 : i32
      %dma_wait3A_385 = arith.constant 0 : i32
      %dma_wait3A_386 = tpu.memref_slice %arg9[%add3A_384, %dma_wait3A_385] : memref<80x128xi32, #tpu.memory_space<vmem>> -> memref<1x128xi32, #tpu.memory_space<vmem>>
      %dma_wait3A_387 = tpu.memref_squeeze %dma_wait3A_386 : memref<1x128xi32, #tpu.memory_space<vmem>> -> memref<128xi32, #tpu.memory_space<vmem>>
      %dma_wait3A_388 = arith.constant 0 : i32
      %dma_wait3A_389 = arith.constant 0 : i32
      %dma_wait3A_390 = tpu.memref_slice %arg7[%dma_wait3A_388, %dma_wait3A_389] : memref<10112x32xf32, #tpu.memory_space<vmem_shared>> -> memref<10112x32xf32, #tpu.memory_space<vmem_shared>>
      tpu.wait_indirect_dma semaphore(%arg28 : memref<!tpu.dma_semaphore, #tpu.memory_space<semaphore_mem>>) src(%dma_wait3A_390 : memref<10112x32xf32, #tpu.memory_space<vmem_shared>>) dst(%arg25 : memref<128x32xf32, #tpu.memory_space<vmem>>)
      %add3A_391 = arith.constant 7 : i32
      %add3A_392 = arith.addi %add3A_79, %add3A_391 : i32
      %dma_wait3A_393 = arith.constant 0 : i32
      %dma_wait3A_394 = tpu.memref_slice %arg9[%add3A_392, %dma_wait3A_393] : memref<80x128xi32, #tpu.memory_space<vmem>> -> memref<1x128xi32, #tpu.memory_space<vmem>>
      %dma_wait3A_395 = tpu.memref_squeeze %dma_wait3A_394 : memref<1x128xi32, #tpu.memory_space<vmem>> -> memref<128xi32, #tpu.memory_space<vmem>>
      %dma_wait3A_396 = arith.constant 0 : i32
      %dma_wait3A_397 = arith.constant 0 : i32
      %dma_wait3A_398 = tpu.memref_slice %arg7[%dma_wait3A_396, %dma_wait3A_397] : memref<10112x32xf32, #tpu.memory_space<vmem_shared>> -> memref<10112x32xf32, #tpu.memory_space<vmem_shared>>
      tpu.wait_indirect_dma semaphore(%arg28 : memref<!tpu.dma_semaphore, #tpu.memory_space<semaphore_mem>>) src(%dma_wait3A_398 : memref<10112x32xf32, #tpu.memory_space<vmem_shared>>) dst(%arg26 : memref<128x32xf32, #tpu.memory_space<vmem>>)
      %add3A_399 = arith.constant 1 : i32
      %add3A_400 = arith.addi %scan3A_72, %add3A_399 : i32
      %lt3A = arith.constant 5 : i32
      %lt3A_401 = arith.cmpi slt, %add3A_400, %lt3A : i32
      %convert_element_type3A = arith.extui %lt3A_401 : i1 to i32
      %cond3A = arith.constant 0 : i32
      %cond3A_402 = arith.cmpi ne, %convert_element_type3A, %cond3A : i32
      scf.if %cond3A_402 {
        %add3A_532 = arith.constant 16 : i32
        %add3A_533 = arith.addi %mul3A_77, %add3A_532 : i32
        %add3A_534 = arith.constant 0 : i32
        %add3A_535 = arith.addi %add3A_533, %add3A_534 : i32
        %dma_start3A_536 = arith.constant 0 : i32
        %dma_start3A_537 = tpu.memref_slice %arg9[%add3A_535, %dma_start3A_536] : memref<80x128xi32, #tpu.memory_space<vmem>> -> memref<1x128xi32, #tpu.memory_space<vmem>>
        %dma_start3A_538 = tpu.memref_squeeze %dma_start3A_537 : memref<1x128xi32, #tpu.memory_space<vmem>> -> memref<128xi32, #tpu.memory_space<vmem>>
        %dma_start3A_539 = arith.constant 0 : i32
        %dma_start3A_540 = arith.constant 0 : i32
        %dma_start3A_541 = tpu.memref_slice %arg7[%dma_start3A_539, %dma_start3A_540] : memref<10112x32xf32, #tpu.memory_space<vmem_shared>> -> memref<10112x32xf32, #tpu.memory_space<vmem_shared>>
        tpu.enqueue_indirect_dma source(%dma_start3A_541 : memref<10112x32xf32, #tpu.memory_space<vmem_shared>>) target(%arg11 : memref<128x32xf32, #tpu.memory_space<vmem>>) offsets(%dma_start3A_538 : memref<128xi32, #tpu.memory_space<vmem>>) semaphore(%arg27 : memref<!tpu.dma_semaphore, #tpu.memory_space<semaphore_mem>>)
        %add3A_542 = arith.constant 1 : i32
        %add3A_543 = arith.addi %add3A_533, %add3A_542 : i32
        %dma_start3A_544 = arith.constant 0 : i32
        %dma_start3A_545 = tpu.memref_slice %arg9[%add3A_543, %dma_start3A_544] : memref<80x128xi32, #tpu.memory_space<vmem>> -> memref<1x128xi32, #tpu.memory_space<vmem>>
        %dma_start3A_546 = tpu.memref_squeeze %dma_start3A_545 : memref<1x128xi32, #tpu.memory_space<vmem>> -> memref<128xi32, #tpu.memory_space<vmem>>
        %dma_start3A_547 = arith.constant 0 : i32
        %dma_start3A_548 = arith.constant 0 : i32
        %dma_start3A_549 = tpu.memref_slice %arg7[%dma_start3A_547, %dma_start3A_548] : memref<10112x32xf32, #tpu.memory_space<vmem_shared>> -> memref<10112x32xf32, #tpu.memory_space<vmem_shared>>
        tpu.enqueue_indirect_dma source(%dma_start3A_549 : memref<10112x32xf32, #tpu.memory_space<vmem_shared>>) target(%arg12 : memref<128x32xf32, #tpu.memory_space<vmem>>) offsets(%dma_start3A_546 : memref<128xi32, #tpu.memory_space<vmem>>) semaphore(%arg27 : memref<!tpu.dma_semaphore, #tpu.memory_space<semaphore_mem>>)
        %add3A_550 = arith.constant 2 : i32
        %add3A_551 = arith.addi %add3A_533, %add3A_550 : i32
        %dma_start3A_552 = arith.constant 0 : i32
        %dma_start3A_553 = tpu.memref_slice %arg9[%add3A_551, %dma_start3A_552] : memref<80x128xi32, #tpu.memory_space<vmem>> -> memref<1x128xi32, #tpu.memory_space<vmem>>
        %dma_start3A_554 = tpu.memref_squeeze %dma_start3A_553 : memref<1x128xi32, #tpu.memory_space<vmem>> -> memref<128xi32, #tpu.memory_space<vmem>>
        %dma_start3A_555 = arith.constant 0 : i32
        %dma_start3A_556 = arith.constant 0 : i32
        %dma_start3A_557 = tpu.memref_slice %arg7[%dma_start3A_555, %dma_start3A_556] : memref<10112x32xf32, #tpu.memory_space<vmem_shared>> -> memref<10112x32xf32, #tpu.memory_space<vmem_shared>>
        tpu.enqueue_indirect_dma source(%dma_start3A_557 : memref<10112x32xf32, #tpu.memory_space<vmem_shared>>) target(%arg13 : memref<128x32xf32, #tpu.memory_space<vmem>>) offsets(%dma_start3A_554 : memref<128xi32, #tpu.memory_space<vmem>>) semaphore(%arg27 : memref<!tpu.dma_semaphore, #tpu.memory_space<semaphore_mem>>)
        %add3A_558 = arith.constant 3 : i32
        %add3A_559 = arith.addi %add3A_533, %add3A_558 : i32
        %dma_start3A_560 = arith.constant 0 : i32
        %dma_start3A_561 = tpu.memref_slice %arg9[%add3A_559, %dma_start3A_560] : memref<80x128xi32, #tpu.memory_space<vmem>> -> memref<1x128xi32, #tpu.memory_space<vmem>>
        %dma_start3A_562 = tpu.memref_squeeze %dma_start3A_561 : memref<1x128xi32, #tpu.memory_space<vmem>> -> memref<128xi32, #tpu.memory_space<vmem>>
        %dma_start3A_563 = arith.constant 0 : i32
        %dma_start3A_564 = arith.constant 0 : i32
        %dma_start3A_565 = tpu.memref_slice %arg7[%dma_start3A_563, %dma_start3A_564] : memref<10112x32xf32, #tpu.memory_space<vmem_shared>> -> memref<10112x32xf32, #tpu.memory_space<vmem_shared>>
        tpu.enqueue_indirect_dma source(%dma_start3A_565 : memref<10112x32xf32, #tpu.memory_space<vmem_shared>>) target(%arg14 : memref<128x32xf32, #tpu.memory_space<vmem>>) offsets(%dma_start3A_562 : memref<128xi32, #tpu.memory_space<vmem>>) semaphore(%arg27 : memref<!tpu.dma_semaphore, #tpu.memory_space<semaphore_mem>>)
        %add3A_566 = arith.constant 4 : i32
        %add3A_567 = arith.addi %add3A_533, %add3A_566 : i32
        %dma_start3A_568 = arith.constant 0 : i32
        %dma_start3A_569 = tpu.memref_slice %arg9[%add3A_567, %dma_start3A_568] : memref<80x128xi32, #tpu.memory_space<vmem>> -> memref<1x128xi32, #tpu.memory_space<vmem>>
        %dma_start3A_570 = tpu.memref_squeeze %dma_start3A_569 : memref<1x128xi32, #tpu.memory_space<vmem>> -> memref<128xi32, #tpu.memory_space<vmem>>
        %dma_start3A_571 = arith.constant 0 : i32
        %dma_start3A_572 = arith.constant 0 : i32
        %dma_start3A_573 = tpu.memref_slice %arg7[%dma_start3A_571, %dma_start3A_572] : memref<10112x32xf32, #tpu.memory_space<vmem_shared>> -> memref<10112x32xf32, #tpu.memory_space<vmem_shared>>
        tpu.enqueue_indirect_dma source(%dma_start3A_573 : memref<10112x32xf32, #tpu.memory_space<vmem_shared>>) target(%arg15 : memref<128x32xf32, #tpu.memory_space<vmem>>) offsets(%dma_start3A_570 : memref<128xi32, #tpu.memory_space<vmem>>) semaphore(%arg27 : memref<!tpu.dma_semaphore, #tpu.memory_space<semaphore_mem>>)
        %add3A_574 = arith.constant 5 : i32
        %add3A_575 = arith.addi %add3A_533, %add3A_574 : i32
        %dma_start3A_576 = arith.constant 0 : i32
        %dma_start3A_577 = tpu.memref_slice %arg9[%add3A_575, %dma_start3A_576] : memref<80x128xi32, #tpu.memory_space<vmem>> -> memref<1x128xi32, #tpu.memory_space<vmem>>
        %dma_start3A_578 = tpu.memref_squeeze %dma_start3A_577 : memref<1x128xi32, #tpu.memory_space<vmem>> -> memref<128xi32, #tpu.memory_space<vmem>>
        %dma_start3A_579 = arith.constant 0 : i32
        %dma_start3A_580 = arith.constant 0 : i32
        %dma_start3A_581 = tpu.memref_slice %arg7[%dma_start3A_579, %dma_start3A_580] : memref<10112x32xf32, #tpu.memory_space<vmem_shared>> -> memref<10112x32xf32, #tpu.memory_space<vmem_shared>>
        tpu.enqueue_indirect_dma source(%dma_start3A_581 : memref<10112x32xf32, #tpu.memory_space<vmem_shared>>) target(%arg16 : memref<128x32xf32, #tpu.memory_space<vmem>>) offsets(%dma_start3A_578 : memref<128xi32, #tpu.memory_space<vmem>>) semaphore(%arg27 : memref<!tpu.dma_semaphore, #tpu.memory_space<semaphore_mem>>)
        %add3A_582 = arith.constant 6 : i32
        %add3A_583 = arith.addi %add3A_533, %add3A_582 : i32
        %dma_start3A_584 = arith.constant 0 : i32
        %dma_start3A_585 = tpu.memref_slice %arg9[%add3A_583, %dma_start3A_584] : memref<80x128xi32, #tpu.memory_space<vmem>> -> memref<1x128xi32, #tpu.memory_space<vmem>>
        %dma_start3A_586 = tpu.memref_squeeze %dma_start3A_585 : memref<1x128xi32, #tpu.memory_space<vmem>> -> memref<128xi32, #tpu.memory_space<vmem>>
        %dma_start3A_587 = arith.constant 0 : i32
        %dma_start3A_588 = arith.constant 0 : i32
        %dma_start3A_589 = tpu.memref_slice %arg7[%dma_start3A_587, %dma_start3A_588] : memref<10112x32xf32, #tpu.memory_space<vmem_shared>> -> memref<10112x32xf32, #tpu.memory_space<vmem_shared>>
        tpu.enqueue_indirect_dma source(%dma_start3A_589 : memref<10112x32xf32, #tpu.memory_space<vmem_shared>>) target(%arg17 : memref<128x32xf32, #tpu.memory_space<vmem>>) offsets(%dma_start3A_586 : memref<128xi32, #tpu.memory_space<vmem>>) semaphore(%arg27 : memref<!tpu.dma_semaphore, #tpu.memory_space<semaphore_mem>>)
        %add3A_590 = arith.constant 7 : i32
        %add3A_591 = arith.addi %add3A_533, %add3A_590 : i32
        %dma_start3A_592 = arith.constant 0 : i32
        %dma_start3A_593 = tpu.memref_slice %arg9[%add3A_591, %dma_start3A_592] : memref<80x128xi32, #tpu.memory_space<vmem>> -> memref<1x128xi32, #tpu.memory_space<vmem>>
        %dma_start3A_594 = tpu.memref_squeeze %dma_start3A_593 : memref<1x128xi32, #tpu.memory_space<vmem>> -> memref<128xi32, #tpu.memory_space<vmem>>
        %dma_start3A_595 = arith.constant 0 : i32
        %dma_start3A_596 = arith.constant 0 : i32
        %dma_start3A_597 = tpu.memref_slice %arg7[%dma_start3A_595, %dma_start3A_596] : memref<10112x32xf32, #tpu.memory_space<vmem_shared>> -> memref<10112x32xf32, #tpu.memory_space<vmem_shared>>
        tpu.enqueue_indirect_dma source(%dma_start3A_597 : memref<10112x32xf32, #tpu.memory_space<vmem_shared>>) target(%arg18 : memref<128x32xf32, #tpu.memory_space<vmem>>) offsets(%dma_start3A_594 : memref<128xi32, #tpu.memory_space<vmem>>) semaphore(%arg27 : memref<!tpu.dma_semaphore, #tpu.memory_space<semaphore_mem>>)
      } else {
      }
      %add3A_403 = arith.constant 0 : i32
      %add3A_404 = arith.addi %add3A_79, %add3A_403 : i32
      %dma_start3A_405 = arith.constant 0 : i32
      %dma_start3A_406 = tpu.memref_slice %arg10[%add3A_404, %dma_start3A_405] : memref<80x128xi32, #tpu.memory_space<vmem>> -> memref<1x128xi32, #tpu.memory_space<vmem>>
      %dma_start3A_407 = tpu.memref_squeeze %dma_start3A_406 : memref<1x128xi32, #tpu.memory_space<vmem>> -> memref<128xi32, #tpu.memory_space<vmem>>
      %dma_start3A_408 = arith.constant 0 : i32
      %dma_start3A_409 = arith.constant 0 : i32
      %dma_start3A_410 = tpu.memref_slice %arg8[%dma_start3A_408, %dma_start3A_409] : memref<10112x32xf32, #tpu.memory_space<vmem_shared>> -> memref<10112x32xf32, #tpu.memory_space<vmem_shared>>
      tpu.enqueue_indirect_dma source(%arg19 : memref<128x32xf32, #tpu.memory_space<vmem>>) target(%dma_start3A_410 : memref<10112x32xf32, #tpu.memory_space<vmem_shared>>) offsets(%dma_start3A_407 : memref<128xi32, #tpu.memory_space<vmem>>) semaphore(%arg30 : memref<!tpu.dma_semaphore, #tpu.memory_space<semaphore_mem>>) {add = true}
      %add3A_411 = arith.constant 1 : i32
      %add3A_412 = arith.addi %add3A_79, %add3A_411 : i32
      %dma_start3A_413 = arith.constant 0 : i32
      %dma_start3A_414 = tpu.memref_slice %arg10[%add3A_412, %dma_start3A_413] : memref<80x128xi32, #tpu.memory_space<vmem>> -> memref<1x128xi32, #tpu.memory_space<vmem>>
      %dma_start3A_415 = tpu.memref_squeeze %dma_start3A_414 : memref<1x128xi32, #tpu.memory_space<vmem>> -> memref<128xi32, #tpu.memory_space<vmem>>
      %dma_start3A_416 = arith.constant 0 : i32
      %dma_start3A_417 = arith.constant 0 : i32
      %dma_start3A_418 = tpu.memref_slice %arg8[%dma_start3A_416, %dma_start3A_417] : memref<10112x32xf32, #tpu.memory_space<vmem_shared>> -> memref<10112x32xf32, #tpu.memory_space<vmem_shared>>
      tpu.enqueue_indirect_dma source(%arg20 : memref<128x32xf32, #tpu.memory_space<vmem>>) target(%dma_start3A_418 : memref<10112x32xf32, #tpu.memory_space<vmem_shared>>) offsets(%dma_start3A_415 : memref<128xi32, #tpu.memory_space<vmem>>) semaphore(%arg30 : memref<!tpu.dma_semaphore, #tpu.memory_space<semaphore_mem>>) {add = true}
      %add3A_419 = arith.constant 2 : i32
      %add3A_420 = arith.addi %add3A_79, %add3A_419 : i32
      %dma_start3A_421 = arith.constant 0 : i32
      %dma_start3A_422 = tpu.memref_slice %arg10[%add3A_420, %dma_start3A_421] : memref<80x128xi32, #tpu.memory_space<vmem>> -> memref<1x128xi32, #tpu.memory_space<vmem>>
      %dma_start3A_423 = tpu.memref_squeeze %dma_start3A_422 : memref<1x128xi32, #tpu.memory_space<vmem>> -> memref<128xi32, #tpu.memory_space<vmem>>
      %dma_start3A_424 = arith.constant 0 : i32
      %dma_start3A_425 = arith.constant 0 : i32
      %dma_start3A_426 = tpu.memref_slice %arg8[%dma_start3A_424, %dma_start3A_425] : memref<10112x32xf32, #tpu.memory_space<vmem_shared>> -> memref<10112x32xf32, #tpu.memory_space<vmem_shared>>
      tpu.enqueue_indirect_dma source(%arg21 : memref<128x32xf32, #tpu.memory_space<vmem>>) target(%dma_start3A_426 : memref<10112x32xf32, #tpu.memory_space<vmem_shared>>) offsets(%dma_start3A_423 : memref<128xi32, #tpu.memory_space<vmem>>) semaphore(%arg30 : memref<!tpu.dma_semaphore, #tpu.memory_space<semaphore_mem>>) {add = true}
      %add3A_427 = arith.constant 3 : i32
      %add3A_428 = arith.addi %add3A_79, %add3A_427 : i32
      %dma_start3A_429 = arith.constant 0 : i32
      %dma_start3A_430 = tpu.memref_slice %arg10[%add3A_428, %dma_start3A_429] : memref<80x128xi32, #tpu.memory_space<vmem>> -> memref<1x128xi32, #tpu.memory_space<vmem>>
      %dma_start3A_431 = tpu.memref_squeeze %dma_start3A_430 : memref<1x128xi32, #tpu.memory_space<vmem>> -> memref<128xi32, #tpu.memory_space<vmem>>
      %dma_start3A_432 = arith.constant 0 : i32
      %dma_start3A_433 = arith.constant 0 : i32
      %dma_start3A_434 = tpu.memref_slice %arg8[%dma_start3A_432, %dma_start3A_433] : memref<10112x32xf32, #tpu.memory_space<vmem_shared>> -> memref<10112x32xf32, #tpu.memory_space<vmem_shared>>
      tpu.enqueue_indirect_dma source(%arg22 : memref<128x32xf32, #tpu.memory_space<vmem>>) target(%dma_start3A_434 : memref<10112x32xf32, #tpu.memory_space<vmem_shared>>) offsets(%dma_start3A_431 : memref<128xi32, #tpu.memory_space<vmem>>) semaphore(%arg30 : memref<!tpu.dma_semaphore, #tpu.memory_space<semaphore_mem>>) {add = true}
      %add3A_435 = arith.constant 4 : i32
      %add3A_436 = arith.addi %add3A_79, %add3A_435 : i32
      %dma_start3A_437 = arith.constant 0 : i32
      %dma_start3A_438 = tpu.memref_slice %arg10[%add3A_436, %dma_start3A_437] : memref<80x128xi32, #tpu.memory_space<vmem>> -> memref<1x128xi32, #tpu.memory_space<vmem>>
      %dma_start3A_439 = tpu.memref_squeeze %dma_start3A_438 : memref<1x128xi32, #tpu.memory_space<vmem>> -> memref<128xi32, #tpu.memory_space<vmem>>
      %dma_start3A_440 = arith.constant 0 : i32
      %dma_start3A_441 = arith.constant 0 : i32
      %dma_start3A_442 = tpu.memref_slice %arg8[%dma_start3A_440, %dma_start3A_441] : memref<10112x32xf32, #tpu.memory_space<vmem_shared>> -> memref<10112x32xf32, #tpu.memory_space<vmem_shared>>
      tpu.enqueue_indirect_dma source(%arg23 : memref<128x32xf32, #tpu.memory_space<vmem>>) target(%dma_start3A_442 : memref<10112x32xf32, #tpu.memory_space<vmem_shared>>) offsets(%dma_start3A_439 : memref<128xi32, #tpu.memory_space<vmem>>) semaphore(%arg30 : memref<!tpu.dma_semaphore, #tpu.memory_space<semaphore_mem>>) {add = true}
      %add3A_443 = arith.constant 5 : i32
      %add3A_444 = arith.addi %add3A_79, %add3A_443 : i32
      %dma_start3A_445 = arith.constant 0 : i32
      %dma_start3A_446 = tpu.memref_slice %arg10[%add3A_444, %dma_start3A_445] : memref<80x128xi32, #tpu.memory_space<vmem>> -> memref<1x128xi32, #tpu.memory_space<vmem>>
      %dma_start3A_447 = tpu.memref_squeeze %dma_start3A_446 : memref<1x128xi32, #tpu.memory_space<vmem>> -> memref<128xi32, #tpu.memory_space<vmem>>
      %dma_start3A_448 = arith.constant 0 : i32
      %dma_start3A_449 = arith.constant 0 : i32
      %dma_start3A_450 = tpu.memref_slice %arg8[%dma_start3A_448, %dma_start3A_449] : memref<10112x32xf32, #tpu.memory_space<vmem_shared>> -> memref<10112x32xf32, #tpu.memory_space<vmem_shared>>
      tpu.enqueue_indirect_dma source(%arg24 : memref<128x32xf32, #tpu.memory_space<vmem>>) target(%dma_start3A_450 : memref<10112x32xf32, #tpu.memory_space<vmem_shared>>) offsets(%dma_start3A_447 : memref<128xi32, #tpu.memory_space<vmem>>) semaphore(%arg30 : memref<!tpu.dma_semaphore, #tpu.memory_space<semaphore_mem>>) {add = true}
      %add3A_451 = arith.constant 6 : i32
      %add3A_452 = arith.addi %add3A_79, %add3A_451 : i32
      %dma_start3A_453 = arith.constant 0 : i32
      %dma_start3A_454 = tpu.memref_slice %arg10[%add3A_452, %dma_start3A_453] : memref<80x128xi32, #tpu.memory_space<vmem>> -> memref<1x128xi32, #tpu.memory_space<vmem>>
      %dma_start3A_455 = tpu.memref_squeeze %dma_start3A_454 : memref<1x128xi32, #tpu.memory_space<vmem>> -> memref<128xi32, #tpu.memory_space<vmem>>
      %dma_start3A_456 = arith.constant 0 : i32
      %dma_start3A_457 = arith.constant 0 : i32
      %dma_start3A_458 = tpu.memref_slice %arg8[%dma_start3A_456, %dma_start3A_457] : memref<10112x32xf32, #tpu.memory_space<vmem_shared>> -> memref<10112x32xf32, #tpu.memory_space<vmem_shared>>
      tpu.enqueue_indirect_dma source(%arg25 : memref<128x32xf32, #tpu.memory_space<vmem>>) target(%dma_start3A_458 : memref<10112x32xf32, #tpu.memory_space<vmem_shared>>) offsets(%dma_start3A_455 : memref<128xi32, #tpu.memory_space<vmem>>) semaphore(%arg30 : memref<!tpu.dma_semaphore, #tpu.memory_space<semaphore_mem>>) {add = true}
      %add3A_459 = arith.constant 7 : i32
      %add3A_460 = arith.addi %add3A_79, %add3A_459 : i32
      %dma_start3A_461 = arith.constant 0 : i32
      %dma_start3A_462 = tpu.memref_slice %arg10[%add3A_460, %dma_start3A_461] : memref<80x128xi32, #tpu.memory_space<vmem>> -> memref<1x128xi32, #tpu.memory_space<vmem>>
      %dma_start3A_463 = tpu.memref_squeeze %dma_start3A_462 : memref<1x128xi32, #tpu.memory_space<vmem>> -> memref<128xi32, #tpu.memory_space<vmem>>
      %dma_start3A_464 = arith.constant 0 : i32
      %dma_start3A_465 = arith.constant 0 : i32
      %dma_start3A_466 = tpu.memref_slice %arg8[%dma_start3A_464, %dma_start3A_465] : memref<10112x32xf32, #tpu.memory_space<vmem_shared>> -> memref<10112x32xf32, #tpu.memory_space<vmem_shared>>
      tpu.enqueue_indirect_dma source(%arg26 : memref<128x32xf32, #tpu.memory_space<vmem>>) target(%dma_start3A_466 : memref<10112x32xf32, #tpu.memory_space<vmem_shared>>) offsets(%dma_start3A_463 : memref<128xi32, #tpu.memory_space<vmem>>) semaphore(%arg30 : memref<!tpu.dma_semaphore, #tpu.memory_space<semaphore_mem>>) {add = true}
      %add3A_467 = arith.constant 0 : i32
      %add3A_468 = arith.addi %add3A_79, %add3A_467 : i32
      %dma_wait3A_469 = arith.constant 0 : i32
      %dma_wait3A_470 = tpu.memref_slice %arg10[%add3A_468, %dma_wait3A_469] : memref<80x128xi32, #tpu.memory_space<vmem>> -> memref<1x128xi32, #tpu.memory_space<vmem>>
      %dma_wait3A_471 = tpu.memref_squeeze %dma_wait3A_470 : memref<1x128xi32, #tpu.memory_space<vmem>> -> memref<128xi32, #tpu.memory_space<vmem>>
      %dma_wait3A_472 = arith.constant 0 : i32
      %dma_wait3A_473 = arith.constant 0 : i32
      %dma_wait3A_474 = tpu.memref_slice %arg8[%dma_wait3A_472, %dma_wait3A_473] : memref<10112x32xf32, #tpu.memory_space<vmem_shared>> -> memref<10112x32xf32, #tpu.memory_space<vmem_shared>>
      tpu.wait_indirect_dma semaphore(%arg30 : memref<!tpu.dma_semaphore, #tpu.memory_space<semaphore_mem>>) src(%arg19 : memref<128x32xf32, #tpu.memory_space<vmem>>) dst(%dma_wait3A_474 : memref<10112x32xf32, #tpu.memory_space<vmem_shared>>)
      %add3A_475 = arith.constant 1 : i32
      %add3A_476 = arith.addi %add3A_79, %add3A_475 : i32
      %dma_wait3A_477 = arith.constant 0 : i32
      %dma_wait3A_478 = tpu.memref_slice %arg10[%add3A_476, %dma_wait3A_477] : memref<80x128xi32, #tpu.memory_space<vmem>> -> memref<1x128xi32, #tpu.memory_space<vmem>>
      %dma_wait3A_479 = tpu.memref_squeeze %dma_wait3A_478 : memref<1x128xi32, #tpu.memory_space<vmem>> -> memref<128xi32, #tpu.memory_space<vmem>>
      %dma_wait3A_480 = arith.constant 0 : i32
      %dma_wait3A_481 = arith.constant 0 : i32
      %dma_wait3A_482 = tpu.memref_slice %arg8[%dma_wait3A_480, %dma_wait3A_481] : memref<10112x32xf32, #tpu.memory_space<vmem_shared>> -> memref<10112x32xf32, #tpu.memory_space<vmem_shared>>
      tpu.wait_indirect_dma semaphore(%arg30 : memref<!tpu.dma_semaphore, #tpu.memory_space<semaphore_mem>>) src(%arg20 : memref<128x32xf32, #tpu.memory_space<vmem>>) dst(%dma_wait3A_482 : memref<10112x32xf32, #tpu.memory_space<vmem_shared>>)
      %add3A_483 = arith.constant 2 : i32
      %add3A_484 = arith.addi %add3A_79, %add3A_483 : i32
      %dma_wait3A_485 = arith.constant 0 : i32
      %dma_wait3A_486 = tpu.memref_slice %arg10[%add3A_484, %dma_wait3A_485] : memref<80x128xi32, #tpu.memory_space<vmem>> -> memref<1x128xi32, #tpu.memory_space<vmem>>
      %dma_wait3A_487 = tpu.memref_squeeze %dma_wait3A_486 : memref<1x128xi32, #tpu.memory_space<vmem>> -> memref<128xi32, #tpu.memory_space<vmem>>
      %dma_wait3A_488 = arith.constant 0 : i32
      %dma_wait3A_489 = arith.constant 0 : i32
      %dma_wait3A_490 = tpu.memref_slice %arg8[%dma_wait3A_488, %dma_wait3A_489] : memref<10112x32xf32, #tpu.memory_space<vmem_shared>> -> memref<10112x32xf32, #tpu.memory_space<vmem_shared>>
      tpu.wait_indirect_dma semaphore(%arg30 : memref<!tpu.dma_semaphore, #tpu.memory_space<semaphore_mem>>) src(%arg21 : memref<128x32xf32, #tpu.memory_space<vmem>>) dst(%dma_wait3A_490 : memref<10112x32xf32, #tpu.memory_space<vmem_shared>>)
      %add3A_491 = arith.constant 3 : i32
      %add3A_492 = arith.addi %add3A_79, %add3A_491 : i32
      %dma_wait3A_493 = arith.constant 0 : i32
      %dma_wait3A_494 = tpu.memref_slice %arg10[%add3A_492, %dma_wait3A_493] : memref<80x128xi32, #tpu.memory_space<vmem>> -> memref<1x128xi32, #tpu.memory_space<vmem>>
      %dma_wait3A_495 = tpu.memref_squeeze %dma_wait3A_494 : memref<1x128xi32, #tpu.memory_space<vmem>> -> memref<128xi32, #tpu.memory_space<vmem>>
      %dma_wait3A_496 = arith.constant 0 : i32
      %dma_wait3A_497 = arith.constant 0 : i32
      %dma_wait3A_498 = tpu.memref_slice %arg8[%dma_wait3A_496, %dma_wait3A_497] : memref<10112x32xf32, #tpu.memory_space<vmem_shared>> -> memref<10112x32xf32, #tpu.memory_space<vmem_shared>>
      tpu.wait_indirect_dma semaphore(%arg30 : memref<!tpu.dma_semaphore, #tpu.memory_space<semaphore_mem>>) src(%arg22 : memref<128x32xf32, #tpu.memory_space<vmem>>) dst(%dma_wait3A_498 : memref<10112x32xf32, #tpu.memory_space<vmem_shared>>)
      %add3A_499 = arith.constant 4 : i32
      %add3A_500 = arith.addi %add3A_79, %add3A_499 : i32
      %dma_wait3A_501 = arith.constant 0 : i32
      %dma_wait3A_502 = tpu.memref_slice %arg10[%add3A_500, %dma_wait3A_501] : memref<80x128xi32, #tpu.memory_space<vmem>> -> memref<1x128xi32, #tpu.memory_space<vmem>>
      %dma_wait3A_503 = tpu.memref_squeeze %dma_wait3A_502 : memref<1x128xi32, #tpu.memory_space<vmem>> -> memref<128xi32, #tpu.memory_space<vmem>>
      %dma_wait3A_504 = arith.constant 0 : i32
      %dma_wait3A_505 = arith.constant 0 : i32
      %dma_wait3A_506 = tpu.memref_slice %arg8[%dma_wait3A_504, %dma_wait3A_505] : memref<10112x32xf32, #tpu.memory_space<vmem_shared>> -> memref<10112x32xf32, #tpu.memory_space<vmem_shared>>
      tpu.wait_indirect_dma semaphore(%arg30 : memref<!tpu.dma_semaphore, #tpu.memory_space<semaphore_mem>>) src(%arg23 : memref<128x32xf32, #tpu.memory_space<vmem>>) dst(%dma_wait3A_506 : memref<10112x32xf32, #tpu.memory_space<vmem_shared>>)
      %add3A_507 = arith.constant 5 : i32
      %add3A_508 = arith.addi %add3A_79, %add3A_507 : i32
      %dma_wait3A_509 = arith.constant 0 : i32
      %dma_wait3A_510 = tpu.memref_slice %arg10[%add3A_508, %dma_wait3A_509] : memref<80x128xi32, #tpu.memory_space<vmem>> -> memref<1x128xi32, #tpu.memory_space<vmem>>
      %dma_wait3A_511 = tpu.memref_squeeze %dma_wait3A_510 : memref<1x128xi32, #tpu.memory_space<vmem>> -> memref<128xi32, #tpu.memory_space<vmem>>
      %dma_wait3A_512 = arith.constant 0 : i32
      %dma_wait3A_513 = arith.constant 0 : i32
      %dma_wait3A_514 = tpu.memref_slice %arg8[%dma_wait3A_512, %dma_wait3A_513] : memref<10112x32xf32, #tpu.memory_space<vmem_shared>> -> memref<10112x32xf32, #tpu.memory_space<vmem_shared>>
      tpu.wait_indirect_dma semaphore(%arg30 : memref<!tpu.dma_semaphore, #tpu.memory_space<semaphore_mem>>) src(%arg24 : memref<128x32xf32, #tpu.memory_space<vmem>>) dst(%dma_wait3A_514 : memref<10112x32xf32, #tpu.memory_space<vmem_shared>>)
      %add3A_515 = arith.constant 6 : i32
      %add3A_516 = arith.addi %add3A_79, %add3A_515 : i32
      %dma_wait3A_517 = arith.constant 0 : i32
      %dma_wait3A_518 = tpu.memref_slice %arg10[%add3A_516, %dma_wait3A_517] : memref<80x128xi32, #tpu.memory_space<vmem>> -> memref<1x128xi32, #tpu.memory_space<vmem>>
      %dma_wait3A_519 = tpu.memref_squeeze %dma_wait3A_518 : memref<1x128xi32, #tpu.memory_space<vmem>> -> memref<128xi32, #tpu.memory_space<vmem>>
      %dma_wait3A_520 = arith.constant 0 : i32
      %dma_wait3A_521 = arith.constant 0 : i32
      %dma_wait3A_522 = tpu.memref_slice %arg8[%dma_wait3A_520, %dma_wait3A_521] : memref<10112x32xf32, #tpu.memory_space<vmem_shared>> -> memref<10112x32xf32, #tpu.memory_space<vmem_shared>>
      tpu.wait_indirect_dma semaphore(%arg30 : memref<!tpu.dma_semaphore, #tpu.memory_space<semaphore_mem>>) src(%arg25 : memref<128x32xf32, #tpu.memory_space<vmem>>) dst(%dma_wait3A_522 : memref<10112x32xf32, #tpu.memory_space<vmem_shared>>)
      %add3A_523 = arith.constant 7 : i32
      %add3A_524 = arith.addi %add3A_79, %add3A_523 : i32
      %dma_wait3A_525 = arith.constant 0 : i32
      %dma_wait3A_526 = tpu.memref_slice %arg10[%add3A_524, %dma_wait3A_525] : memref<80x128xi32, #tpu.memory_space<vmem>> -> memref<1x128xi32, #tpu.memory_space<vmem>>
      %dma_wait3A_527 = tpu.memref_squeeze %dma_wait3A_526 : memref<1x128xi32, #tpu.memory_space<vmem>> -> memref<128xi32, #tpu.memory_space<vmem>>
      %dma_wait3A_528 = arith.constant 0 : i32
      %dma_wait3A_529 = arith.constant 0 : i32
      %dma_wait3A_530 = tpu.memref_slice %arg8[%dma_wait3A_528, %dma_wait3A_529] : memref<10112x32xf32, #tpu.memory_space<vmem_shared>> -> memref<10112x32xf32, #tpu.memory_space<vmem_shared>>
      tpu.wait_indirect_dma semaphore(%arg30 : memref<!tpu.dma_semaphore, #tpu.memory_space<semaphore_mem>>) src(%arg26 : memref<128x32xf32, #tpu.memory_space<vmem>>) dst(%dma_wait3A_530 : memref<10112x32xf32, #tpu.memory_space<vmem_shared>>)
      %scan3A_531 = arith.constant 0 : i32
      scf.yield %scan3A_531 : i32
    }
    %scan3A_67 = arith.constant 5 : i32
    %barrier3A_68 = arith.constant 0 : index
    tpu.barrier barrier_id(%barrier3A_68)
    %mul3A_69 = arith.constant 10112 : i32
    %mul3A_70 = arith.muli %arg0, %mul3A_69 : i32
    %add3A_71 = arith.addi %mul3A_70, %mul3A_0 : i32
    "tpu.region"() ({
      %run_scoped3A = tpu.sem_alloc : memref<!tpu.dma_semaphore, #tpu.memory_space<semaphore_mem>>
      %dma_start3A_72 = arith.constant 0 : i32
      %dma_start3A_73 = tpu.memref_slice %arg6[%add3A_71, %dma_start3A_72] : memref<20224x32xf32, #tpu.memory_space<hbm>> -> memref<632x32xf32, #tpu.memory_space<hbm>>
      %dma_start3A_74 = arith.constant 0 : i32
      %dma_start3A_75 = tpu.memref_slice %arg8[%mul3A_0, %dma_start3A_74] : memref<10112x32xf32, #tpu.memory_space<vmem_shared>> -> memref<632x32xf32, #tpu.memory_space<vmem_shared>>
      tpu.enqueue_dma source(%dma_start3A_75 : memref<632x32xf32, #tpu.memory_space<vmem_shared>>) target(%dma_start3A_73 : memref<632x32xf32, #tpu.memory_space<hbm>>) target_semaphore(%run_scoped3A : memref<!tpu.dma_semaphore, #tpu.memory_space<semaphore_mem>>)
      %dma_wait3A = arith.constant 0 : i32
      %dma_wait3A_76 = tpu.memref_slice %arg6[%add3A_71, %dma_wait3A] : memref<20224x32xf32, #tpu.memory_space<hbm>> -> memref<632x32xf32, #tpu.memory_space<hbm>>
      %dma_wait3A_77 = arith.constant 0 : i32
      %dma_wait3A_78 = tpu.memref_slice %arg8[%mul3A_0, %dma_wait3A_77] : memref<10112x32xf32, #tpu.memory_space<vmem_shared>> -> memref<632x32xf32, #tpu.memory_space<vmem_shared>>
      tpu.wait_dma2 semaphore(%run_scoped3A : memref<!tpu.dma_semaphore, #tpu.memory_space<semaphore_mem>>) src(%dma_wait3A_78 : memref<632x32xf32, #tpu.memory_space<vmem_shared>>) dst(%dma_wait3A_76 : memref<632x32xf32, #tpu.memory_space<hbm>>)
      tpu.yield
    }) : () -> ()
    return
  }
}

module attributes {stable_mosaic.version = 14 : i64} {
  func.func @_tc_u1_body(%arg0: memref<10112x128xf32, #tpu.memory_space<vmem>>, %arg1: memref<128x32xf32, #tpu.memory_space<vmem>>, %arg2: memref<32x10112xf32, #tpu.memory_space<vmem>>, %arg3: memref<32x1xf32, #tpu.memory_space<vmem>>, %arg4: memref<10112x32xf32, #tpu.memory_space<vmem>>, %arg5: memref<10112x32xf32, #tpu.memory_space<vmem>>) attributes {dimension_semantics = [], scalar_prefetch = 0 : i64, scratch_operands = 0 : i64, tpu.core_type = #tpu.core_type<tc>} {
    %get3A = arith.constant 0 : index
    %get3A_0 = arith.constant 0 : index
    %get3A_1 = vector.load %arg0[%get3A, %get3A_0] : memref<10112x128xf32, #tpu.memory_space<vmem>>, vector<10112x128xf32>
    %get3A_2 = arith.constant 0 : index
    %get3A_3 = arith.constant 0 : index
    %get3A_4 = vector.load %arg1[%get3A_2, %get3A_3] : memref<128x32xf32, #tpu.memory_space<vmem>>, vector<128x32xf32>
    %dot_general3A = arith.constant dense<0.000000e+00> : vector<10112x32xf32>
    %dot_general3A_5 = tpu.matmul %get3A_1, %get3A_4, %dot_general3A {dimension_numbers = #tpu.dot_dimension_numbers<[1], [0], [0], [1], [0, 0, 1, 1], [], []>, transpose_lhs_hint = false} : vector<10112x128xf32>, vector<128x32xf32>, vector<10112x32xf32> -> vector<10112x32xf32>
    %get3A_6 = arith.constant 0 : index
    %get3A_7 = arith.constant 0 : index
    %get3A_8 = vector.load %arg2[%get3A_6, %get3A_7] : memref<32x10112xf32, #tpu.memory_space<vmem>>, vector<32x10112xf32>
    %get3A_9 = arith.constant 0 : index
    %get3A_10 = arith.constant 0 : index
    %get3A_11 = vector.load %arg3[%get3A_9, %get3A_10] : memref<32x1xf32, #tpu.memory_space<vmem>>, vector<32x1xf32>
    %dot_general3A_12 = arith.constant dense<0.000000e+00> : vector<10112x1xf32>
    %dot_general3A_13 = tpu.matmul %get3A_8, %get3A_11, %dot_general3A_12 {dimension_numbers = #tpu.dot_dimension_numbers<[0], [0], [1], [1], [0, 1, 1, 1], [], []>, transpose_lhs_hint = false} : vector<32x10112xf32>, vector<32x1xf32>, vector<10112x1xf32> -> vector<10112x1xf32>
    %add3A = arith.constant 1.000000e+00 : f32
    %add3A_14 = vector.broadcast %add3A : f32 to vector<10112x1xf32>
    %add3A_15 = arith.addf %dot_general3A_13, %add3A_14 : vector<10112x1xf32>
    %rsqrt3A = math.rsqrt %add3A_15 : vector<10112x1xf32>
    %mul3A = vector.broadcast %rsqrt3A : vector<10112x1xf32> to vector<10112x32xf32>
    %mul3A_16 = arith.mulf %dot_general3A_5, %mul3A : vector<10112x32xf32>
    %swap3A = arith.constant 0 : index
    %swap3A_17 = arith.constant 0 : index
    %swap3A_18 = vector.load %arg4[%swap3A, %swap3A_17] : memref<10112x32xf32, #tpu.memory_space<vmem>>, vector<10112x32xf32>
    tpu.vector_store %arg4[%swap3A, %swap3A_17], %mul3A_16 {strides = array<i32>} : memref<10112x32xf32, #tpu.memory_space<vmem>>, vector<10112x32xf32>,
    %broadcast_in_dim3A = vector.shape_cast %rsqrt3A : vector<10112x1xf32> to vector<10112x1xf32>
    %broadcast_in_dim3A_19 = vector.broadcast %broadcast_in_dim3A : vector<10112x1xf32> to vector<10112x32xf32>
    %swap3A_20 = arith.constant 0 : index
    %swap3A_21 = arith.constant 0 : index
    %swap3A_22 = vector.load %arg5[%swap3A_20, %swap3A_21] : memref<10112x32xf32, #tpu.memory_space<vmem>>, vector<10112x32xf32>
    tpu.vector_store %arg5[%swap3A_20, %swap3A_21], %broadcast_in_dim3A_19 {strides = array<i32>} : memref<10112x32xf32, #tpu.memory_space<vmem>>, vector<10112x32xf32>,
    return
  }
}

module attributes {stable_mosaic.version = 14 : i64} {
  func.func @_tc_out_body(%arg0: memref<20224x32xf32, #tpu.memory_space<vmem>>, %arg1: memref<10112x32xf32, #tpu.memory_space<vmem>>, %arg2: memref<10112x32xf32, #tpu.memory_space<vmem>>, %arg3: memref<32x128xf32, #tpu.memory_space<vmem>>, %arg4: memref<128xf32, #tpu.memory_space<vmem>>, %arg5: memref<10112x128xf32, #tpu.memory_space<vmem>>) attributes {dimension_semantics = [], scalar_prefetch = 0 : i64, scratch_operands = 0 : i64, tpu.core_type = #tpu.core_type<tc>} {
    %get3A = arith.constant 0 : index
    %get3A_0 = arith.constant 0 : index
    %get3A_1 = vector.load %arg2[%get3A, %get3A_0] : memref<10112x32xf32, #tpu.memory_space<vmem>>, vector<10112x32xf32>
    %get3A_2 = arith.constant 0 : index
    %get3A_3 = arith.constant 0 : index
    %get3A_4 = vector.load %arg0[%get3A_2, %get3A_3] : memref<20224x32xf32, #tpu.memory_space<vmem>>, vector<10112x32xf32>
    %get3A_5 = arith.constant 10112 : index
    %get3A_6 = arith.constant 0 : index
    %get3A_7 = vector.load %arg0[%get3A_5, %get3A_6] : memref<20224x32xf32, #tpu.memory_space<vmem>>, vector<10112x32xf32>
    %add3A = arith.addf %get3A_4, %get3A_7 : vector<10112x32xf32>
    %get3A_8 = arith.constant 0 : index
    %get3A_9 = arith.constant 0 : index
    %get3A_10 = vector.load %arg1[%get3A_8, %get3A_9] : memref<10112x32xf32, #tpu.memory_space<vmem>>, vector<10112x32xf32>
    %add3A_11 = arith.addf %add3A, %get3A_10 : vector<10112x32xf32>
    %mul3A = arith.mulf %get3A_1, %add3A_11 : vector<10112x32xf32>
    %get3A_12 = arith.constant 0 : index
    %get3A_13 = arith.constant 0 : index
    %get3A_14 = vector.load %arg3[%get3A_12, %get3A_13] : memref<32x128xf32, #tpu.memory_space<vmem>>, vector<32x128xf32>
    %dot_general3A = arith.constant dense<0.000000e+00> : vector<10112x128xf32>
    %dot_general3A_15 = tpu.matmul %mul3A, %get3A_14, %dot_general3A {dimension_numbers = #tpu.dot_dimension_numbers<[1], [0], [0], [1], [0, 0, 1, 1], [], []>, transpose_lhs_hint = false} : vector<10112x32xf32>, vector<32x128xf32>, vector<10112x128xf32> -> vector<10112x128xf32>
    %get3A_16 = arith.constant 0 : index
    %get3A_17 = vector.load %arg4[%get3A_16] : memref<128xf32, #tpu.memory_space<vmem>>, vector<128xf32>
    %broadcast_in_dim3A = vector.shape_cast %get3A_17 : vector<128xf32> to vector<1x128xf32>
    %add3A_18 = vector.broadcast %broadcast_in_dim3A : vector<1x128xf32> to vector<10112x128xf32>
    %add3A_19 = arith.addf %dot_general3A_15, %add3A_18 : vector<10112x128xf32>
    %swap3A = arith.constant 0 : index
    %swap3A_20 = arith.constant 0 : index
    %swap3A_21 = vector.load %arg5[%swap3A, %swap3A_20] : memref<10112x128xf32, #tpu.memory_space<vmem>>, vector<10112x128xf32>
    tpu.vector_store %arg5[%swap3A, %swap3A_20], %add3A_19 {strides = array<i32>} : memref<10112x128xf32, #tpu.memory_space<vmem>>, vector<10112x128xf32>,
    return
  }
}

</mosaic_0001>

<sc_bundles>
// kernel: kernel.10.cloned.1.call-start
scs
__scs_entry_jumppad:
0x0: {  	(pc) =	sbr.rel $0x88, $3  }
0x1: {  	(tag) =	ssettag $0x0;
	lr =	simm.s32 $0x1  }
0x2: {  	[smem:$0x3F9B] =	sst lr;
	_ =	strace $0xD0000000  }
0x3: {  	_ = 	snop  }
0x4: {  	_ = 	snop  }
0x5: {  	_ = 	snop  }
0x6: {  	_ = 	snop  }
0x7: {  	_ = 	snop  }
__scs_overlays_trampoline_lowered:
0x8: {  	[smem:$0x3FAA] =	sst s0  }
0x9: {  	[smem:$0x3FAB] =	sst s1  }
0xa: {  	[smem:$0x3FAC] =	sst s2  }
0xb: {  	[smem:$0x3FAD] =	sst s3  }
0xc: {  	[smem:$0x3FAE] =	sst s4  }
0xd: {  	[smem:$0x3FAF] =	sst s5  }
0xe: {  	[smem:$0x3FB0] =	sst s6  }
0xf: {  	[smem:$0x3FB1] =	sst s7  }
0x10: {  	[smem:$0x3FB2] =	sst s8  }
0x11: {  	[smem:$0x3FB3] =	sst s9;
	s0 =	simm.s32 @!p0 $0x0  }
0x12: {  	s1 =	sld [smem:$0x3F99];
	s0 =	simm.s32 @p0 $0x1  }
0x13: {  	[smem:$0x3FB4] =	sst s0;
	s0 =	simm.s32 @!p1 $0x0  }
0x14: {  	s2 =	sld [smem:$0x3F98];
	s0 =	simm.s32 @p1 $0x1  }
0x15: {  	[smem:$0x3FB5] =	sst s0;
	s0 =	simm.s32 @!p2 $0x0  }
0x16: {  	s3 =	sld [smem:$0x3FDB];
	s0 =	simm.s32 @p2 $0x1  }
0x17: {  	s4 =	simm.s32 $0x1BF5;
	[smem:$0x3FB7] =	sst s0  }
0x18: {  	s0 =	sld [smem:$0x3F9A];
	_ =	swait.ge [sflag:s4], $0x0  }
0x19: {  	s7 =	sld [smem:$0x3F9B]  }
0x1a: {  	s8 =	sadd.s32 $0xFFFFE003, lr  }
0x1b: {  	s9 =	sadd.s32 $0xFFFFFEF7, lr;
	s5 =	simm.s32 $0xFFFFFFFF;
	p2 =	slt.u32 s8, $0xFFFFF086  }
0x1c: {  	p1 =	slt.u32 s9, $0xF7A;
	s5 =	simm.s32 @!p2 $0x0  }
0x1d: {  	s5 =	simm.s32 @p1 $0x1;
	p0 =	seq.s32 s7, s2  }
0x1e: {  	s7 =	smul.u32 @!p0 $0xF7A, s2;
	p2 =	seq.s32 @!p0 s5, $0x0  }
0x1f: {  	s9 =	smul.u32 $0xF7A, s1;
	s8 =	simm.s32 @!p0 $0x1BF5;
	p2 =	por !p2, p0  }
0x20: {  	[sflag:s8] =	ssyncset.s32 @!p0 $0xFFFFF086;
	s6 =	sadd.s32 @!p0 s3, s7;
	s7 =	simm.s32 @!p0 $0x108  }
0x21: {  	s3 =	sadd.s32 s3, s9;
	s6 =	sadd.s32 @!p0 $0x88, s6;
	s7 =	simm.s32 @p2 $0x1082  }
0x22: {  	[simem:s7], [sflag:s8] =	dma.local @!p0 [hbm:s6], $0xF7A  }
0x23: {  	s9 =	sor.u32 $0xD0000000, s2;
	s6 =	simm.s32 $0x108;
	_ =	swait.ge @!p0 [sflag:s8], $0x0  }
0x24: {  	s3 =	sadd.s32 $0x88, s3;
	s6 =	simm.s32 @!p1 $0x1082;
	[sflag:s4] =	ssyncset.s32 $0xFFFFF086  }
0x25: {  	[simem:s6], [sflag:s4] =	dma.local [hbm:s3], $0xF7A  }
0x26: {  	[smem:$0x3F9B] =	sst s1;
	(tag) =	ssettag s2;
	_ =	strace s9  }
0x27: {  	s1 =	sld [smem:$0x3FAB]  }
0x28: {  	s2 =	sld [smem:$0x3FAC]  }
0x29: {  	s4 =	sld [smem:$0x3FAE]  }
0x2a: {  	p0 =	seq.s32 s5, $0x0;
	s5 =	sld [smem:$0x3FAF]  }
0x2b: {  	s6 =	sld [smem:$0x3FB0]  }
0x2c: {  	s7 =	sld [smem:$0x3FB1]  }
0x2d: {  	s3 =	simm.s32 $0x108;
	s8 =	sld [smem:$0x3FB2]  }
0x2e: {  	s3 =	simm.s32 @!p0 $0x1082;
	s9 =	sld [smem:$0x3FB3]  }
0x2f: {  	lr =	sadd.s32 s0, s3;
	s0 =	sld [smem:$0x3FAA]  }
0x30: {  	s3 =	sld [smem:$0x3FAD]  }
0x31: {  	[smem:$0x3FB6] =	sst s10  }
0x32: {  	s10 =	sld [smem:$0x3FB4];
	_ =	sdelay $0x3  }
0x33: {  	p0 =	seq.s32 s10, $0x1;
	s10 =	sld [smem:$0x3FB6];
	_ =	sdelay $0x3  }
0x34: {  	[smem:$0x3FB6] =	sst s10  }
0x35: {  	s10 =	sld [smem:$0x3FB5];
	_ =	sdelay $0x3  }
0x36: {  	p1 =	seq.s32 s10, $0x1;
	s10 =	sld [smem:$0x3FB6];
	_ =	sdelay $0x3  }
0x37: {  	[smem:$0x3FB6] =	sst s10  }
0x38: {  	s10 =	sld [smem:$0x3FB7]  }
0x39: {  	_ = 	snop;
	(pc) =	sbr.ind lr, $3  }
0x3a: {  	_ = 	snop  }
0x3b: {  	_ = 	snop  }
0x3c: {  	p2 =	seq.s32 s10, $0x1;
	s10 =	sld [smem:$0x3FB6]  }
0x3d: {  	_ =	shalt  }
0x3e: {  	_ =	shalt  }
0x3f: {  	_ =	shalt  }
0x40: {  	_ =	shalt  }
0x41: {  	_ =	shalt  }
0x42: {  	_ =	shalt  }
0x43: {  	_ =	shalt  }
0x44: {  	_ =	shalt  }
0x45: {  	_ =	shalt  }
0x46: {  	_ =	shalt  }
0x47: {  	_ =	shalt  }
0x48: {  	_ =	shalt  }
0x49: {  	_ =	shalt  }
0x4a: {  	_ =	shalt  }
0x4b: {  	_ =	shalt  }
0x4c: {  	_ =	shalt  }
0x4d: {  	_ =	shalt  }
0x4e: {  	_ =	shalt  }
0x4f: {  	_ =	shalt  }
0x50: {  	_ =	shalt  }
0x51: {  	_ =	shalt  }
0x52: {  	_ =	shalt  }
0x53: {  	_ =	shalt  }
0x54: {  	_ =	shalt  }
0x55: {  	_ =	shalt  }
0x56: {  	_ =	shalt  }
0x57: {  	_ =	shalt  }
0x58: {  	_ =	shalt  }
0x59: {  	_ =	shalt  }
0x5a: {  	_ =	shalt  }
0x5b: {  	_ =	shalt  }
0x5c: {  	_ =	shalt  }
0x5d: {  	_ =	shalt  }
0x5e: {  	_ =	shalt  }
0x5f: {  	_ =	shalt  }
0x60: {  	_ =	shalt  }
0x61: {  	_ =	shalt  }
0x62: {  	_ =	shalt  }
0x63: {  	_ =	shalt  }
0x64: {  	_ =	shalt  }
0x65: {  	_ =	shalt  }
0x66: {  	_ =	shalt  }
0x67: {  	_ =	shalt  }
0x68: {  	_ =	shalt  }
0x69: {  	_ =	shalt  }
0x6a: {  	_ =	shalt  }
0x6b: {  	_ =	shalt  }
0x6c: {  	_ =	shalt  }
0x6d: {  	_ =	shalt  }
0x6e: {  	_ =	shalt  }
0x6f: {  	_ =	shalt  }
0x70: {  	_ =	shalt  }
0x71: {  	_ =	shalt  }
0x72: {  	_ =	shalt  }
0x73: {  	_ =	shalt  }
0x74: {  	_ =	shalt  }
0x75: {  	_ =	shalt  }
0x76: {  	_ =	shalt  }
0x77: {  	_ =	shalt  }
0x78: {  	_ =	shalt  }
0x79: {  	_ =	shalt  }
0x7a: {  	_ =	shalt  }
0x7b: {  	_ =	shalt  }
0x7c: {  	_ =	shalt  }
0x7d: {  	_ =	shalt  }
0x7e: {  	_ =	shalt  }
0x7f: {  	_ =	shalt  }
0x80: {  	_ =	shalt  }
0x81: {  	_ =	shalt  }
0x82: {  	_ =	shalt  }
0x83: {  	_ =	shalt  }
0x84: {  	_ =	shalt  }
0x85: {  	_ =	shalt  }
0x86: {  	_ =	shalt  }
0x87: {  	_ =	shalt  }
.Lfunc_end0:
.L_simem_size_0:
called_computation.1_lowered:
.L_overlay_start_0:
0x88: {  	s2 =	sld [smem:$0x3FD9]  }
0x89: {  	s3 =	sld [smem:$0x3FFE];
	_ =	sdelay $0x1  }
0x8a: {  	s1 =	srdreg.scid  }
0x8b: {  	s0 =	sand.u32 $0x1, s1  }
0x8c: {  	s16 =	sshll.u32 s0, $0xA;
	s2 =	sadd.s32 s3, s2  }
0x8d: {  	s2 =	sadd.s32 s2, s16  }
0x8e: {  	[smem:$0x3FC2] =	sst s2  }
0x8f: {  	_ = 	snop  }
0x90: {  	(tm) =	ssettm $0x1  }
0x91: {  	s17 =	sld [smem:$0x3FFB];
	_ =	sdelay $0x3  }
0x92: {  	_ =	strace s17  }
0x93: {  	s2 =	sld [smem:$0x3FFC];
	_ =	sdelay $0x3  }
0x94: {  	_ =	strace s2  }
0x95: {  	s2 =	sld [smem:$0x3FFD];
	_ =	sdelay $0x3  }
0x96: {  	_ =	strace s2  }
0x97: {  	_ =	strace $0x8FFFFFFF  }
0x98: {  	s18 =	sld [smem:$0x3FDB];
	_ =	sdelay $0x1  }
0x99: {  	s19 =	simm.s32 $_scs_section_size  }
0x9a: {  	s4 =	simm.s32 $_size__tile_overlayer_lowered;
	s5 =	simm.s32 $_tile_overlayer_lowered  }
0x9b: {  	s22 =	simm.s32 $0x1BFF;
	s21 =	sshll.u32 s5, $0x1;
	s2 =	sadd.s32 s19, s18  }
0x9c: {  	s6 =	simm.s32 $0x0;
	s20 =	sshll.u32 s4, $0x1;
	s4 =	sadd.s32 s21, s2  }
0x9d: {  	[timem:s6], [sflag:s22] =	dma.local [hbm:s4], s20  }
0x9e: {  	_ =	swait.ge [sflag:s22], s20  }
0x9f: {  	s3 =	ssub.s32 $0x0, s20;
	[sflag:s22] =	ssyncset.done $0x0  }
0xa0: {  	[sflag:s22] =	ssyncadd.s32 s3;
	_ =	sdelay $0x1  }
0xa1: {  	s23 =	simm.s32 $0x1B8B  }
0xa2: {  	_ =	swait.ge [sflag:s23], $0x1  }
0xa3: {  	[sflag:s23] =	ssyncset.done $0x0  }
0xa4: {  	s25 =	simm.s32 $0x1B8E;
	s24 =	sld [smem:$0x3FFE];
	[sflag:s23] =	ssyncadd.s32 $0xFFFFFFFF  }
0xa5: {  	s26 =	simm.s32 $execute0_lowered;
	[smem:$0x3FD2] =	sst s25  }
0xa6: {  	s4 =	sshll.u32 s26, $0x1;
	_ =	strace $0x80000049;
	[dreg:$0x1] =	wrdreg $0xFFFFFFFF  }
0xa7: {  	s28 =	simm.s32 $_size_execute0_lowered;
	s2 =	sadd.s32 s2, s4;
	[dreg:$0x0] =	wrdreg $0x0  }
0xa8: {  	s4 =	sshll.u32 s28, $0x1;
	[dreg:$0x2] =	wrdreg s2  }
0xa9: {  	[dreg:$0x3] =	wrdreg s4  }
0xaa: {  	[dreg:$0x4] =	wrdreg $0xC0  }
0xab: {  	_ =	task [dreg:s6], $0x5FFFF  }
0xac: {  	[dreg:$0x1] =	wrdreg $0xFFFFFFFF  }
0xad: {  	[dreg:$0x0] =	wrdreg $0x60  }
0xae: {  	[dreg:$0x2] =	wrdreg s24  }
0xaf: {  	[dreg:$0x3] =	wrdreg $0x0  }
0xb0: {  	[dreg:$0x4] =	wrdreg $0x4F000  }
0xb1: {  	[dreg:$0x5] =	wrdreg $0x9  }
0xb2: {  	_ =	task.clear_ibuf [dreg:s6], $0x6FFFF;
	_ =	strace $0x90000049  }
0xb3: {  	s29 =	simm.s32 $0x9;
	_ =	strace $0x8000004B  }
0xb4: {  	_ =	swait.ge [sflag:s29], $0x1  }
0xb5: {  	[sflag:s29] =	ssyncadd.s32 $0xFFFFFFFF  }
0xb6: {  	_ =	strace $0x9000004B  }
0xb7: {  	_ =	sfence  }
0xb8: {  	s30 =	sld [smem:$0x0];
	_ =	sdelay $0x2  }
0xb9: {  	s31 =	sshll.u32 s1, $0xD;
	s1 =	sshrl.u32 s1, $0x2  }
0xba: {  	s3 =	sand.u32 $0x4000, s31;
	s1 =	sadd.s32 s1, s30  }
0xbb: {  	s0 =	sor.u32 s3, s0;
	s1 =	sshll.u32 s1, $0x11  }
0xbc: {  	s0 =	sor.u32 s1, s0  }
0xbd: {  	s0 =	sadd.s32 $0x8F2B, s0  }
0xbe: {  	[sflag:s0] =	ssyncadd.remote.s32 $0x1  }
0xbf: {  	_ =	sfence.sel $0xFFFF  }
0xc0: {  	[dreg:$0x0] =	wrdreg $0xFFFFFFFF;
	(pc) =	sbr.abs _section_cstart, $3  }
0xc1: {  	[dreg:$0x1] =	wrdreg $0xFFFFFFFF  }
0xc2: {  	_ =	task.clear_ibuf [dreg:s6], $0x2FFFF;
	_ =	strace $0x9FFFFFFF  }
0xc3: {  	(tm) =	ssettm $0x7FFFFFFF  }
tec
execute0_lowered:
.L_overlay_start_1:
0x0: {  	(tag) =	ssettag $0x1  }
0x1: {  	s0 =	srdreg.scid;
	s4 =	rddreg [dreg:$0x0]  }
0x2: {  	s9 =	stileid.u32;
	s2 =	rddreg [dreg:$0x1]  }
0x3: {  	s3 =	rddreg [dreg:$0x2];
	s7 =	simm.s32 $0x0;
	s10 =	simm.s32 $0x5  }
0x4: {  	s17 =	simm.s32 $0x80;
	s16 =	simm.s32 $0xEE00;
	s29 =	simm.s32 $0x13E00  }
0x5: {  	s31 =	simm.s32 $0x14E00;
	s13 =	simm.s32 $0x1;
	s28 =	simm.s32 $0x1AE00  }
0x6: {  	s30 =	simm.s32 $0x1BE00;
	s11 =	simm.s32 $0x3;
	s5 =	smul.u32 $0x4F00, s9  }
0x7: {  	s0 =	sand.u32 $0x1, s0;
	s1 =	sshll.u32 s9, $0x1;
	s6 =	smul.u32 $0x9E0, s9  }
0x8: {  	[smem:$0x7FF] =	sst s7;
	s25 =	sshll.u32 s9, $0x6;
	s1 =	sor.u32 s0, s1  }
0x9: {  	s18 =	smul.u32 $0x9E00, s0;
	_ =	strace $0x8000004A;
	s0 =	ssub.s32 $0x2, s0  }
0xa: {  	s14 =	sor.u32 $0x1C05, s25;
	s25 =	simm.s32 $0x19E00;
	s1 =	smul.u32 $0x500, s1  }
0xb: {  	s8 =	sshrl.u32 s5, $0x3;
	s20 =	sshrl.u32 s0, $0x1;
	s22 =	sadd.s32 s5, s2  }
0xc: {  	s5 =	sadd.s32 s5, s3;
	[dreg:$0xa] =	wrdreg s14;
	s6 =	sadd.s32 s6, s18  }
0xd: {  	s19 =	sadd.s32 s8, s4;
	s0 =	ssub.s32 s0, s20;
	s26 =	sshrl.u32 s22, $0x3  }
0xe: {  	s15 =	sshrl.u32 s5, $0x3;
	s18 =	simm.s32 $0xFE00;
	s22 =	simm.s32 $0x10E00  }
0xf: {  	s5 =	simm.s32 $0x2;
	s8 =	simm.s32 $0x0;
	[dreg:$0xb] =	wrdreg s26  }
0x10: {  	s1 =	sadd.s32 s1, s4;
	s23 =	sadd.s32 $0x15A00, s19;
	[dreg:$0xc] =	wrdreg s15  }
0x11: {  	s4 =	sadd.s32 s6, s4;
	s24 =	sadd.s32 $0x1F800, s19;
	[dreg:$0x6] =	wrdreg s23  }
0x12: {  	s0 =	smax.u32 s0, $0x1;
	s26 =	simm.s32 $0x12E00;
	[dreg:$0x7] =	wrdreg s24  }
0x13: {  	s19 =	simm.s32 $0x16E00;
	s21 =	sadd.s32 $0xBA00, s1;
	[dreg:$0x9] =	wrdreg s0  }
0x14: {  	s6 =	simm.s32 $0x4;
	s1 =	sadd.s32 $0x1A00, s1;
	[dreg:$0x4] =	wrdreg s21  }
0x15: {  	s4 =	sadd.s32 $0x29600, s4;
	s24 =	simm.s32 $0x11E00;
	[dreg:$0x5] =	wrdreg s1  }
0x16: {  	s0 =	simm.s32 $0x15E00;
	s23 =	simm.s32 $0x18E00;
	[dreg:$0x8] =	wrdreg s4  }
0x17: {  	s21 =	simm.s32 $0x17E00;
	s1 =	simm.s32 $0x1CE00;
	s4 =	simm.s32 $0x1DE00  }
.LBB2_1:
0x18: {  	[dreg:$0xd] =	wrdreg s8  }
0x19: {  	s7 =	simm.s32 $0x0;
	s12 =	rddreg [dreg:$0x4];
	s9 =	simm.s32 $0x9E00  }
0x1a: {  	[tilespmem:s9], [sflag:$0x5] =	stream.linear.gather [hbm4b:s12+s7], $0x2800, $0x38;
	[tilespmem:$0x1EE00] =	vst v63  }
0x1b: {  	_ =	swait.ge [sflag:s10], $0x2800  }
0x1c: {  	[sflag:s10] =	ssyncset.done $0x0  }
0x1d: {  	s12 =	simm.s32 $0xC600;
	s20 =	rddreg [dreg:$0x5];
	[sflag:s10] =	ssyncadd.s32 $0xFFFFD800  }
0x1e: {  	[tilespmem:s12], [sflag:$0x5] =	stream.linear.gather [hbm4b:s20+s7], $0x2800, $0x38;
	[tilespmem:$0x1EE00] =	vst v63  }
0x1f: {  	_ =	swait.ge [sflag:s10], $0x2800  }
0x20: {  	[sflag:s10] =	ssyncset.done $0x0;
	s12 =	rddreg [dreg:$0x6]  }
0x21: {  	s20 =	rddreg [dreg:$0xb];
	[sflag:s10] =	ssyncadd.s32 $0xFFFFD800  }
0x22: {  	[spmem:s20], [sflag:s14] =	dma.local [hbm:s12], $0x9E0  }
0x23: {  	_ =	swait.ge [sflag:s10], $0x9E0  }
0x24: {  	[sflag:s10] =	ssyncset.done $0x0  }
0x25: {  	s12 =	rddreg [dreg:$0x7];
	[sflag:s10] =	ssyncadd.s32 $0xFFFFF620  }
0x26: {  	[spmem:s15], [sflag:s14] =	dma.local [hbm:s12], $0x9E0  }
0x27: {  	_ =	swait.ge [sflag:s10], $0x9E0  }
0x28: {  	[sflag:s10] =	ssyncset.done $0x0  }
0x29: {  	[sflag:s10] =	ssyncadd.s32 $0xFFFFF620  }
0x2a: {  	[bflag:$0x0] =	sbarrier.arrive $0xFFFF  }
0x2b: {  	[tilespmem:s16], [sflag:$0x1] =	stream.indirect.gather [spmem:s2], $0x20, s9, s17, $0xb8;
	[tilespmem:$0x1EE00] =	vst v63  }
0x2c: {  	s14 =	simm.s32 $0x9E80  }
0x2d: {  	[tilespmem:s18], [sflag:$0x1] =	stream.indirect.gather [spmem:s2], $0x20, s14, s17, $0xb8;
	[tilespmem:$0x1EE00] =	vst v63  }
0x2e: {  	s15 =	simm.s32 $0x9F00  }
0x2f: {  	[tilespmem:s22], [sflag:$0x1] =	stream.indirect.gather [spmem:s2], $0x20, s15, s17, $0xb8;
	[tilespmem:$0x1EE00] =	vst v63  }
0x30: {  	s20 =	simm.s32 $0x9F80  }
0x31: {  	[tilespmem:s24], [sflag:$0x1] =	stream.indirect.gather [spmem:s2], $0x20, s20, s17, $0xb8;
	[tilespmem:$0x1EE00] =	vst v63  }
0x32: {  	s8 =	simm.s32 $0xA000  }
0x33: {  	[tilespmem:s26], [sflag:$0x1] =	stream.indirect.gather [spmem:s2], $0x20, s8, s17, $0xb8;
	[tilespmem:$0x1EE00] =	vst v63  }
0x34: {  	s9 =	simm.s32 $0xA080  }
0x35: {  	[tilespmem:s29], [sflag:$0x1] =	stream.indirect.gather [spmem:s2], $0x20, s9, s17, $0xb8;
	[tilespmem:$0x1EE00] =	vst v63  }
0x36: {  	s10 =	simm.s32 $0xA100  }
0x37: {  	[tilespmem:s31], [sflag:$0x1] =	stream.indirect.gather [spmem:s2], $0x20, s10, s17, $0xb8;
	[tilespmem:$0x1EE00] =	vst v63  }
0x38: {  	s12 =	simm.s32 $0xA180  }
0x39: {  	[tilespmem:s0], [sflag:$0x1] =	stream.indirect.gather [spmem:s2], $0x20, s12, s17, $0xb8;
	[tilespmem:$0x1EE00] =	vst v63  }
0x3a: {  	_ =	swait.ge [sflag:s13], $0x1000  }
0x3b: {  	[sflag:s13] =	ssyncset.done $0x0  }
0x3c: {  	[sflag:s13] =	ssyncadd.s32 $0xFFFFF000  }
0x3d: {  	_ =	swait.ge [sflag:s13], $0x1000  }
0x3e: {  	[sflag:s13] =	ssyncset.done $0x0  }
0x3f: {  	[sflag:s13] =	ssyncadd.s32 $0xFFFFF000  }
0x40: {  	_ =	swait.ge [sflag:s13], $0x1000  }
0x41: {  	[sflag:s13] =	ssyncset.done $0x0  }
0x42: {  	[sflag:s13] =	ssyncadd.s32 $0xFFFFF000  }
0x43: {  	_ =	swait.ge [sflag:s13], $0x1000  }
0x44: {  	[sflag:s13] =	ssyncset.done $0x0  }
0x45: {  	[sflag:s13] =	ssyncadd.s32 $0xFFFFF000  }
0x46: {  	_ =	swait.ge [sflag:s13], $0x1000  }
0x47: {  	[sflag:s13] =	ssyncset.done $0x0  }
0x48: {  	[sflag:s13] =	ssyncadd.s32 $0xFFFFF000  }
0x49: {  	_ =	swait.ge [sflag:s13], $0x1000  }
0x4a: {  	[sflag:s13] =	ssyncset.done $0x0  }
0x4b: {  	[sflag:s13] =	ssyncadd.s32 $0xFFFFF000  }
0x4c: {  	_ =	swait.ge [sflag:s13], $0x1000  }
0x4d: {  	[sflag:s13] =	ssyncset.done $0x0  }
0x4e: {  	[sflag:s13] =	ssyncadd.s32 $0xFFFFF000  }
0x4f: {  	_ =	swait.ge [sflag:s13], $0x1000  }
0x50: {  	[sflag:s13] =	ssyncset.done $0x0  }
0x51: {  	s14 =	simm.s32 $0xA200;
	[sflag:s13] =	ssyncadd.s32 $0xFFFFF000  }
0x52: {  	[tilespmem:s19], [sflag:$0x2] =	stream.indirect.gather [spmem:s2], $0x20, s14, s17, $0xb8;
	[tilespmem:$0x1EE00] =	vst v63  }
0x53: {  	s15 =	simm.s32 $0xA280  }
0x54: {  	[tilespmem:s21], [sflag:$0x2] =	stream.indirect.gather [spmem:s2], $0x20, s15, s17, $0xb8;
	[tilespmem:$0x1EE00] =	vst v63  }
0x55: {  	s20 =	simm.s32 $0xA300  }
0x56: {  	[tilespmem:s23], [sflag:$0x2] =	stream.indirect.gather [spmem:s2], $0x20, s20, s17, $0xb8;
	[tilespmem:$0x1EE00] =	vst v63  }
0x57: {  	s7 =	simm.s32 $0xA380  }
0x58: {  	[tilespmem:s25], [sflag:$0x2] =	stream.indirect.gather [spmem:s2], $0x20, s7, s17, $0xb8;
	[tilespmem:$0x1EE00] =	vst v63  }
0x59: {  	s9 =	simm.s32 $0xA400  }
0x5a: {  	[tilespmem:s28], [sflag:$0x2] =	stream.indirect.gather [spmem:s2], $0x20, s9, s17, $0xb8;
	[tilespmem:$0x1EE00] =	vst v63  }
0x5b: {  	s10 =	simm.s32 $0xA480  }
0x5c: {  	[tilespmem:s30], [sflag:$0x2] =	stream.indirect.gather [spmem:s2], $0x20, s10, s17, $0xb8;
	[tilespmem:$0x1EE00] =	vst v63  }
0x5d: {  	s12 =	simm.s32 $0xA500  }
0x5e: {  	[tilespmem:s1], [sflag:$0x2] =	stream.indirect.gather [spmem:s2], $0x20, s12, s17, $0xb8;
	[tilespmem:$0x1EE00] =	vst v63  }
0x5f: {  	s14 =	simm.s32 $0xA580  }
0x60: {  	[tilespmem:s4], [sflag:$0x2] =	stream.indirect.gather [spmem:s2], $0x20, s14, s17, $0xb8;
	[tilespmem:$0x1EE00] =	vst v63  }
0x61: {  	s15 =	simm.s32 $0xC600  }
0x62: {  	[spmem:s3] =	stream.indirect.scatter.add.f32 [tilespmem:s16], [sflag:$0x3], $0x20, s15, s17, $0xb8;
	[tilespmem:$0x1EE00] =	vst v63  }
0x63: {  	s20 =	simm.s32 $0xC680  }
0x64: {  	[spmem:s3] =	stream.indirect.scatter.add.f32 [tilespmem:s18], [sflag:$0x3], $0x20, s20, s17, $0xb8;
	[tilespmem:$0x1EE00] =	vst v63  }
0x65: {  	s7 =	simm.s32 $0xC700  }
0x66: {  	[spmem:s3] =	stream.indirect.scatter.add.f32 [tilespmem:s22], [sflag:$0x3], $0x20, s7, s17, $0xb8;
	[tilespmem:$0x1EE00] =	vst v63  }
0x67: {  	s9 =	simm.s32 $0xC780  }
0x68: {  	[spmem:s3] =	stream.indirect.scatter.add.f32 [tilespmem:s24], [sflag:$0x3], $0x20, s9, s17, $0xb8;
	[tilespmem:$0x1EE00] =	vst v63  }
0x69: {  	s10 =	simm.s32 $0xC800  }
0x6a: {  	[spmem:s3] =	stream.indirect.scatter.add.f32 [tilespmem:s26], [sflag:$0x3], $0x20, s10, s17, $0xb8;
	[tilespmem:$0x1EE00] =	vst v63  }
0x6b: {  	s12 =	simm.s32 $0xC880  }
0x6c: {  	[spmem:s3] =	stream.indirect.scatter.add.f32 [tilespmem:s29], [sflag:$0x3], $0x20, s12, s17, $0xb8;
	[tilespmem:$0x1EE00] =	vst v63  }
0x6d: {  	s14 =	simm.s32 $0xC900  }
0x6e: {  	[spmem:s3] =	stream.indirect.scatter.add.f32 [tilespmem:s31], [sflag:$0x3], $0x20, s14, s17, $0xb8;
	[tilespmem:$0x1EE00] =	vst v63  }
0x6f: {  	s15 =	simm.s32 $0xC980  }
0x70: {  	[spmem:s3] =	stream.indirect.scatter.add.f32 [tilespmem:s0], [sflag:$0x3], $0x20, s15, s17, $0xb8;
	[tilespmem:$0x1EE00] =	vst v63  }
0x71: {  	_ =	swait.ge [sflag:s11], $0x1000  }
0x72: {  	[sflag:s11] =	ssyncset.done $0x0  }
0x73: {  	[sflag:s11] =	ssyncadd.s32 $0xFFFFF000  }
0x74: {  	_ =	swait.ge [sflag:s11], $0x1000  }
0x75: {  	[sflag:s11] =	ssyncset.done $0x0  }
0x76: {  	[sflag:s11] =	ssyncadd.s32 $0xFFFFF000  }
0x77: {  	_ =	swait.ge [sflag:s11], $0x1000  }
0x78: {  	[sflag:s11] =	ssyncset.done $0x0  }
0x79: {  	[sflag:s11] =	ssyncadd.s32 $0xFFFFF000  }
0x7a: {  	_ =	swait.ge [sflag:s11], $0x1000  }
0x7b: {  	[sflag:s11] =	ssyncset.done $0x0  }
0x7c: {  	[sflag:s11] =	ssyncadd.s32 $0xFFFFF000  }
0x7d: {  	_ =	swait.ge [sflag:s11], $0x1000  }
0x7e: {  	[sflag:s11] =	ssyncset.done $0x0  }
0x7f: {  	[sflag:s11] =	ssyncadd.s32 $0xFFFFF000  }
0x80: {  	_ =	swait.ge [sflag:s11], $0x1000  }
0x81: {  	[sflag:s11] =	ssyncset.done $0x0  }
0x82: {  	[sflag:s11] =	ssyncadd.s32 $0xFFFFF000  }
0x83: {  	_ =	swait.ge [sflag:s11], $0x1000  }
0x84: {  	[sflag:s11] =	ssyncset.done $0x0  }
0x85: {  	[sflag:s11] =	ssyncadd.s32 $0xFFFFF000  }
0x86: {  	_ =	swait.ge [sflag:s11], $0x1000  }
0x87: {  	[sflag:s11] =	ssyncset.done $0x0  }
0x88: {  	[sflag:s11] =	ssyncadd.s32 $0xFFFFF000  }
0x89: {  	_ =	swait.ge [sflag:s5], $0x1000  }
0x8a: {  	[sflag:s5] =	ssyncset.done $0x0  }
0x8b: {  	[sflag:s5] =	ssyncadd.s32 $0xFFFFF000  }
0x8c: {  	_ =	swait.ge [sflag:s5], $0x1000  }
0x8d: {  	[sflag:s5] =	ssyncset.done $0x0  }
0x8e: {  	[sflag:s5] =	ssyncadd.s32 $0xFFFFF000  }
0x8f: {  	_ =	swait.ge [sflag:s5], $0x1000  }
0x90: {  	[sflag:s5] =	ssyncset.done $0x0  }
0x91: {  	[sflag:s5] =	ssyncadd.s32 $0xFFFFF000  }
0x92: {  	_ =	swait.ge [sflag:s5], $0x1000  }
0x93: {  	[sflag:s5] =	ssyncset.done $0x0  }
0x94: {  	[sflag:s5] =	ssyncadd.s32 $0xFFFFF000  }
0x95: {  	_ =	swait.ge [sflag:s5], $0x1000  }
0x96: {  	[sflag:s5] =	ssyncset.done $0x0  }
0x97: {  	[sflag:s5] =	ssyncadd.s32 $0xFFFFF000  }
0x98: {  	_ =	swait.ge [sflag:s5], $0x1000  }
0x99: {  	[sflag:s5] =	ssyncset.done $0x0  }
0x9a: {  	[sflag:s5] =	ssyncadd.s32 $0xFFFFF000  }
0x9b: {  	_ =	swait.ge [sflag:s5], $0x1000  }
0x9c: {  	[sflag:s5] =	ssyncset.done $0x0  }
0x9d: {  	[sflag:s5] =	ssyncadd.s32 $0xFFFFF000  }
0x9e: {  	p0 =	por $0x0, $0x0;
	_ =	swait.ge [sflag:s5], $0x1000  }
0x9f: {  	s8 =	simm.s32 @!p0 $0x80;
	[sflag:s5] =	ssyncset.done $0x0  }
0xa0: {  	s9 =	simm.s32 @!p0 $0xA600;
	s10 =	simm.s32 @!p0 $0xEE00;
	[sflag:s5] =	ssyncadd.s32 $0xFFFFF000  }
0xa1: {  	[tilespmem:s10], [sflag:$0x1] =	stream.indirect.gather @!p0 [spmem:s2], $0x20, s9, s8, $0xb8;
	[tilespmem:$0x1EE00] =	vst v63  }
0xa2: {  	s9 =	simm.s32 @!p0 $0xFE00;
	s10 =	simm.s32 @!p0 $0xA680  }
0xa3: {  	[tilespmem:s9], [sflag:$0x1] =	stream.indirect.gather @!p0 [spmem:s2], $0x20, s10, s8, $0xb8;
	[tilespmem:$0x1EE00] =	vst v63  }
0xa4: {  	s9 =	simm.s32 @!p0 $0xA700;
	s10 =	simm.s32 @!p0 $0x10E00  }
0xa5: {  	[tilespmem:s10], [sflag:$0x1] =	stream.indirect.gather @!p0 [spmem:s2], $0x20, s9, s8, $0xb8;
	[tilespmem:$0x1EE00] =	vst v63  }
0xa6: {  	s9 =	simm.s32 @!p0 $0xA780;
	s10 =	simm.s32 @!p0 $0x11E00  }
0xa7: {  	[tilespmem:s10], [sflag:$0x1] =	stream.indirect.gather @!p0 [spmem:s2], $0x20, s9, s8, $0xb8;
	[tilespmem:$0x1EE00] =	vst v63  }
0xa8: {  	s9 =	simm.s32 @!p0 $0xA800;
	s10 =	simm.s32 @!p0 $0x12E00  }
0xa9: {  	[tilespmem:s10], [sflag:$0x1] =	stream.indirect.gather @!p0 [spmem:s2], $0x20, s9, s8, $0xb8;
	[tilespmem:$0x1EE00] =	vst v63  }
0xaa: {  	s9 =	simm.s32 @!p0 $0xA880;
	s10 =	simm.s32 @!p0 $0x13E00  }
0xab: {  	[tilespmem:s10], [sflag:$0x1] =	stream.indirect.gather @!p0 [spmem:s2], $0x20, s9, s8, $0xb8;
	[tilespmem:$0x1EE00] =	vst v63  }
0xac: {  	s9 =	simm.s32 @!p0 $0xA900;
	s10 =	simm.s32 @!p0 $0x14E00  }
0xad: {  	[tilespmem:s10], [sflag:$0x1] =	stream.indirect.gather @!p0 [spmem:s2], $0x20, s9, s8, $0xb8;
	[tilespmem:$0x1EE00] =	vst v63  }
0xae: {  	s9 =	simm.s32 @!p0 $0xA980;
	s10 =	simm.s32 @!p0 $0x15E00  }
0xaf: {  	[tilespmem:s10], [sflag:$0x1] =	stream.indirect.gather @!p0 [spmem:s2], $0x20, s9, s8, $0xb8;
	[tilespmem:$0x1EE00] =	vst v63  }
0xb0: {  	s20 =	simm.s32 $0xCA00  }
0xb1: {  	[spmem:s3] =	stream.indirect.scatter.add.f32 [tilespmem:s19], [sflag:$0x4], $0x20, s20, s17, $0xb8;
	[tilespmem:$0x1EE00] =	vst v63  }
0xb2: {  	s7 =	simm.s32 $0xCA80  }
0xb3: {  	[spmem:s3] =	stream.indirect.scatter.add.f32 [tilespmem:s21], [sflag:$0x4], $0x20, s7, s17, $0xb8;
	[tilespmem:$0x1EE00] =	vst v63  }
0xb4: {  	s9 =	simm.s32 $0xCB00  }
0xb5: {  	[spmem:s3] =	stream.indirect.scatter.add.f32 [tilespmem:s23], [sflag:$0x4], $0x20, s9, s17, $0xb8;
	[tilespmem:$0x1EE00] =	vst v63  }
0xb6: {  	s10 =	simm.s32 $0xCB80  }
0xb7: {  	[spmem:s3] =	stream.indirect.scatter.add.f32 [tilespmem:s25], [sflag:$0x4], $0x20, s10, s17, $0xb8;
	[tilespmem:$0x1EE00] =	vst v63  }
0xb8: {  	s12 =	simm.s32 $0xCC00  }
0xb9: {  	[spmem:s3] =	stream.indirect.scatter.add.f32 [tilespmem:s28], [sflag:$0x4], $0x20, s12, s17, $0xb8;
	[tilespmem:$0x1EE00] =	vst v63  }
0xba: {  	s14 =	simm.s32 $0xCC80  }
0xbb: {  	[spmem:s3] =	stream.indirect.scatter.add.f32 [tilespmem:s30], [sflag:$0x4], $0x20, s14, s17, $0xb8;
	[tilespmem:$0x1EE00] =	vst v63  }
0xbc: {  	s15 =	simm.s32 $0xCD00  }
0xbd: {  	[spmem:s3] =	stream.indirect.scatter.add.f32 [tilespmem:s1], [sflag:$0x4], $0x20, s15, s17, $0xb8;
	[tilespmem:$0x1EE00] =	vst v63  }
0xbe: {  	s20 =	simm.s32 $0xCD80  }
0xbf: {  	[spmem:s3] =	stream.indirect.scatter.add.f32 [tilespmem:s4], [sflag:$0x4], $0x20, s20, s17, $0xb8;
	[tilespmem:$0x1EE00] =	vst v63  }
0xc0: {  	_ =	swait.ge [sflag:s6], $0x1000  }
0xc1: {  	[sflag:s6] =	ssyncset.done $0x0  }
0xc2: {  	[sflag:s6] =	ssyncadd.s32 $0xFFFFF000  }
0xc3: {  	_ =	swait.ge [sflag:s6], $0x1000  }
0xc4: {  	[sflag:s6] =	ssyncset.done $0x0  }
0xc5: {  	[sflag:s6] =	ssyncadd.s32 $0xFFFFF000  }
0xc6: {  	_ =	swait.ge [sflag:s6], $0x1000  }
0xc7: {  	[sflag:s6] =	ssyncset.done $0x0  }
0xc8: {  	[sflag:s6] =	ssyncadd.s32 $0xFFFFF000  }
0xc9: {  	_ =	swait.ge [sflag:s6], $0x1000  }
0xca: {  	[sflag:s6] =	ssyncset.done $0x0  }
0xcb: {  	[sflag:s6] =	ssyncadd.s32 $0xFFFFF000  }
0xcc: {  	_ =	swait.ge [sflag:s6], $0x1000  }
0xcd: {  	[sflag:s6] =	ssyncset.done $0x0  }
0xce: {  	[sflag:s6] =	ssyncadd.s32 $0xFFFFF000  }
0xcf: {  	_ =	swait.ge [sflag:s6], $0x1000  }
0xd0: {  	[sflag:s6] =	ssyncset.done $0x0  }
0xd1: {  	[sflag:s6] =	ssyncadd.s32 $0xFFFFF000  }
0xd2: {  	_ =	swait.ge [sflag:s6], $0x1000  }
0xd3: {  	[sflag:s6] =	ssyncset.done $0x0  }
0xd4: {  	[sflag:s6] =	ssyncadd.s32 $0xFFFFF000  }
0xd5: {  	s8 =	simm.s32 $0x2000;
	_ =	swait.ge [sflag:s6], $0x1000  }
.LBB2_2:
0xd6: {  	[sflag:s6] =	ssyncset.done $0x0;
	s10 =	smov.u32 s8;
	s8 =	sadd.s32 $0x2000, s8  }
0xd7: {  	p0 =	sne.s32 s8, $0xA000;
	[sflag:s6] =	ssyncadd.s32 $0xFFFFF000  }
0xd8: {  	_ =	swait.ge [sflag:s13], $0x1000  }
0xd9: {  	[sflag:s13] =	ssyncset.done $0x0  }
0xda: {  	[sflag:s13] =	ssyncadd.s32 $0xFFFFF000  }
0xdb: {  	_ =	swait.ge [sflag:s13], $0x1000  }
0xdc: {  	[sflag:s13] =	ssyncset.done $0x0  }
0xdd: {  	[sflag:s13] =	ssyncadd.s32 $0xFFFFF000  }
0xde: {  	_ =	swait.ge [sflag:s13], $0x1000  }
0xdf: {  	[sflag:s13] =	ssyncset.done $0x0  }
0xe0: {  	[sflag:s13] =	ssyncadd.s32 $0xFFFFF000  }
0xe1: {  	_ =	swait.ge [sflag:s13], $0x1000  }
0xe2: {  	[sflag:s13] =	ssyncset.done $0x0  }
0xe3: {  	[sflag:s13] =	ssyncadd.s32 $0xFFFFF000  }
0xe4: {  	_ =	swait.ge [sflag:s13], $0x1000  }
0xe5: {  	[sflag:s13] =	ssyncset.done $0x0  }
0xe6: {  	[sflag:s13] =	ssyncadd.s32 $0xFFFFF000  }
0xe7: {  	_ =	swait.ge [sflag:s13], $0x1000  }
0xe8: {  	[sflag:s13] =	ssyncset.done $0x0  }
0xe9: {  	[sflag:s13] =	ssyncadd.s32 $0xFFFFF000  }
0xea: {  	_ =	swait.ge [sflag:s13], $0x1000  }
0xeb: {  	[sflag:s13] =	ssyncset.done $0x0  }
0xec: {  	[sflag:s13] =	ssyncadd.s32 $0xFFFFF000  }
0xed: {  	s9 =	sshra.s32 s10, $0x2;
	_ =	swait.ge [sflag:s13], $0x1000  }
0xee: {  	s15 =	sadd.s32 $0xA200, s9;
	[sflag:s13] =	ssyncset.done $0x0  }
0xef: {  	[sflag:s13] =	ssyncadd.s32 $0xFFFFF000  }
0xf0: {  	[tilespmem:s19], [sflag:$0x2] =	stream.indirect.gather [spmem:s2], $0x20, s15, s17, $0xb8;
	[tilespmem:$0x1EE00] =	vst v63  }
0xf1: {  	s15 =	sadd.s32 $0xA280, s9  }
0xf2: {  	[tilespmem:s21], [sflag:$0x2] =	stream.indirect.gather [spmem:s2], $0x20, s15, s17, $0xb8;
	[tilespmem:$0x1EE00] =	vst v63  }
0xf3: {  	s15 =	sadd.s32 $0xA300, s9  }
0xf4: {  	[tilespmem:s23], [sflag:$0x2] =	stream.indirect.gather [spmem:s2], $0x20, s15, s17, $0xb8;
	[tilespmem:$0x1EE00] =	vst v63  }
0xf5: {  	s15 =	sadd.s32 $0xA380, s9  }
0xf6: {  	[tilespmem:s25], [sflag:$0x2] =	stream.indirect.gather [spmem:s2], $0x20, s15, s17, $0xb8;
	[tilespmem:$0x1EE00] =	vst v63  }
0xf7: {  	s15 =	sadd.s32 $0xA400, s9  }
0xf8: {  	[tilespmem:s28], [sflag:$0x2] =	stream.indirect.gather [spmem:s2], $0x20, s15, s17, $0xb8;
	[tilespmem:$0x1EE00] =	vst v63  }
0xf9: {  	s15 =	sadd.s32 $0xA480, s9  }
0xfa: {  	[tilespmem:s30], [sflag:$0x2] =	stream.indirect.gather [spmem:s2], $0x20, s15, s17, $0xb8;
	[tilespmem:$0x1EE00] =	vst v63  }
0xfb: {  	s15 =	sadd.s32 $0xA500, s9  }
0xfc: {  	[tilespmem:s1], [sflag:$0x2] =	stream.indirect.gather [spmem:s2], $0x20, s15, s17, $0xb8;
	[tilespmem:$0x1EE00] =	vst v63  }
0xfd: {  	s15 =	sadd.s32 $0xA580, s9  }
0xfe: {  	[tilespmem:s4], [sflag:$0x2] =	stream.indirect.gather [spmem:s2], $0x20, s15, s17, $0xb8;
	[tilespmem:$0x1EE00] =	vst v63  }
0xff: {  	s15 =	sadd.s32 $0xC600, s9  }
0x100: {  	[spmem:s3] =	stream.indirect.scatter.add.f32 [tilespmem:s16], [sflag:$0x3], $0x20, s15, s17, $0xb8;
	[tilespmem:$0x1EE00] =	vst v63  }
0x101: {  	s15 =	sadd.s32 $0xC680, s9  }
0x102: {  	[spmem:s3] =	stream.indirect.scatter.add.f32 [tilespmem:s18], [sflag:$0x3], $0x20, s15, s17, $0xb8;
	[tilespmem:$0x1EE00] =	vst v63  }
0x103: {  	s15 =	sadd.s32 $0xC700, s9  }
0x104: {  	[spmem:s3] =	stream.indirect.scatter.add.f32 [tilespmem:s22], [sflag:$0x3], $0x20, s15, s17, $0xb8;
	[tilespmem:$0x1EE00] =	vst v63  }
0x105: {  	s15 =	sadd.s32 $0xC780, s9  }
0x106: {  	[spmem:s3] =	stream.indirect.scatter.add.f32 [tilespmem:s24], [sflag:$0x3], $0x20, s15, s17, $0xb8;
	[tilespmem:$0x1EE00] =	vst v63  }
0x107: {  	s15 =	sadd.s32 $0xC800, s9  }
0x108: {  	[spmem:s3] =	stream.indirect.scatter.add.f32 [tilespmem:s26], [sflag:$0x3], $0x20, s15, s17, $0xb8;
	[tilespmem:$0x1EE00] =	vst v63  }
0x109: {  	s15 =	sadd.s32 $0xC880, s9  }
0x10a: {  	[spmem:s3] =	stream.indirect.scatter.add.f32 [tilespmem:s29], [sflag:$0x3], $0x20, s15, s17, $0xb8;
	[tilespmem:$0x1EE00] =	vst v63  }
0x10b: {  	s15 =	sadd.s32 $0xC900, s9  }
0x10c: {  	[spmem:s3] =	stream.indirect.scatter.add.f32 [tilespmem:s31], [sflag:$0x3], $0x20, s15, s17, $0xb8;
	[tilespmem:$0x1EE00] =	vst v63  }
0x10d: {  	s15 =	sadd.s32 $0xC980, s9  }
0x10e: {  	[spmem:s3] =	stream.indirect.scatter.add.f32 [tilespmem:s0], [sflag:$0x3], $0x20, s15, s17, $0xb8;
	[tilespmem:$0x1EE00] =	vst v63  }
0x10f: {  	_ =	swait.ge [sflag:s11], $0x1000  }
0x110: {  	[sflag:s11] =	ssyncset.done $0x0  }
0x111: {  	[sflag:s11] =	ssyncadd.s32 $0xFFFFF000  }
0x112: {  	_ =	swait.ge [sflag:s11], $0x1000  }
0x113: {  	[sflag:s11] =	ssyncset.done $0x0  }
0x114: {  	[sflag:s11] =	ssyncadd.s32 $0xFFFFF000  }
0x115: {  	_ =	swait.ge [sflag:s11], $0x1000  }
0x116: {  	[sflag:s11] =	ssyncset.done $0x0  }
0x117: {  	[sflag:s11] =	ssyncadd.s32 $0xFFFFF000  }
0x118: {  	_ =	swait.ge [sflag:s11], $0x1000  }
0x119: {  	[sflag:s11] =	ssyncset.done $0x0  }
0x11a: {  	[sflag:s11] =	ssyncadd.s32 $0xFFFFF000  }
0x11b: {  	_ =	swait.ge [sflag:s11], $0x1000  }
0x11c: {  	[sflag:s11] =	ssyncset.done $0x0  }
0x11d: {  	[sflag:s11] =	ssyncadd.s32 $0xFFFFF000  }
0x11e: {  	_ =	swait.ge [sflag:s11], $0x1000  }
0x11f: {  	[sflag:s11] =	ssyncset.done $0x0  }
0x120: {  	[sflag:s11] =	ssyncadd.s32 $0xFFFFF000  }
0x121: {  	_ =	swait.ge [sflag:s11], $0x1000  }
0x122: {  	[sflag:s11] =	ssyncset.done $0x0  }
0x123: {  	[sflag:s11] =	ssyncadd.s32 $0xFFFFF000  }
0x124: {  	_ =	swait.ge [sflag:s11], $0x1000  }
0x125: {  	[sflag:s11] =	ssyncset.done $0x0  }
0x126: {  	[sflag:s11] =	ssyncadd.s32 $0xFFFFF000  }
0x127: {  	_ =	swait.ge [sflag:s5], $0x1000  }
0x128: {  	[sflag:s5] =	ssyncset.done $0x0  }
0x129: {  	[sflag:s5] =	ssyncadd.s32 $0xFFFFF000  }
0x12a: {  	_ =	swait.ge [sflag:s5], $0x1000  }
0x12b: {  	[sflag:s5] =	ssyncset.done $0x0  }
0x12c: {  	[sflag:s5] =	ssyncadd.s32 $0xFFFFF000  }
0x12d: {  	_ =	swait.ge [sflag:s5], $0x1000  }
0x12e: {  	[sflag:s5] =	ssyncset.done $0x0  }
0x12f: {  	[sflag:s5] =	ssyncadd.s32 $0xFFFFF000  }
0x130: {  	_ =	swait.ge [sflag:s5], $0x1000  }
0x131: {  	[sflag:s5] =	ssyncset.done $0x0  }
0x132: {  	[sflag:s5] =	ssyncadd.s32 $0xFFFFF000  }
0x133: {  	_ =	swait.ge [sflag:s5], $0x1000  }
0x134: {  	[sflag:s5] =	ssyncset.done $0x0  }
0x135: {  	[sflag:s5] =	ssyncadd.s32 $0xFFFFF000  }
0x136: {  	_ =	swait.ge [sflag:s5], $0x1000  }
0x137: {  	[sflag:s5] =	ssyncset.done $0x0  }
0x138: {  	[sflag:s5] =	ssyncadd.s32 $0xFFFFF000  }
0x139: {  	_ =	swait.ge [sflag:s5], $0x1000  }
0x13a: {  	[sflag:s5] =	ssyncset.done $0x0  }
0x13b: {  	p1 =	seq.s32 s10, $0x8000;
	[sflag:s5] =	ssyncadd.s32 $0xFFFFF000  }
0x13c: {  	s10 =	sshra.s32 @!p1 s10, $0x2;
	s15 =	simm.s32 @!p1 $0x80;
	_ =	swait.ge [sflag:s5], $0x1000  }
0x13d: {  	s14 =	simm.s32 @!p1 $0xFE00;
	s16 =	sadd.s32 @!p1 $0xA600, s10;
	[sflag:s5] =	ssyncset.done $0x0  }
0x13e: {  	s7 =	simm.s32 @!p1 $0xEE00;
	s12 =	sadd.s32 @!p1 $0xA680, s10;
	[sflag:s5] =	ssyncadd.s32 $0xFFFFF000  }
0x13f: {  	[tilespmem:s7], [sflag:$0x1] =	stream.indirect.gather @!p1 [spmem:s2], $0x20, s16, s15, $0xb8;
	[tilespmem:$0x1EE00] =	vst v63  }
0x140: {  	s18 =	sadd.s32 @!p1 $0xA800, s10;
	s7 =	sadd.s32 @!p1 $0xA700, s10;
	s16 =	sadd.s32 @!p1 $0xA780, s10  }
0x141: {  	[tilespmem:s14], [sflag:$0x1] =	stream.indirect.gather @!p1 [spmem:s2], $0x20, s12, s15, $0xb8;
	[tilespmem:$0x1EE00] =	vst v63  }
0x142: {  	s20 =	sadd.s32 @!p1 $0xA900, s10;
	s12 =	simm.s32 @!p1 $0x10E00;
	s14 =	sadd.s32 @!p1 $0xA880, s10  }
0x143: {  	[tilespmem:s12], [sflag:$0x1] =	stream.indirect.gather @!p1 [spmem:s2], $0x20, s7, s15, $0xb8;
	[tilespmem:$0x1EE00] =	vst v63  }
0x144: {  	s10 =	sadd.s32 @!p1 $0xA980, s10;
	s7 =	simm.s32 @!p1 $0x11E00  }
0x145: {  	[tilespmem:s7], [sflag:$0x1] =	stream.indirect.gather @!p1 [spmem:s2], $0x20, s16, s15, $0xb8;
	[tilespmem:$0x1EE00] =	vst v63  }
0x146: {  	s16 =	simm.s32 $0xEE00  }
0x147: {  	s7 =	simm.s32 @!p1 $0x12E00  }
0x148: {  	[tilespmem:s7], [sflag:$0x1] =	stream.indirect.gather @!p1 [spmem:s2], $0x20, s18, s15, $0xb8;
	[tilespmem:$0x1EE00] =	vst v63  }
0x149: {  	s18 =	simm.s32 $0xFE00  }
0x14a: {  	s7 =	simm.s32 @!p1 $0x13E00  }
0x14b: {  	[tilespmem:s7], [sflag:$0x1] =	stream.indirect.gather @!p1 [spmem:s2], $0x20, s14, s15, $0xb8;
	[tilespmem:$0x1EE00] =	vst v63  }
0x14c: {  	s12 =	simm.s32 @!p1 $0x15E00;
	s7 =	simm.s32 @!p1 $0x14E00  }
0x14d: {  	[tilespmem:s7], [sflag:$0x1] =	stream.indirect.gather @!p1 [spmem:s2], $0x20, s20, s15, $0xb8;
	[tilespmem:$0x1EE00] =	vst v63  }
0x14e: {  	_ = 	snop  }
0x14f: {  	[tilespmem:s12], [sflag:$0x1] =	stream.indirect.gather @!p1 [spmem:s2], $0x20, s10, s15, $0xb8;
	[tilespmem:$0x1EE00] =	vst v63  }
0x150: {  	s7 =	sadd.s32 $0xCA00, s9  }
0x151: {  	[spmem:s3] =	stream.indirect.scatter.add.f32 [tilespmem:s19], [sflag:$0x4], $0x20, s7, s17, $0xb8;
	[tilespmem:$0x1EE00] =	vst v63  }
0x152: {  	s7 =	sadd.s32 $0xCA80, s9  }
0x153: {  	[spmem:s3] =	stream.indirect.scatter.add.f32 [tilespmem:s21], [sflag:$0x4], $0x20, s7, s17, $0xb8;
	[tilespmem:$0x1EE00] =	vst v63  }
0x154: {  	s10 =	sadd.s32 $0xCB80, s9;
	s7 =	sadd.s32 $0xCB00, s9  }
0x155: {  	[spmem:s3] =	stream.indirect.scatter.add.f32 [tilespmem:s23], [sflag:$0x4], $0x20, s7, s17, $0xb8;
	[tilespmem:$0x1EE00] =	vst v63  }
0x156: {  	s7 =	sadd.s32 $0xCC00, s9  }
0x157: {  	[spmem:s3] =	stream.indirect.scatter.add.f32 [tilespmem:s25], [sflag:$0x4], $0x20, s10, s17, $0xb8;
	[tilespmem:$0x1EE00] =	vst v63  }
0x158: {  	s10 =	sadd.s32 $0xCC80, s9  }
0x159: {  	[spmem:s3] =	stream.indirect.scatter.add.f32 [tilespmem:s28], [sflag:$0x4], $0x20, s7, s17, $0xb8;
	[tilespmem:$0x1EE00] =	vst v63  }
0x15a: {  	s7 =	sadd.s32 $0xCD00, s9  }
0x15b: {  	[spmem:s3] =	stream.indirect.scatter.add.f32 [tilespmem:s30], [sflag:$0x4], $0x20, s10, s17, $0xb8;
	[tilespmem:$0x1EE00] =	vst v63  }
0x15c: {  	s9 =	sadd.s32 $0xCD80, s9  }
0x15d: {  	[spmem:s3] =	stream.indirect.scatter.add.f32 [tilespmem:s1], [sflag:$0x4], $0x20, s7, s17, $0xb8;
	[tilespmem:$0x1EE00] =	vst v63  }
0x15e: {  	_ = 	snop  }
0x15f: {  	[spmem:s3] =	stream.indirect.scatter.add.f32 [tilespmem:s4], [sflag:$0x4], $0x20, s9, s17, $0xb8;
	[tilespmem:$0x1EE00] =	vst v63  }
0x160: {  	_ =	swait.ge [sflag:s6], $0x1000  }
0x161: {  	[sflag:s6] =	ssyncset.done $0x0  }
0x162: {  	[sflag:s6] =	ssyncadd.s32 $0xFFFFF000  }
0x163: {  	_ =	swait.ge [sflag:s6], $0x1000  }
0x164: {  	[sflag:s6] =	ssyncset.done $0x0  }
0x165: {  	[sflag:s6] =	ssyncadd.s32 $0xFFFFF000  }
0x166: {  	_ =	swait.ge [sflag:s6], $0x1000  }
0x167: {  	[sflag:s6] =	ssyncset.done $0x0  }
0x168: {  	[sflag:s6] =	ssyncadd.s32 $0xFFFFF000  }
0x169: {  	_ =	swait.ge [sflag:s6], $0x1000  }
0x16a: {  	[sflag:s6] =	ssyncset.done $0x0  }
0x16b: {  	[sflag:s6] =	ssyncadd.s32 $0xFFFFF000  }
0x16c: {  	_ =	swait.ge [sflag:s6], $0x1000  }
0x16d: {  	[sflag:s6] =	ssyncset.done $0x0  }
0x16e: {  	[sflag:s6] =	ssyncadd.s32 $0xFFFFF000  }
0x16f: {  	_ =	swait.ge [sflag:s6], $0x1000  }
0x170: {  	[sflag:s6] =	ssyncset.done $0x0  }
.Ltmp0:
0x171: {  	[sflag:s6] =	ssyncadd.s32 $0xFFFFF000;
	(pc) =	sbr.rel @p0 .LBB2_2-.Ltmp0, $4  }
0x172: {  	_ =	swait.ge [sflag:s6], $0x1000  }
0x173: {  	[sflag:s6] =	ssyncset.done $0x0  }
0x174: {  	[sflag:s6] =	ssyncadd.s32 $0xFFFFF000  }
0x175: {  	_ =	swait.ge [sflag:s6], $0x1000  }
0x176: {  	[sflag:s6] =	ssyncset.done $0x0  }
0x177: {  	[sflag:s6] =	ssyncadd.s32 $0xFFFFF000  }
0x178: {  	[bflag:$0x0] =	sbarrier.arrive $0xFFFF  }
0x179: {  	s7 =	rddreg [dreg:$0x8]  }
0x17a: {  	s14 =	rddreg [dreg:$0xa]  }
0x17b: {  	s10 =	simm.s32 $0x5;
	s15 =	rddreg [dreg:$0xc]  }
0x17c: {  	[hbm:s7], [sflag:s14] =	dma.local [spmem:s15], $0x9E0  }
0x17d: {  	_ =	swait.ge [sflag:s10], $0x9E0  }
0x17e: {  	s8 =	rddreg [dreg:$0xd]  }
0x17f: {  	s20 =	rddreg [dreg:$0x9];
	s8 =	sadd.s32 $0x1, s8  }
0x180: {  	p0 =	sne.s32 s8, s20  }
.Ltmp1:
0x181: {  	_ = 	snop;
	(pc) =	sbr.rel @p0 .LBB2_1-.Ltmp1, $3  }
0x182: {  	_ =	sdelay $0x1  }
0x183: {  	[sflag:s10] =	ssyncset.done $0x0  }
0x184: {  	[sflag:s10] =	ssyncadd.s32 $0xFFFFF620  }
0x185: {  	_ =	sfence.sel $0x180000  }
0x186: {  	[bflag:$0x0] =	sbarrier.arrive $0xFFFF  }
0x187: {  	_ =	strace $0x9000004A  }
0x188: {  	s0 =	stileid.u32;
	[bflag:$0x2] =	sbarrier.arrive $0xFFFF  }
0x189: {  	p0 =	sne.s32 s0, $0x0;
	s0 =	rddreg [dreg:$0x3]  }
0x18a: {  	s0 =	sadd.s32 @!p0 $0x100000, s0  }
0x18b: {  	[sflag:s0] =	ssyncadd.tile.s32 @!p0 $0x1;
	_ =	shalt  }
.Lfunc_end2:
_tile_overlayer_lowered:
.L_overlay_start_2:
0x18c: {  	(tag) =	ssettag $0x2  }
0x18d: {  	s0 =	rddreg [dreg:$0x0];
	s2 =	stileid.u32  }
0x18e: {  	s1 =	rddreg [dreg:$0x1];
	p0 =	sne.s32 s2, $0x0  }
0x18f: {  	s3 =	rddreg [dreg:$0x2];
	[bflag:$0x3] =	sbarrier.arrive $0xFFFF;
	s2 =	simm.s32 @!p0 $0x1C05  }
0x190: {  	[timem:s3], [sflag:s2] =	dma.local @!p0 [hbm:s0], s1  }
0x191: {  	s0 =	simm.s32 @!p0 $0x5  }
0x192: {  	_ =	swait.ge @!p0 [sflag:s0], s1  }
0x193: {  	s1 =	ssub.s32 @!p0 $0x0, s1;
	[sflag:s0] =	ssyncset.done @!p0 $0x0  }
0x194: {  	[sflag:s0] =	ssyncadd.s32 @!p0 s1  }
0x195: {  	[bflag:$0x3] =	sbarrier.arrive $0xFFFF  }
0x196: {  	_ =	shalt  }

// kernel: kernel.13.cloned.1.call-start
scs
__scs_entry_jumppad:
0x0: {  	(pc) =	sbr.rel $0x88, $3  }
0x1: {  	(tag) =	ssettag $0x0;
	lr =	simm.s32 $0x1  }
0x2: {  	[smem:$0x3F9B] =	sst lr;
	_ =	strace $0xD0000000  }
0x3: {  	_ = 	snop  }
0x4: {  	_ = 	snop  }
0x5: {  	_ = 	snop  }
0x6: {  	_ = 	snop  }
0x7: {  	_ = 	snop  }
__scs_overlays_trampoline_lowered:
0x8: {  	[smem:$0x3FAA] =	sst s0  }
0x9: {  	[smem:$0x3FAB] =	sst s1  }
0xa: {  	[smem:$0x3FAC] =	sst s2  }
0xb: {  	[smem:$0x3FAD] =	sst s3  }
0xc: {  	[smem:$0x3FAE] =	sst s4  }
0xd: {  	[smem:$0x3FAF] =	sst s5  }
0xe: {  	[smem:$0x3FB0] =	sst s6  }
0xf: {  	[smem:$0x3FB1] =	sst s7  }
0x10: {  	[smem:$0x3FB2] =	sst s8  }
0x11: {  	[smem:$0x3FB3] =	sst s9;
	s0 =	simm.s32 @!p0 $0x0  }
0x12: {  	s1 =	sld [smem:$0x3F99];
	s0 =	simm.s32 @p0 $0x1  }
0x13: {  	[smem:$0x3FB4] =	sst s0;
	s0 =	simm.s32 @!p1 $0x0  }
0x14: {  	s2 =	sld [smem:$0x3F98];
	s0 =	simm.s32 @p1 $0x1  }
0x15: {  	[smem:$0x3FB5] =	sst s0;
	s0 =	simm.s32 @!p2 $0x0  }
0x16: {  	s3 =	sld [smem:$0x3FDB];
	s0 =	simm.s32 @p2 $0x1  }
0x17: {  	s4 =	simm.s32 $0x1BF5;
	[smem:$0x3FB7] =	sst s0  }
0x18: {  	s0 =	sld [smem:$0x3F9A];
	_ =	swait.ge [sflag:s4], $0x0  }
0x19: {  	s7 =	sld [smem:$0x3F9B]  }
0x1a: {  	s8 =	sadd.s32 $0xFFFFE003, lr  }
0x1b: {  	s9 =	sadd.s32 $0xFFFFFEF7, lr;
	s5 =	simm.s32 $0xFFFFFFFF;
	p2 =	slt.u32 s8, $0xFFFFF086  }
0x1c: {  	p1 =	slt.u32 s9, $0xF7A;
	s5 =	simm.s32 @!p2 $0x0  }
0x1d: {  	s5 =	simm.s32 @p1 $0x1;
	p0 =	seq.s32 s7, s2  }
0x1e: {  	s7 =	smul.u32 @!p0 $0xF7A, s2;
	p2 =	seq.s32 @!p0 s5, $0x0  }
0x1f: {  	s9 =	smul.u32 $0xF7A, s1;
	s8 =	simm.s32 @!p0 $0x1BF5;
	p2 =	por !p2, p0  }
0x20: {  	[sflag:s8] =	ssyncset.s32 @!p0 $0xFFFFF086;
	s6 =	sadd.s32 @!p0 s3, s7;
	s7 =	simm.s32 @!p0 $0x108  }
0x21: {  	s3 =	sadd.s32 s3, s9;
	s6 =	sadd.s32 @!p0 $0x88, s6;
	s7 =	simm.s32 @p2 $0x1082  }
0x22: {  	[simem:s7], [sflag:s8] =	dma.local @!p0 [hbm:s6], $0xF7A  }
0x23: {  	s9 =	sor.u32 $0xD0000000, s2;
	s6 =	simm.s32 $0x108;
	_ =	swait.ge @!p0 [sflag:s8], $0x0  }
0x24: {  	s3 =	sadd.s32 $0x88, s3;
	s6 =	simm.s32 @!p1 $0x1082;
	[sflag:s4] =	ssyncset.s32 $0xFFFFF086  }
0x25: {  	[simem:s6], [sflag:s4] =	dma.local [hbm:s3], $0xF7A  }
0x26: {  	[smem:$0x3F9B] =	sst s1;
	(tag) =	ssettag s2;
	_ =	strace s9  }
0x27: {  	s1 =	sld [smem:$0x3FAB]  }
0x28: {  	s2 =	sld [smem:$0x3FAC]  }
0x29: {  	s4 =	sld [smem:$0x3FAE]  }
0x2a: {  	p0 =	seq.s32 s5, $0x0;
	s5 =	sld [smem:$0x3FAF]  }
0x2b: {  	s6 =	sld [smem:$0x3FB0]  }
0x2c: {  	s7 =	sld [smem:$0x3FB1]  }
0x2d: {  	s3 =	simm.s32 $0x108;
	s8 =	sld [smem:$0x3FB2]  }
0x2e: {  	s3 =	simm.s32 @!p0 $0x1082;
	s9 =	sld [smem:$0x3FB3]  }
0x2f: {  	lr =	sadd.s32 s0, s3;
	s0 =	sld [smem:$0x3FAA]  }
0x30: {  	s3 =	sld [smem:$0x3FAD]  }
0x31: {  	[smem:$0x3FB6] =	sst s10  }
0x32: {  	s10 =	sld [smem:$0x3FB4];
	_ =	sdelay $0x3  }
0x33: {  	p0 =	seq.s32 s10, $0x1;
	s10 =	sld [smem:$0x3FB6];
	_ =	sdelay $0x3  }
0x34: {  	[smem:$0x3FB6] =	sst s10  }
0x35: {  	s10 =	sld [smem:$0x3FB5];
	_ =	sdelay $0x3  }
0x36: {  	p1 =	seq.s32 s10, $0x1;
	s10 =	sld [smem:$0x3FB6];
	_ =	sdelay $0x3  }
0x37: {  	[smem:$0x3FB6] =	sst s10  }
0x38: {  	s10 =	sld [smem:$0x3FB7]  }
0x39: {  	_ = 	snop;
	(pc) =	sbr.ind lr, $3  }
0x3a: {  	_ = 	snop  }
0x3b: {  	_ = 	snop  }
0x3c: {  	p2 =	seq.s32 s10, $0x1;
	s10 =	sld [smem:$0x3FB6]  }
0x3d: {  	_ =	shalt  }
0x3e: {  	_ =	shalt  }
0x3f: {  	_ =	shalt  }
0x40: {  	_ =	shalt  }
0x41: {  	_ =	shalt  }
0x42: {  	_ =	shalt  }
0x43: {  	_ =	shalt  }
0x44: {  	_ =	shalt  }
0x45: {  	_ =	shalt  }
0x46: {  	_ =	shalt  }
0x47: {  	_ =	shalt  }
0x48: {  	_ =	shalt  }
0x49: {  	_ =	shalt  }
0x4a: {  	_ =	shalt  }
0x4b: {  	_ =	shalt  }
0x4c: {  	_ =	shalt  }
0x4d: {  	_ =	shalt  }
0x4e: {  	_ =	shalt  }
0x4f: {  	_ =	shalt  }
0x50: {  	_ =	shalt  }
0x51: {  	_ =	shalt  }
0x52: {  	_ =	shalt  }
0x53: {  	_ =	shalt  }
0x54: {  	_ =	shalt  }
0x55: {  	_ =	shalt  }
0x56: {  	_ =	shalt  }
0x57: {  	_ =	shalt  }
0x58: {  	_ =	shalt  }
0x59: {  	_ =	shalt  }
0x5a: {  	_ =	shalt  }
0x5b: {  	_ =	shalt  }
0x5c: {  	_ =	shalt  }
0x5d: {  	_ =	shalt  }
0x5e: {  	_ =	shalt  }
0x5f: {  	_ =	shalt  }
0x60: {  	_ =	shalt  }
0x61: {  	_ =	shalt  }
0x62: {  	_ =	shalt  }
0x63: {  	_ =	shalt  }
0x64: {  	_ =	shalt  }
0x65: {  	_ =	shalt  }
0x66: {  	_ =	shalt  }
0x67: {  	_ =	shalt  }
0x68: {  	_ =	shalt  }
0x69: {  	_ =	shalt  }
0x6a: {  	_ =	shalt  }
0x6b: {  	_ =	shalt  }
0x6c: {  	_ =	shalt  }
0x6d: {  	_ =	shalt  }
0x6e: {  	_ =	shalt  }
0x6f: {  	_ =	shalt  }
0x70: {  	_ =	shalt  }
0x71: {  	_ =	shalt  }
0x72: {  	_ =	shalt  }
0x73: {  	_ =	shalt  }
0x74: {  	_ =	shalt  }
0x75: {  	_ =	shalt  }
0x76: {  	_ =	shalt  }
0x77: {  	_ =	shalt  }
0x78: {  	_ =	shalt  }
0x79: {  	_ =	shalt  }
0x7a: {  	_ =	shalt  }
0x7b: {  	_ =	shalt  }
0x7c: {  	_ =	shalt  }
0x7d: {  	_ =	shalt  }
0x7e: {  	_ =	shalt  }
0x7f: {  	_ =	shalt  }
0x80: {  	_ =	shalt  }
0x81: {  	_ =	shalt  }
0x82: {  	_ =	shalt  }
0x83: {  	_ =	shalt  }
0x84: {  	_ =	shalt  }
0x85: {  	_ =	shalt  }
0x86: {  	_ =	shalt  }
0x87: {  	_ =	shalt  }
.Lfunc_end0:
.L_simem_size_0:
called_computation.2_lowered:
.L_overlay_start_0:
0x88: {  	s2 =	sld [smem:$0x3FD9]  }
0x89: {  	s3 =	sld [smem:$0x3FFE];
	_ =	sdelay $0x1  }
0x8a: {  	s1 =	srdreg.scid  }
0x8b: {  	s0 =	sand.u32 $0x1, s1  }
0x8c: {  	s17 =	sshll.u32 s0, $0xA;
	s2 =	sadd.s32 s3, s2  }
0x8d: {  	s2 =	sadd.s32 s2, s17  }
0x8e: {  	[smem:$0x3FC2] =	sst s2  }
0x8f: {  	_ = 	snop  }
0x90: {  	s2 =	sld [smem:$0x3FC6]  }
0x91: {  	s18 =	sld [smem:$0x3FD0];
	(tm) =	ssettm $0x1  }
0x92: {  	s4 =	sld [smem:$0x3FFB];
	_ =	sdelay $0x3  }
0x93: {  	_ =	strace s4  }
0x94: {  	s4 =	sld [smem:$0x3FFC];
	_ =	sdelay $0x3  }
0x95: {  	_ =	strace s4  }
0x96: {  	s4 =	sld [smem:$0x3FFD];
	_ =	sdelay $0x3  }
0x97: {  	_ =	strace s4  }
0x98: {  	_ =	strace $0x8FFFFFFF  }
0x99: {  	s19 =	sld [smem:$0x3FDB];
	_ =	sdelay $0x1  }
0x9a: {  	s5 =	simm.s32 $_scs_section_size  }
0x9b: {  	s6 =	simm.s32 $_size__tile_overlayer_lowered;
	s7 =	simm.s32 $_tile_overlayer_lowered  }
0x9c: {  	s22 =	simm.s32 $0x1BFF;
	s21 =	sshll.u32 s7, $0x1;
	s4 =	sadd.s32 s5, s19  }
0x9d: {  	s8 =	simm.s32 $0x0;
	s20 =	sshll.u32 s6, $0x1;
	s6 =	sadd.s32 s21, s4  }
0x9e: {  	[timem:s8], [sflag:s22] =	dma.local [hbm:s6], s20  }
0x9f: {  	_ =	swait.ge [sflag:s22], s20  }
0xa0: {  	s5 =	ssub.s32 $0x0, s20;
	[sflag:s22] =	ssyncset.done $0x0  }
0xa1: {  	[sflag:s22] =	ssyncadd.s32 s5;
	_ =	sdelay $0x1  }
0xa2: {  	s23 =	simm.s32 $0x1B8B  }
0xa3: {  	_ =	swait.ge [sflag:s23], $0x1  }
0xa4: {  	[sflag:s23] =	ssyncset.done $0x0  }
0xa5: {  	s25 =	simm.s32 $0x1B8E;
	s24 =	sld [smem:$0x3FFE];
	[sflag:s23] =	ssyncadd.s32 $0xFFFFFFFF  }
0xa6: {  	s26 =	simm.s32 $execute0_lowered;
	[smem:$0x3FD2] =	sst s25  }
0xa7: {  	s6 =	sshll.u32 s26, $0x1;
	_ =	strace $0x8000004C;
	[dreg:$0x1] =	wrdreg $0xFFFFFFFF  }
0xa8: {  	s28 =	simm.s32 $_size_execute0_lowered;
	s4 =	sadd.s32 s4, s6;
	[dreg:$0x0] =	wrdreg $0x0  }
0xa9: {  	s6 =	sshll.u32 s28, $0x1;
	[dreg:$0x2] =	wrdreg s4  }
0xaa: {  	[dreg:$0x3] =	wrdreg s6  }
0xab: {  	[dreg:$0x4] =	wrdreg $0xC0  }
0xac: {  	_ =	task [dreg:s8], $0x5FFFF  }
0xad: {  	[dreg:$0x1] =	wrdreg $0xFFFFFFFF  }
0xae: {  	[dreg:$0x0] =	wrdreg $0x60  }
0xaf: {  	[dreg:$0x2] =	wrdreg s24  }
0xb0: {  	[dreg:$0x3] =	wrdreg s2  }
0xb1: {  	[dreg:$0x4] =	wrdreg s18  }
0xb2: {  	[dreg:$0x5] =	wrdreg $0x4F000  }
0xb3: {  	[dreg:$0x6] =	wrdreg $0x0  }
0xb4: {  	[dreg:$0x7] =	wrdreg $0x9  }
0xb5: {  	_ =	task.clear_ibuf [dreg:s8], $0x8FFFF;
	_ =	strace $0x9000004C  }
0xb6: {  	s29 =	simm.s32 $0x9;
	_ =	strace $0x8000004E  }
0xb7: {  	_ =	swait.ge [sflag:s29], $0x1  }
0xb8: {  	[sflag:s29] =	ssyncadd.s32 $0xFFFFFFFF  }
0xb9: {  	_ =	strace $0x9000004E  }
0xba: {  	_ =	sfence  }
0xbb: {  	s30 =	sld [smem:$0x0];
	_ =	sdelay $0x2  }
0xbc: {  	s31 =	sshll.u32 s1, $0xD;
	s1 =	sshrl.u32 s1, $0x2  }
0xbd: {  	s3 =	sand.u32 $0x4000, s31;
	s1 =	sadd.s32 s1, s30  }
0xbe: {  	s0 =	sor.u32 s3, s0;
	s1 =	sshll.u32 s1, $0x11  }
0xbf: {  	s0 =	sor.u32 s1, s0  }
0xc0: {  	s0 =	sadd.s32 $0x8F2B, s0  }
0xc1: {  	[sflag:s0] =	ssyncadd.remote.s32 $0x1  }
0xc2: {  	_ =	sfence.sel $0xFFFF  }
0xc3: {  	[dreg:$0x0] =	wrdreg $0xFFFFFFFF;
	(pc) =	sbr.abs _section_cstart, $3  }
0xc4: {  	[dreg:$0x1] =	wrdreg $0xFFFFFFFF  }
0xc5: {  	_ =	task.clear_ibuf [dreg:s8], $0x2FFFF;
	_ =	strace $0x9FFFFFFF  }
0xc6: {  	(tm) =	ssettm $0x7FFFFFFF  }
0xc7: {  	_ =	shalt  }
tec
execute0_lowered:
.L_overlay_start_1:
0x0: {  	(tag) =	ssettag $0x1  }
0x1: {  	s0 =	rddreg [dreg:$0x0]  }
0x2: {  	s1 =	rddreg [dreg:$0x2]  }
0x3: {  	s3 =	rddreg [dreg:$0x3]  }
0x4: {  	s4 =	rddreg [dreg:$0x4]  }
0x5: {  	s2 =	srdreg.scid;
	s19 =	stileid.u32;
	s5 =	simm.s32 $0x0  }
0x6: {  	s17 =	simm.s32 $0x9E00;
	s18 =	simm.s32 $0x5;
	s20 =	simm.s32 $0xEE00  }
0x7: {  	s24 =	simm.s32 $0x13D00;
	s29 =	simm.s32 $0x19C20;
	s30 =	simm.s32 $0x1  }
0x8: {  	s31 =	simm.s32 $0x1AC20;
	s21 =	simm.s32 $0x0;
	s2 =	sand.u32 $0x1, s2  }
0x9: {  	s6 =	sshll.u32 s19, $0x1;
	s13 =	smul.u32 $0x4F00, s19;
	[smem:$0x7FF] =	sst s5  }
0xa: {  	s14 =	smul.u32 $0x9E0, s19;
	s28 =	sshll.u32 s19, $0x6;
	s19 =	simm.s32 $0x4  }
0xb: {  	s6 =	sor.u32 s2, s6;
	s7 =	ssub.s32 $0x2, s2;
	_ =	strace $0x8000004D  }
0xc: {  	s15 =	smul.u32 $0x9E00, s2;
	s22 =	sor.u32 $0x1C05, s28;
	p0 =	sne.s32 s2, $0x0  }
0xd: {  	s2 =	simm.s32 $0x3;
	s6 =	smul.u32 $0x500, s6;
	s8 =	sshrl.u32 s13, $0x3  }
0xe: {  	s9 =	sshrl.u32 s7, $0x1;
	s26 =	sadd.s32 s13, s3;
	s13 =	sadd.s32 s13, s4  }
0xf: {  	s16 =	ssub.s32 s7, s9;
	s15 =	sadd.s32 s14, s15;
	s23 =	sshrl.u32 s26, $0x3  }
0x10: {  	s26 =	simm.s32 $0x18C20;
	s6 =	sadd.s32 s6, s0;
	s0 =	sadd.s32 s8, s0  }
0x11: {  	s15 =	sadd.s32 s1, s15;
	s16 =	smax.u32 s16, $0x1;
	s1 =	simm.s32 $0x2  }
0x12: {  	s25 =	sadd.s32 $0xBA00, s6;
	s6 =	sadd.s32 $0x1A00, s6;
	s8 =	sadd.s32 $0x29600, s0  }
0x13: {  	s9 =	sadd.s32 $0x1F800, s0;
	s10 =	sadd.s32 $0x33400, s0;
	s11 =	sadd.s32 $0x15A00, s0  }
0x14: {  	s12 =	sadd.s32 $0x3D200, s0;
	s14 =	sadd.s32 $0x47000, s0;
	[dreg:$0x6] =	wrdreg s25  }
0x15: {  	s0 =	simm.s32 $0x1BC20;
	[dreg:$0x7] =	wrdreg s6;
	s25 =	simm.s32 $0x80  }
.LBB2_1:
0x16: {  	s6 =	rddreg [dreg:$0x6]  }
0x17: {  	[tilespmem:s17], [sflag:$0x5] =	stream.linear.gather [hbm4b:s6+s5], $0x2800, $0x38;
	[tilespmem:$0x1CC20] =	vst v63  }
0x18: {  	_ =	swait.ge [sflag:s18], $0x2800  }
0x19: {  	[sflag:s18] =	ssyncset.done $0x0  }
0x1a: {  	s7 =	simm.s32 $0xC600;
	s6 =	rddreg [dreg:$0x7];
	[sflag:s18] =	ssyncadd.s32 $0xFFFFD800  }
0x1b: {  	[tilespmem:s7], [sflag:$0x5] =	stream.linear.gather [hbm4b:s6+s5], $0x2800, $0x38;
	[tilespmem:$0x1CC20] =	vst v63  }
0x1c: {  	_ =	swait.ge [sflag:s18], $0x2800  }
0x1d: {  	[sflag:s18] =	ssyncset.done $0x0  }
0x1e: {  	[sflag:s18] =	ssyncadd.s32 $0xFFFFD800  }
0x1f: {  	[tilespmem:s20], [sflag:$0x5] =	stream.linear.gather [hbm4b:s8+s5], $0x4F00, $0x38;
	[tilespmem:$0x1CC20] =	vst v63  }
0x20: {  	_ =	swait.ge [sflag:s18], $0x4F00  }
0x21: {  	[sflag:s18] =	ssyncset.done $0x0  }
0x22: {  	[sflag:s18] =	ssyncadd.s32 $0xFFFFB100  }
0x23: {  	s7 =	simm.s32 $0x18C00;
	s6 =	rddreg [dreg:$0x1]  }
0x24: {  	[tilespmem:s7], [sflag:$0x5] =	stream.linear.gather [hbm4b:s6+s5], $0x20, $0x38;
	[tilespmem:$0x1CC20] =	vst v63  }
0x25: {  	_ =	swait.ge [sflag:s18], $0x20  }
0x26: {  	[sflag:s18] =	ssyncset.done $0x0  }
0x27: {  	[sflag:s18] =	ssyncadd.s32 $0xFFFFFFE0  }
0x28: {  	[spmem:s23], [sflag:s22] =	dma.local [hbm:s9], $0x9E0  }
0x29: {  	_ =	swait.ge [sflag:s18], $0x9E0  }
0x2a: {  	[sflag:s18] =	ssyncset.done $0x0  }
0x2b: {  	[sflag:s18] =	ssyncadd.s32 $0xFFFFF620  }
0x2c: {  	v0 =	vld [tilespmem:$0x18C00]  }
0x2d: {  	v1 =	vld [tilespmem:$0x18C10];
	[tilespmem:s24], [sflag:$0x5] =	stream.linear.gather [hbm4b:s10+s5], $0x4F00, $0x38  }
0x2e: {  	_ =	swait.ge [sflag:s18], $0x4F00  }
0x2f: {  	[sflag:s18] =	ssyncset.done $0x0  }
0x30: {  	s6 =	simm.s32 $0x0;
	[sflag:s18] =	ssyncadd.s32 $0xFFFFB100  }
0x31: {  	v2 =	vld [tilespmem:s6+$0x13D00]  }
0x32: {  	v3 =	vld [tilespmem:s6+$0x13D10]  }
0x33: {  	s28 =	simm.s32 $0x80;
	v4 =	vld [tilespmem:s6+$0xEE00]  }
.LBB2_2:
0x34: {  	p1 =	sne.s32 s28, $0x13B80;
	v5 =	vld [tilespmem:s6+$0xEE10];
	_ =	sdelay $0x2  }
.Ltmp0:
0x35: {  	(pc) =	sbr.rel @p1 .LBB2_2-.Ltmp0, $4  }
0x36: {  	s7 =	sshra.s32 s28, $0x2;
	v4 =	vadd.f32 v2, v4  }
0x37: {  	v2 =	vld [tilespmem:s7+$0x13D00];
	v5 =	vadd.f32 v3, v5  }
0x38: {  	v3 =	vld [tilespmem:s7+$0x13D10];
	[tilespmem:s6+$0xEE00] =	vst v4  }
0x39: {  	s28 =	sadd.s32 $0x80, s28;
	v4 =	vld [tilespmem:s7+$0xEE00];
	[tilespmem:s6+$0xEE10] =	vst v5;
	s6 =	smov.u32 s7  }
0x3a: {  	v5 =	vld [tilespmem:s6+$0xEE10];
	_ =	sdelay $0x3  }
0x3b: {  	v2 =	vadd.f32 v2, v4  }
0x3c: {  	v3 =	vadd.f32 v3, v5  }
0x3d: {  	[tilespmem:s6+$0xEE00] =	vst v2  }
0x3e: {  	s7 =	simm.s32 $0x0;
	[tilespmem:s6+$0xEE10] =	vst v3  }
0x3f: {  	[tilespmem:s24], [sflag:$0x5] =	stream.linear.gather [hbm4b:s11+s7], $0x4F00, $0x38;
	[tilespmem:$0x1CC20] =	vst v63  }
0x40: {  	_ =	swait.ge [sflag:s18], $0x4F00  }
0x41: {  	[sflag:s18] =	ssyncset.done $0x0  }
0x42: {  	s6 =	simm.s32 $0x0;
	[sflag:s18] =	ssyncadd.s32 $0xFFFFB100  }
0x43: {  	v2 =	vld [tilespmem:s6+$0x13D00]  }
0x44: {  	v3 =	vld [tilespmem:s6+$0x13D10]  }
0x45: {  	s28 =	simm.s32 $0x80;
	v4 =	vld [tilespmem:s6+$0xEE00]  }
.LBB2_4:
0x46: {  	p1 =	sne.s32 s28, $0x13B80;
	v5 =	vld [tilespmem:s6+$0xEE10];
	_ =	sdelay $0x2  }
.Ltmp1:
0x47: {  	(pc) =	sbr.rel @p1 .LBB2_4-.Ltmp1, $4  }
0x48: {  	s7 =	sshra.s32 s28, $0x2;
	v4 =	vadd.f32 v2, v4  }
0x49: {  	v2 =	vld [tilespmem:s7+$0x13D00];
	v5 =	vadd.f32 v3, v5  }
0x4a: {  	v3 =	vld [tilespmem:s7+$0x13D10];
	[tilespmem:s6+$0xEE00] =	vst v4  }
0x4b: {  	s28 =	sadd.s32 $0x80, s28;
	v4 =	vld [tilespmem:s7+$0xEE00];
	[tilespmem:s6+$0xEE10] =	vst v5;
	s6 =	smov.u32 s7  }
0x4c: {  	v5 =	vld [tilespmem:s6+$0xEE10];
	_ =	sdelay $0x3  }
0x4d: {  	v2 =	vadd.f32 v2, v4  }
0x4e: {  	v3 =	vadd.f32 v3, v5  }
0x4f: {  	[tilespmem:s6+$0xEE00] =	vst v2  }
0x50: {  	s7 =	simm.s32 $0x0;
	[tilespmem:s6+$0xEE10] =	vst v3  }
0x51: {  	[tilespmem:s24], [sflag:$0x5] =	stream.linear.gather [hbm4b:s12+s7], $0x4F00, $0x38;
	[tilespmem:$0x1CC20] =	vst v63  }
0x52: {  	_ =	swait.ge [sflag:s18], $0x4F00  }
0x53: {  	[sflag:s18] =	ssyncset.done $0x0  }
0x54: {  	s28 =	simm.s32 $0x0;
	[sflag:s18] =	ssyncadd.s32 $0xFFFFB100  }
0x55: {  	v3 =	vld [tilespmem:s28+$0x13D00]  }
0x56: {  	v2 =	vld [tilespmem:s28+$0x13D10]  }
0x57: {  	s6 =	simm.s32 $0x80;
	v4 =	vld [tilespmem:s28+$0xEE00]  }
.LBB2_6:
0x58: {  	p1 =	sne.s32 s6, $0x13B80;
	v5 =	vld [tilespmem:s28+$0xEE10];
	_ =	sdelay $0x3  }
0x59: {  	v4 =	vmul.f32 v3, v4  }
0x5a: {  	v5 =	vmul.f32 v2, v5  }
0x5b: {  	v4 =	vadd.f32 v4, v0  }
0x5c: {  	v5 =	vadd.f32 v5, v1  }
.Ltmp2:
0x5d: {  	v4 =	vmax.f32 v4, $0.0e+00;
	(pc) =	sbr.rel @p1 .LBB2_6-.Ltmp2, $4  }
0x5e: {  	s7 =	sshra.s32 s6, $0x2;
	v4 =	vmul.f32 v4, v3;
	v5 =	vmax.f32 v5, $0.0e+00  }
0x5f: {  	v3 =	vld [tilespmem:s7+$0x13D00];
	v5 =	vmul.f32 v5, v2  }
0x60: {  	v2 =	vld [tilespmem:s7+$0x13D10];
	[tilespmem:s28+$0xEE00] =	vst v4  }
0x61: {  	s6 =	sadd.s32 $0x80, s6;
	v4 =	vld [tilespmem:s7+$0xEE00];
	[tilespmem:s28+$0xEE10] =	vst v5;
	s28 =	smov.u32 s7  }
0x62: {  	v5 =	vld [tilespmem:s28+$0xEE10];
	_ =	sdelay $0x3  }
0x63: {  	v4 =	vmul.f32 v3, v4  }
0x64: {  	v5 =	vmul.f32 v2, v5  }
0x65: {  	v0 =	vadd.f32 v4, v0  }
0x66: {  	v1 =	vadd.f32 v5, v1  }
0x67: {  	v0 =	vmax.f32 v0, $0.0e+00  }
0x68: {  	v0 =	vmul.f32 v0, v3;
	v1 =	vmax.f32 v1, $0.0e+00  }
0x69: {  	v1 =	vmul.f32 v1, v2  }
0x6a: {  	[tilespmem:s28+$0xEE00] =	vst v0  }
0x6b: {  	[tilespmem:s28+$0xEE10] =	vst v1  }
0x6c: {  	[spmem:s13] =	stream.linear.scatter [tilespmem:s20], [sflag:$0x5], $0x4F00, $0x38;
	[tilespmem:$0x1CC20] =	vst v63  }
0x6d: {  	_ =	swait.ge [sflag:s18], $0x4F00  }
0x6e: {  	[sflag:s18] =	ssyncset.done $0x0  }
0x6f: {  	s6 =	simm.s32 @!p0 $0x0;
	s7 =	simm.s32 @!p0 $0xEE00;
	[sflag:s18] =	ssyncadd.s32 $0xFFFFB100  }
0x70: {  	[hbm4b:s14+s6] =	stream.linear.scatter @!p0 [tilespmem:s7], [sflag:$0x5], $0x4F00, $0x38;
	[tilespmem:$0x1CC20] =	vst v63  }
0x71: {  	s6 =	simm.s32 @!p0 $0x5  }
0x72: {  	_ =	swait.ge @!p0 [sflag:s6], $0x4F00  }
0x73: {  	[sflag:s6] =	ssyncset.done @!p0 $0x0  }
0x74: {  	[sflag:s6] =	ssyncadd.s32 @!p0 $0xFFFFB100  }
0x75: {  	[bflag:$0x0] =	sbarrier.arrive $0xFFFF  }
0x76: {  	[tilespmem:s26], [sflag:$0x1] =	stream.indirect.gather [spmem:s4], $0x20, s17, s25, $0xb8;
	[tilespmem:$0x1CC20] =	vst v63  }
0x77: {  	s7 =	simm.s32 $0x9E80  }
0x78: {  	[tilespmem:s29], [sflag:$0x1] =	stream.indirect.gather [spmem:s4], $0x20, s7, s25, $0xb8;
	[tilespmem:$0x1CC20] =	vst v63  }
0x79: {  	_ =	swait.ge [sflag:s30], $0x1000  }
0x7a: {  	[sflag:s30] =	ssyncset.done $0x0  }
0x7b: {  	[sflag:s30] =	ssyncadd.s32 $0xFFFFF000  }
0x7c: {  	_ =	swait.ge [sflag:s30], $0x1000  }
0x7d: {  	[sflag:s30] =	ssyncset.done $0x0  }
0x7e: {  	s7 =	simm.s32 $0x9F00;
	[sflag:s30] =	ssyncadd.s32 $0xFFFFF000  }
0x7f: {  	[tilespmem:s31], [sflag:$0x2] =	stream.indirect.gather [spmem:s4], $0x20, s7, s25, $0xb8;
	[tilespmem:$0x1CC20] =	vst v63  }
0x80: {  	s7 =	simm.s32 $0x9F80  }
0x81: {  	[tilespmem:s0], [sflag:$0x2] =	stream.indirect.gather [spmem:s4], $0x20, s7, s25, $0xb8;
	[tilespmem:$0x1CC20] =	vst v63  }
0x82: {  	s7 =	simm.s32 $0xC600  }
0x83: {  	[spmem:s3] =	stream.indirect.scatter.add.f32 [tilespmem:s26], [sflag:$0x3], $0x20, s7, s25, $0xb8;
	[tilespmem:$0x1CC20] =	vst v63  }
0x84: {  	s7 =	simm.s32 $0xC680  }
0x85: {  	[spmem:s3] =	stream.indirect.scatter.add.f32 [tilespmem:s29], [sflag:$0x3], $0x20, s7, s25, $0xb8;
	[tilespmem:$0x1CC20] =	vst v63  }
0x86: {  	_ =	swait.ge [sflag:s2], $0x1000  }
0x87: {  	[sflag:s2] =	ssyncset.done $0x0  }
0x88: {  	[sflag:s2] =	ssyncadd.s32 $0xFFFFF000  }
0x89: {  	_ =	swait.ge [sflag:s2], $0x1000  }
0x8a: {  	[sflag:s2] =	ssyncset.done $0x0  }
0x8b: {  	[sflag:s2] =	ssyncadd.s32 $0xFFFFF000  }
0x8c: {  	_ =	swait.ge [sflag:s1], $0x1000  }
0x8d: {  	[sflag:s1] =	ssyncset.done $0x0  }
0x8e: {  	[sflag:s1] =	ssyncadd.s32 $0xFFFFF000  }
0x8f: {  	_ =	swait.ge [sflag:s1], $0x1000  }
0x90: {  	[sflag:s1] =	ssyncset.done $0x0  }
0x91: {  	s7 =	simm.s32 $0xA000;
	[sflag:s1] =	ssyncadd.s32 $0xFFFFF000  }
0x92: {  	[tilespmem:s26], [sflag:$0x1] =	stream.indirect.gather [spmem:s4], $0x20, s7, s25, $0xb8;
	[tilespmem:$0x1CC20] =	vst v63  }
0x93: {  	s7 =	simm.s32 $0xA080  }
0x94: {  	[tilespmem:s29], [sflag:$0x1] =	stream.indirect.gather [spmem:s4], $0x20, s7, s25, $0xb8;
	[tilespmem:$0x1CC20] =	vst v63  }
0x95: {  	s7 =	simm.s32 $0xC700  }
0x96: {  	[spmem:s3] =	stream.indirect.scatter.add.f32 [tilespmem:s31], [sflag:$0x4], $0x20, s7, s25, $0xb8;
	[tilespmem:$0x1CC20] =	vst v63  }
0x97: {  	s7 =	simm.s32 $0xC780  }
0x98: {  	[spmem:s3] =	stream.indirect.scatter.add.f32 [tilespmem:s0], [sflag:$0x4], $0x20, s7, s25, $0xb8;
	[tilespmem:$0x1CC20] =	vst v63  }
0x99: {  	_ =	swait.ge [sflag:s19], $0x1000  }
0x9a: {  	[sflag:s19] =	ssyncset.done $0x0  }
0x9b: {  	[sflag:s19] =	ssyncadd.s32 $0xFFFFF000  }
0x9c: {  	_ =	swait.ge [sflag:s19], $0x1000  }
0x9d: {  	s28 =	simm.s32 $0x800;
	[sflag:s19] =	ssyncset.done $0x0  }
.LBB2_8:
0x9e: {  	p1 =	sne.s32 s28, $0x9000  }
0x9f: {  	[sflag:s19] =	ssyncadd.s32 $0xFFFFF000;
	s6 =	smov.u32 s28;
	s28 =	sadd.s32 $0x800, s28  }
0xa0: {  	_ =	swait.ge [sflag:s30], $0x1000  }
0xa1: {  	[sflag:s30] =	ssyncset.done $0x0  }
0xa2: {  	[sflag:s30] =	ssyncadd.s32 $0xFFFFF000  }
0xa3: {  	_ =	swait.ge [sflag:s30], $0x1000  }
0xa4: {  	s6 =	sshra.s32 s6, $0x2;
	[sflag:s30] =	ssyncset.done $0x0  }
0xa5: {  	s7 =	sadd.s32 $0x9F00, s6;
	[sflag:s30] =	ssyncadd.s32 $0xFFFFF000  }
0xa6: {  	[tilespmem:s31], [sflag:$0x2] =	stream.indirect.gather [spmem:s4], $0x20, s7, s25, $0xb8;
	[tilespmem:$0x1CC20] =	vst v63  }
0xa7: {  	s7 =	sadd.s32 $0x9F80, s6  }
0xa8: {  	[tilespmem:s0], [sflag:$0x2] =	stream.indirect.gather [spmem:s4], $0x20, s7, s25, $0xb8;
	[tilespmem:$0x1CC20] =	vst v63  }
0xa9: {  	s7 =	sadd.s32 $0xC600, s6  }
0xaa: {  	[spmem:s3] =	stream.indirect.scatter.add.f32 [tilespmem:s26], [sflag:$0x3], $0x20, s7, s25, $0xb8;
	[tilespmem:$0x1CC20] =	vst v63  }
0xab: {  	s7 =	sadd.s32 $0xC680, s6  }
0xac: {  	[spmem:s3] =	stream.indirect.scatter.add.f32 [tilespmem:s29], [sflag:$0x3], $0x20, s7, s25, $0xb8;
	[tilespmem:$0x1CC20] =	vst v63  }
0xad: {  	_ =	swait.ge [sflag:s2], $0x1000  }
0xae: {  	[sflag:s2] =	ssyncset.done $0x0  }
0xaf: {  	[sflag:s2] =	ssyncadd.s32 $0xFFFFF000  }
0xb0: {  	_ =	swait.ge [sflag:s2], $0x1000  }
0xb1: {  	[sflag:s2] =	ssyncset.done $0x0  }
0xb2: {  	[sflag:s2] =	ssyncadd.s32 $0xFFFFF000  }
0xb3: {  	_ =	swait.ge [sflag:s1], $0x1000  }
0xb4: {  	[sflag:s1] =	ssyncset.done $0x0  }
0xb5: {  	[sflag:s1] =	ssyncadd.s32 $0xFFFFF000  }
0xb6: {  	_ =	swait.ge [sflag:s1], $0x1000  }
0xb7: {  	[sflag:s1] =	ssyncset.done $0x0  }
0xb8: {  	s7 =	sadd.s32 $0xA000, s6;
	[sflag:s1] =	ssyncadd.s32 $0xFFFFF000  }
0xb9: {  	[tilespmem:s26], [sflag:$0x1] =	stream.indirect.gather [spmem:s4], $0x20, s7, s25, $0xb8;
	[tilespmem:$0x1CC20] =	vst v63  }
0xba: {  	s7 =	sadd.s32 $0xA080, s6  }
0xbb: {  	[tilespmem:s29], [sflag:$0x1] =	stream.indirect.gather [spmem:s4], $0x20, s7, s25, $0xb8;
	[tilespmem:$0x1CC20] =	vst v63  }
0xbc: {  	s7 =	sadd.s32 $0xC700, s6  }
0xbd: {  	[spmem:s3] =	stream.indirect.scatter.add.f32 [tilespmem:s31], [sflag:$0x4], $0x20, s7, s25, $0xb8;
	[tilespmem:$0x1CC20] =	vst v63  }
0xbe: {  	s6 =	sadd.s32 $0xC780, s6  }
0xbf: {  	[spmem:s3] =	stream.indirect.scatter.add.f32 [tilespmem:s0], [sflag:$0x4], $0x20, s6, s25, $0xb8;
	[tilespmem:$0x1CC20] =	vst v63  }
.Ltmp3:
0xc0: {  	_ =	swait.ge [sflag:s19], $0x1000;
	(pc) =	sbr.rel @p1 .LBB2_8-.Ltmp3, $4  }
0xc1: {  	[sflag:s19] =	ssyncset.done $0x0  }
0xc2: {  	[sflag:s19] =	ssyncadd.s32 $0xFFFFF000  }
0xc3: {  	_ =	swait.ge [sflag:s19], $0x1000  }
0xc4: {  	[sflag:s19] =	ssyncset.done $0x0  }
0xc5: {  	[sflag:s19] =	ssyncadd.s32 $0xFFFFF000  }
0xc6: {  	_ =	swait.ge [sflag:s30], $0x1000  }
0xc7: {  	[sflag:s30] =	ssyncset.done $0x0  }
0xc8: {  	[sflag:s30] =	ssyncadd.s32 $0xFFFFF000  }
0xc9: {  	_ =	swait.ge [sflag:s30], $0x1000  }
0xca: {  	[sflag:s30] =	ssyncset.done $0x0  }
0xcb: {  	s6 =	simm.s32 $0xC500;
	[sflag:s30] =	ssyncadd.s32 $0xFFFFF000  }
0xcc: {  	[tilespmem:s31], [sflag:$0x2] =	stream.indirect.gather [spmem:s4], $0x20, s6, s25, $0xb8;
	[tilespmem:$0x1CC20] =	vst v63  }
0xcd: {  	s28 =	simm.s32 $0xC580  }
0xce: {  	[tilespmem:s0], [sflag:$0x2] =	stream.indirect.gather [spmem:s4], $0x20, s28, s25, $0xb8;
	[tilespmem:$0x1CC20] =	vst v63  }
0xcf: {  	s7 =	simm.s32 $0xEC00  }
0xd0: {  	[spmem:s3] =	stream.indirect.scatter.add.f32 [tilespmem:s26], [sflag:$0x3], $0x20, s7, s25, $0xb8;
	[tilespmem:$0x1CC20] =	vst v63  }
0xd1: {  	s28 =	simm.s32 $0xEC80  }
0xd2: {  	[spmem:s3] =	stream.indirect.scatter.add.f32 [tilespmem:s29], [sflag:$0x3], $0x20, s28, s25, $0xb8;
	[tilespmem:$0x1CC20] =	vst v63  }
0xd3: {  	_ =	swait.ge [sflag:s2], $0x1000  }
0xd4: {  	[sflag:s2] =	ssyncset.done $0x0  }
0xd5: {  	[sflag:s2] =	ssyncadd.s32 $0xFFFFF000  }
0xd6: {  	_ =	swait.ge [sflag:s2], $0x1000  }
0xd7: {  	[sflag:s2] =	ssyncset.done $0x0  }
0xd8: {  	[sflag:s2] =	ssyncadd.s32 $0xFFFFF000  }
0xd9: {  	_ =	swait.ge [sflag:s1], $0x1000  }
0xda: {  	[sflag:s1] =	ssyncset.done $0x0  }
0xdb: {  	[sflag:s1] =	ssyncadd.s32 $0xFFFFF000  }
0xdc: {  	_ =	swait.ge [sflag:s1], $0x1000  }
0xdd: {  	[sflag:s1] =	ssyncset.done $0x0  }
0xde: {  	s7 =	simm.s32 $0xED00;
	[sflag:s1] =	ssyncadd.s32 $0xFFFFF000  }
0xdf: {  	[spmem:s3] =	stream.indirect.scatter.add.f32 [tilespmem:s31], [sflag:$0x4], $0x20, s7, s25, $0xb8;
	[tilespmem:$0x1CC20] =	vst v63  }
0xe0: {  	s28 =	simm.s32 $0xED80  }
0xe1: {  	[spmem:s3] =	stream.indirect.scatter.add.f32 [tilespmem:s0], [sflag:$0x4], $0x20, s28, s25, $0xb8;
	[tilespmem:$0x1CC20] =	vst v63  }
0xe2: {  	_ =	swait.ge [sflag:s19], $0x1000  }
0xe3: {  	[sflag:s19] =	ssyncset.done $0x0  }
0xe4: {  	[sflag:s19] =	ssyncadd.s32 $0xFFFFF000  }
0xe5: {  	_ =	swait.ge [sflag:s19], $0x1000  }
0xe6: {  	s21 =	sadd.s32 $0x1, s21;
	[sflag:s19] =	ssyncset.done $0x0  }
0xe7: {  	p1 =	sne.s32 s21, s16;
	[sflag:s19] =	ssyncadd.s32 $0xFFFFF000  }
.Ltmp4:
0xe8: {  	[bflag:$0x0] =	sbarrier.arrive $0xFFFF;
	(pc) =	sbr.rel @p1 .LBB2_1-.Ltmp4, $4  }
0xe9: {  	[hbm:s15], [sflag:s22] =	dma.local [spmem:s23], $0x9E0  }
0xea: {  	_ =	swait.ge [sflag:s18], $0x9E0  }
0xeb: {  	[sflag:s18] =	ssyncset.done $0x0  }
0xec: {  	[sflag:s18] =	ssyncadd.s32 $0xFFFFF620  }
0xed: {  	_ =	sfence.sel $0x180000  }
0xee: {  	[bflag:$0x0] =	sbarrier.arrive $0xFFFF  }
0xef: {  	_ =	strace $0x9000004D  }
0xf0: {  	s0 =	stileid.u32;
	[bflag:$0x2] =	sbarrier.arrive $0xFFFF  }
0xf1: {  	p0 =	sne.s32 s0, $0x0;
	s0 =	rddreg [dreg:$0x5]  }
0xf2: {  	s0 =	sadd.s32 @!p0 $0x100000, s0  }
0xf3: {  	[sflag:s0] =	ssyncadd.tile.s32 @!p0 $0x1;
	_ =	shalt  }
.Lfunc_end2:
_tile_overlayer_lowered:
.L_overlay_start_2:
0xf4: {  	(tag) =	ssettag $0x2  }
0xf5: {  	s0 =	rddreg [dreg:$0x0];
	s2 =	stileid.u32  }
0xf6: {  	s1 =	rddreg [dreg:$0x1];
	p0 =	sne.s32 s2, $0x0  }
0xf7: {  	s3 =	rddreg [dreg:$0x2];
	[bflag:$0x3] =	sbarrier.arrive $0xFFFF;
	s2 =	simm.s32 @!p0 $0x1C05  }
0xf8: {  	[timem:s3], [sflag:s2] =	dma.local @!p0 [hbm:s0], s1  }
0xf9: {  	s0 =	simm.s32 @!p0 $0x5  }
0xfa: {  	_ =	swait.ge @!p0 [sflag:s0], s1  }
0xfb: {  	s1 =	ssub.s32 @!p0 $0x0, s1;
	[sflag:s0] =	ssyncset.done @!p0 $0x0  }
0xfc: {  	[sflag:s0] =	ssyncadd.s32 @!p0 s1  }
0xfd: {  	[bflag:$0x3] =	sbarrier.arrive $0xFFFF  }
0xfe: {  	_ =	shalt  }

// kernel: kernel.7.cloned.1.call-start
scs
__scs_entry_jumppad:
0x0: {  	(pc) =	sbr.rel $0x88, $3  }
0x1: {  	(tag) =	ssettag $0x0;
	lr =	simm.s32 $0x1  }
0x2: {  	[smem:$0x3F9B] =	sst lr;
	_ =	strace $0xD0000000  }
0x3: {  	_ = 	snop  }
0x4: {  	_ = 	snop  }
0x5: {  	_ = 	snop  }
0x6: {  	_ = 	snop  }
0x7: {  	_ = 	snop  }
__scs_overlays_trampoline_lowered:
0x8: {  	[smem:$0x3FAA] =	sst s0  }
0x9: {  	[smem:$0x3FAB] =	sst s1  }
0xa: {  	[smem:$0x3FAC] =	sst s2  }
0xb: {  	[smem:$0x3FAD] =	sst s3  }
0xc: {  	[smem:$0x3FAE] =	sst s4  }
0xd: {  	[smem:$0x3FAF] =	sst s5  }
0xe: {  	[smem:$0x3FB0] =	sst s6  }
0xf: {  	[smem:$0x3FB1] =	sst s7  }
0x10: {  	[smem:$0x3FB2] =	sst s8  }
0x11: {  	[smem:$0x3FB3] =	sst s9;
	s0 =	simm.s32 @!p0 $0x0  }
0x12: {  	s1 =	sld [smem:$0x3F99];
	s0 =	simm.s32 @p0 $0x1  }
0x13: {  	[smem:$0x3FB4] =	sst s0;
	s0 =	simm.s32 @!p1 $0x0  }
0x14: {  	s2 =	sld [smem:$0x3F98];
	s0 =	simm.s32 @p1 $0x1  }
0x15: {  	[smem:$0x3FB5] =	sst s0;
	s0 =	simm.s32 @!p2 $0x0  }
0x16: {  	s3 =	sld [smem:$0x3FDB];
	s0 =	simm.s32 @p2 $0x1  }
0x17: {  	s4 =	simm.s32 $0x1BF5;
	[smem:$0x3FB7] =	sst s0  }
0x18: {  	s0 =	sld [smem:$0x3F9A];
	_ =	swait.ge [sflag:s4], $0x0  }
0x19: {  	s7 =	sld [smem:$0x3F9B]  }
0x1a: {  	s8 =	sadd.s32 $0xFFFFE003, lr  }
0x1b: {  	s9 =	sadd.s32 $0xFFFFFEF7, lr;
	s5 =	simm.s32 $0xFFFFFFFF;
	p2 =	slt.u32 s8, $0xFFFFF086  }
0x1c: {  	p1 =	slt.u32 s9, $0xF7A;
	s5 =	simm.s32 @!p2 $0x0  }
0x1d: {  	s5 =	simm.s32 @p1 $0x1;
	p0 =	seq.s32 s7, s2  }
0x1e: {  	s7 =	smul.u32 @!p0 $0xF7A, s2;
	p2 =	seq.s32 @!p0 s5, $0x0  }
0x1f: {  	s9 =	smul.u32 $0xF7A, s1;
	s8 =	simm.s32 @!p0 $0x1BF5;
	p2 =	por !p2, p0  }
0x20: {  	[sflag:s8] =	ssyncset.s32 @!p0 $0xFFFFF086;
	s6 =	sadd.s32 @!p0 s3, s7;
	s7 =	simm.s32 @!p0 $0x108  }
0x21: {  	s3 =	sadd.s32 s3, s9;
	s6 =	sadd.s32 @!p0 $0x88, s6;
	s7 =	simm.s32 @p2 $0x1082  }
0x22: {  	[simem:s7], [sflag:s8] =	dma.local @!p0 [hbm:s6], $0xF7A  }
0x23: {  	s9 =	sor.u32 $0xD0000000, s2;
	s6 =	simm.s32 $0x108;
	_ =	swait.ge @!p0 [sflag:s8], $0x0  }
0x24: {  	s3 =	sadd.s32 $0x88, s3;
	s6 =	simm.s32 @!p1 $0x1082;
	[sflag:s4] =	ssyncset.s32 $0xFFFFF086  }
0x25: {  	[simem:s6], [sflag:s4] =	dma.local [hbm:s3], $0xF7A  }
0x26: {  	[smem:$0x3F9B] =	sst s1;
	(tag) =	ssettag s2;
	_ =	strace s9  }
0x27: {  	s1 =	sld [smem:$0x3FAB]  }
0x28: {  	s2 =	sld [smem:$0x3FAC]  }
0x29: {  	s4 =	sld [smem:$0x3FAE]  }
0x2a: {  	p0 =	seq.s32 s5, $0x0;
	s5 =	sld [smem:$0x3FAF]  }
0x2b: {  	s6 =	sld [smem:$0x3FB0]  }
0x2c: {  	s7 =	sld [smem:$0x3FB1]  }
0x2d: {  	s3 =	simm.s32 $0x108;
	s8 =	sld [smem:$0x3FB2]  }
0x2e: {  	s3 =	simm.s32 @!p0 $0x1082;
	s9 =	sld [smem:$0x3FB3]  }
0x2f: {  	lr =	sadd.s32 s0, s3;
	s0 =	sld [smem:$0x3FAA]  }
0x30: {  	s3 =	sld [smem:$0x3FAD]  }
0x31: {  	[smem:$0x3FB6] =	sst s10  }
0x32: {  	s10 =	sld [smem:$0x3FB4];
	_ =	sdelay $0x3  }
0x33: {  	p0 =	seq.s32 s10, $0x1;
	s10 =	sld [smem:$0x3FB6];
	_ =	sdelay $0x3  }
0x34: {  	[smem:$0x3FB6] =	sst s10  }
0x35: {  	s10 =	sld [smem:$0x3FB5];
	_ =	sdelay $0x3  }
0x36: {  	p1 =	seq.s32 s10, $0x1;
	s10 =	sld [smem:$0x3FB6];
	_ =	sdelay $0x3  }
0x37: {  	[smem:$0x3FB6] =	sst s10  }
0x38: {  	s10 =	sld [smem:$0x3FB7]  }
0x39: {  	_ = 	snop;
	(pc) =	sbr.ind lr, $3  }
0x3a: {  	_ = 	snop  }
0x3b: {  	_ = 	snop  }
0x3c: {  	p2 =	seq.s32 s10, $0x1;
	s10 =	sld [smem:$0x3FB6]  }
0x3d: {  	_ =	shalt  }
0x3e: {  	_ =	shalt  }
0x3f: {  	_ =	shalt  }
0x40: {  	_ =	shalt  }
0x41: {  	_ =	shalt  }
0x42: {  	_ =	shalt  }
0x43: {  	_ =	shalt  }
0x44: {  	_ =	shalt  }
0x45: {  	_ =	shalt  }
0x46: {  	_ =	shalt  }
0x47: {  	_ =	shalt  }
0x48: {  	_ =	shalt  }
0x49: {  	_ =	shalt  }
0x4a: {  	_ =	shalt  }
0x4b: {  	_ =	shalt  }
0x4c: {  	_ =	shalt  }
0x4d: {  	_ =	shalt  }
0x4e: {  	_ =	shalt  }
0x4f: {  	_ =	shalt  }
0x50: {  	_ =	shalt  }
0x51: {  	_ =	shalt  }
0x52: {  	_ =	shalt  }
0x53: {  	_ =	shalt  }
0x54: {  	_ =	shalt  }
0x55: {  	_ =	shalt  }
0x56: {  	_ =	shalt  }
0x57: {  	_ =	shalt  }
0x58: {  	_ =	shalt  }
0x59: {  	_ =	shalt  }
0x5a: {  	_ =	shalt  }
0x5b: {  	_ =	shalt  }
0x5c: {  	_ =	shalt  }
0x5d: {  	_ =	shalt  }
0x5e: {  	_ =	shalt  }
0x5f: {  	_ =	shalt  }
0x60: {  	_ =	shalt  }
0x61: {  	_ =	shalt  }
0x62: {  	_ =	shalt  }
0x63: {  	_ =	shalt  }
0x64: {  	_ =	shalt  }
0x65: {  	_ =	shalt  }
0x66: {  	_ =	shalt  }
0x67: {  	_ =	shalt  }
0x68: {  	_ =	shalt  }
0x69: {  	_ =	shalt  }
0x6a: {  	_ =	shalt  }
0x6b: {  	_ =	shalt  }
0x6c: {  	_ =	shalt  }
0x6d: {  	_ =	shalt  }
0x6e: {  	_ =	shalt  }
0x6f: {  	_ =	shalt  }
0x70: {  	_ =	shalt  }
0x71: {  	_ =	shalt  }
0x72: {  	_ =	shalt  }
0x73: {  	_ =	shalt  }
0x74: {  	_ =	shalt  }
0x75: {  	_ =	shalt  }
0x76: {  	_ =	shalt  }
0x77: {  	_ =	shalt  }
0x78: {  	_ =	shalt  }
0x79: {  	_ =	shalt  }
0x7a: {  	_ =	shalt  }
0x7b: {  	_ =	shalt  }
0x7c: {  	_ =	shalt  }
0x7d: {  	_ =	shalt  }
0x7e: {  	_ =	shalt  }
0x7f: {  	_ =	shalt  }
0x80: {  	_ =	shalt  }
0x81: {  	_ =	shalt  }
0x82: {  	_ =	shalt  }
0x83: {  	_ =	shalt  }
0x84: {  	_ =	shalt  }
0x85: {  	_ =	shalt  }
0x86: {  	_ =	shalt  }
0x87: {  	_ =	shalt  }
.Lfunc_end0:
.L_simem_size_0:
called_computation_lowered:
.L_overlay_start_0:
0x88: {  	s2 =	sld [smem:$0x3FD9]  }
0x89: {  	s3 =	sld [smem:$0x3FFE];
	_ =	sdelay $0x1  }
0x8a: {  	s1 =	srdreg.scid  }
0x8b: {  	s0 =	sand.u32 $0x1, s1  }
0x8c: {  	s17 =	sshll.u32 s0, $0xA;
	s2 =	sadd.s32 s3, s2  }
0x8d: {  	s2 =	sadd.s32 s2, s17  }
0x8e: {  	[smem:$0x3FC2] =	sst s2  }
0x8f: {  	_ = 	snop  }
0x90: {  	s2 =	sld [smem:$0x3FD0];
	(tm) =	ssettm $0x1  }
0x91: {  	s18 =	sld [smem:$0x3FFB];
	_ =	sdelay $0x3  }
0x92: {  	_ =	strace s18  }
0x93: {  	s3 =	sld [smem:$0x3FFC];
	_ =	sdelay $0x3  }
0x94: {  	_ =	strace s3  }
0x95: {  	s3 =	sld [smem:$0x3FFD];
	_ =	sdelay $0x3  }
0x96: {  	_ =	strace s3  }
0x97: {  	_ =	strace $0x8FFFFFFF  }
0x98: {  	s19 =	sld [smem:$0x3FDB];
	_ =	sdelay $0x1  }
0x99: {  	s4 =	simm.s32 $_scs_section_size  }
0x9a: {  	s5 =	simm.s32 $_size__tile_overlayer_lowered;
	s6 =	simm.s32 $_tile_overlayer_lowered  }
0x9b: {  	s22 =	simm.s32 $0x1BFF;
	s21 =	sshll.u32 s6, $0x1;
	s3 =	sadd.s32 s4, s19  }
0x9c: {  	s7 =	simm.s32 $0x0;
	s20 =	sshll.u32 s5, $0x1;
	s5 =	sadd.s32 s21, s3  }
0x9d: {  	[timem:s7], [sflag:s22] =	dma.local [hbm:s5], s20  }
0x9e: {  	_ =	swait.ge [sflag:s22], s20  }
0x9f: {  	s4 =	ssub.s32 $0x0, s20;
	[sflag:s22] =	ssyncset.done $0x0  }
0xa0: {  	[sflag:s22] =	ssyncadd.s32 s4;
	_ =	sdelay $0x1  }
0xa1: {  	s23 =	simm.s32 $0x1B8B  }
0xa2: {  	_ =	swait.ge [sflag:s23], $0x1  }
0xa3: {  	[sflag:s23] =	ssyncset.done $0x0  }
0xa4: {  	s25 =	simm.s32 $0x1B8E;
	s24 =	sld [smem:$0x3FFE];
	[sflag:s23] =	ssyncadd.s32 $0xFFFFFFFF  }
0xa5: {  	s26 =	simm.s32 $execute0_lowered;
	[smem:$0x3FD2] =	sst s25  }
0xa6: {  	s5 =	sshll.u32 s26, $0x1;
	_ =	strace $0x80000046;
	[dreg:$0x1] =	wrdreg $0xFFFFFFFF  }
0xa7: {  	s28 =	simm.s32 $_size_execute0_lowered;
	s3 =	sadd.s32 s3, s5;
	[dreg:$0x0] =	wrdreg $0x0  }
0xa8: {  	s5 =	sshll.u32 s28, $0x1;
	[dreg:$0x2] =	wrdreg s3  }
0xa9: {  	[dreg:$0x3] =	wrdreg s5  }
0xaa: {  	[dreg:$0x4] =	wrdreg $0xC0  }
0xab: {  	_ =	task [dreg:s7], $0x5FFFF  }
0xac: {  	[dreg:$0x1] =	wrdreg $0xFFFFFFFF  }
0xad: {  	[dreg:$0x0] =	wrdreg $0x60  }
0xae: {  	[dreg:$0x2] =	wrdreg s24  }
0xaf: {  	[dreg:$0x3] =	wrdreg s2  }
0xb0: {  	[dreg:$0x4] =	wrdreg $0x9  }
0xb1: {  	_ =	task.clear_ibuf [dreg:s7], $0x5FFFF;
	_ =	strace $0x90000046  }
0xb2: {  	s29 =	simm.s32 $0x9;
	_ =	strace $0x80000048  }
0xb3: {  	_ =	swait.ge [sflag:s29], $0x1  }
0xb4: {  	[sflag:s29] =	ssyncadd.s32 $0xFFFFFFFF  }
0xb5: {  	_ =	strace $0x90000048  }
0xb6: {  	_ =	sfence  }
0xb7: {  	s30 =	sld [smem:$0x0];
	_ =	sdelay $0x2  }
0xb8: {  	s31 =	sshll.u32 s1, $0xD;
	s1 =	sshrl.u32 s1, $0x2  }
0xb9: {  	s3 =	sand.u32 $0x4000, s31;
	s1 =	sadd.s32 s1, s30  }
0xba: {  	s0 =	sor.u32 s3, s0;
	s1 =	sshll.u32 s1, $0x11  }
0xbb: {  	s0 =	sor.u32 s1, s0  }
0xbc: {  	s0 =	sadd.s32 $0x8F2B, s0  }
0xbd: {  	[sflag:s0] =	ssyncadd.remote.s32 $0x1  }
0xbe: {  	_ =	sfence.sel $0xFFFF  }
0xbf: {  	[dreg:$0x0] =	wrdreg $0xFFFFFFFF;
	(pc) =	sbr.abs _section_cstart, $3  }
0xc0: {  	[dreg:$0x1] =	wrdreg $0xFFFFFFFF  }
0xc1: {  	_ =	task.clear_ibuf [dreg:s7], $0x2FFFF;
	_ =	strace $0x9FFFFFFF  }
0xc2: {  	(tm) =	ssettm $0x7FFFFFFF  }
0xc3: {  	_ =	shalt  }
tec
execute0_lowered:
.L_overlay_start_1:
0x0: {  	(tag) =	ssettag $0x1  }
0x1: {  	s3 =	rddreg [dreg:$0x0]  }
0x2: {  	s1 =	srdreg.scid;
	s0 =	stileid.u32  }
0x3: {  	s4 =	rddreg [dreg:$0x1];
	s5 =	sand.u32 $0x1, s1;
	s2 =	sshll.u32 s0, $0x1  }
0x4: {  	s1 =	rddreg [dreg:$0x2];
	s6 =	sor.u32 s5, s2  }
0x5: {  	s2 =	simm.s32 $0x0;
	s5 =	ssub.s32 $0x2, s5;
	s7 =	smul.u32 $0x500, s6  }
0x6: {  	[smem:$0x7FF] =	sst s2;
	s8 =	sshrl.u32 s5, $0x1;
	s6 =	smul.u32 $0x4F0, s6  }
0x7: {  	_ =	strace $0x80000047;
	s5 =	ssub.s32 s5, s8;
	s8 =	simm.s32 $0x0  }
0x8: {  	s3 =	sadd.s32 s7, s3;
	s4 =	sadd.s32 s4, s6;
	s5 =	smax.u32 s5, $0x1  }
0x9: {  	v0 =	vimm.f32 $0.0e+00;
	v1 =	vimm.f32 $1.000000000e+00;
	s6 =	simm.s32 $0x1;
	s7 =	simm.s32 $0x2800;
	s3 =	sadd.s32 $0x1A00, s3  }
.LBB2_1:
0xa: {  	[tilespmem:s2], [sflag:$0x1] =	stream.linear.gather [hbm4b:s3+s2], $0x2800, $0x38;
	[tilespmem:$0x4F80] =	vst v63  }
0xb: {  	_ =	swait.ge [sflag:s6], $0x2800  }
0xc: {  	[sflag:s6] =	ssyncset.done $0x0  }
0xd: {  	s9 =	simm.s32 $0x0;
	[sflag:s6] =	ssyncadd.s32 $0xFFFFD800  }
.LBB2_2:
0xe: {  	p0 =	sne.s32 s9, $0x9DC0  }
.Ltmp0:
0xf: {  	_ = 	snop;
	(pc) =	sbr.rel @p0 .LBB2_2-.Ltmp0, $3  }
0x10: {  	_ =	sdelay $0x1  }
0x11: {  	s10 =	sshra.s32 s9, $0x2  }
0x12: {  	s9 =	sadd.s32 $0x40, s9;
	[tilespmem:s10+$0x2800] =	vst v0  }
0x13: {  	s10 =	simm.s32 $0x0;
	s9 =	simm.s32 $0x40  }
.LBB2_4:
0x14: {  	p0 =	sne.s32 s9, $0x9FC0;
	v2 =	vld [tilespmem:s10+$0x0];
	_ =	sdelay $0x3  }
.Ltmp1:
0x15: {  	(pc) =	sbr.rel @p0 .LBB2_4-.Ltmp1, $2  }
0x16: {  	_ =	sdelay $0x2  }
0x17: {  	s10 =	sshra.s32 s9, $0x2;
	s9 =	sadd.s32 $0x40, s9;
	[tilespmem:v2+s7+$0x0] =	vst.idx.add.f32.msk $0xffff, v1  }
0x18: {  	v2 =	vld [tilespmem:s10+$0x0];
	_ =	sdelay $0x5  }
0x19: {  	s8 =	sadd.s32 $0x1, s8  }
0x1a: {  	p0 =	sne.s32 s8, s5  }
.Ltmp2:
0x1b: {  	[tilespmem:v2+s7+$0x0] =	vst.idx.add.f32.msk $0xffff, v1;
	(pc) =	sbr.rel @p0 .LBB2_1-.Ltmp2, $4  }
0x1c: {  	[hbm4b:s4+s2] =	stream.linear.scatter [tilespmem:s7], [sflag:$0x1], $0x2780, $0x38;
	[tilespmem:$0x4F80] =	vst v63  }
0x1d: {  	_ =	swait.ge [sflag:s6], $0x2780  }
0x1e: {  	[sflag:s6] =	ssyncset.done $0x0  }
0x1f: {  	[sflag:s6] =	ssyncadd.s32 $0xFFFFD880  }
0x20: {  	_ =	sfence.sel $0x180000  }
0x21: {  	[bflag:$0x0] =	sbarrier.arrive $0xFFFF  }
0x22: {  	p0 =	sne.s32 s0, $0x0;
	_ =	strace $0x90000047  }
0x23: {  	s0 =	sadd.s32 @!p0 $0x100000, s1;
	[bflag:$0x2] =	sbarrier.arrive $0xFFFF  }
0x24: {  	[sflag:s0] =	ssyncadd.tile.s32 @!p0 $0x1;
	_ =	shalt  }
.Lfunc_end2:
_tile_overlayer_lowered:
.L_overlay_start_2:
0x25: {  	(tag) =	ssettag $0x2  }
0x26: {  	s0 =	rddreg [dreg:$0x0];
	s2 =	stileid.u32  }
0x27: {  	s1 =	rddreg [dreg:$0x1];
	p0 =	sne.s32 s2, $0x0  }
0x28: {  	s3 =	rddreg [dreg:$0x2];
	[bflag:$0x3] =	sbarrier.arrive $0xFFFF;
	s2 =	simm.s32 @!p0 $0x1C01  }
0x29: {  	[timem:s3], [sflag:s2] =	dma.local @!p0 [hbm:s0], s1  }
0x2a: {  	s0 =	simm.s32 @!p0 $0x1  }
0x2b: {  	_ =	swait.ge @!p0 [sflag:s0], s1  }
0x2c: {  	s1 =	ssub.s32 @!p0 $0x0, s1;
	[sflag:s0] =	ssyncset.done @!p0 $0x0  }
0x2d: {  	[sflag:s0] =	ssyncadd.s32 @!p0 s1  }
0x2e: {  	[bflag:$0x3] =	sbarrier.arrive $0xFFFF  }
0x2f: {  	_ =	shalt  }

</sc_bundles>
